<compile_context>
chip_gen: v7x
topology: tpu7x:2x2x1
jax: 0.10.2.dev20260603
libtpu: 0.0.44.dev20260713+nightly
codegen_flags: <defaults>
</compile_context>

<pallas_src>
import functools
import math

import jax
import jax.numpy as jnp
from jax import lax
from jax.experimental import pallas as pl
from jax.experimental.pallas import tpu as pltpu
from jax.experimental.pallas import tpu_sc as plsc

D_MODEL = 768
SCALE = math.sqrt(D_MODEL)

NUM_CORES = 2
NUM_SUBCORES = 16
NW = NUM_CORES * NUM_SUBCORES
ROWS = 4
COLS = 4096
BATCH = ROWS * COLS
BPW = BATCH // NW
WPR = COLS // BPW
CHUNK = 32
NCHUNK = BPW // CHUNK
NBUF = 4
NRING = NCHUNK // NBUF
LANES = 16

_mesh = plsc.VectorSubcoreMesh(core_axis_name="c", subcore_axis_name="s")


@functools.partial(
    pl.kernel,
    mesh=_mesh,
    out_type=jax.ShapeDtypeStruct((ROWS, COLS, D_MODEL), jnp.float32),
    scratch_types=[
        pltpu.VMEM((BPW,), jnp.int32),
        *[pltpu.VMEM((CHUNK, D_MODEL), jnp.float32) for _ in range(NBUF)],
        *[pltpu.SemaphoreType.DMA for _ in range(2 * NBUF)],
    ],
)
def _emb_lookup(idx_hbm, table_hbm, out_hbm, idx_v, *bufs_and_sems):
    bufs = bufs_and_sems[:NBUF]
    gsems = bufs_and_sems[NBUF:2 * NBUF]
    ssems = bufs_and_sems[2 * NBUF:]
    wid = lax.axis_index("s") * NUM_CORES + lax.axis_index("c")
    row = wid // WPR
    col0 = (wid % WPR) * BPW
    pltpu.sync_copy(idx_hbm.at[row, pl.ds(col0, BPW)], idx_v)

    def gather_desc(g, b):
        return pltpu.make_async_copy(
            table_hbm.at[idx_v.at[pl.ds(g * CHUNK, CHUNK)]],
            bufs[b], gsems[b])

    def store_desc(g, b):
        return pltpu.make_async_copy(
            bufs[b], out_hbm.at[row, pl.ds(col0 + g * CHUNK, CHUNK)],
            ssems[b])

    def scale(buf):
        @plsc.parallel_loop(0, CHUNK, step=1, unroll=1)
        def _row(r):
            def inner(t, c):
                for u in range(8):
                    sl = pl.ds(t * (8 * LANES) + u * LANES, LANES)
                    buf[r, sl] = buf[r, sl] * SCALE
                return c
            lax.fori_loop(0, D_MODEL // (8 * LANES), inner, 0)

    for g in range(NBUF):
        gather_desc(g, g).start()

    def ring(t, carry):
        for b in range(NBUF):
            g = t * NBUF + b
            pg = g + NBUF - 1
            pb = (b - 1) % NBUF

            @pl.when(jnp.logical_and(g >= 1, pg < NCHUNK))
            def _():
                store_desc(g - 1, pb).wait()
                gather_desc(pg, pb).start()

            gather_desc(g, b).wait()
            scale(bufs[b])
            store_desc(g, b).start()
        return carry

    lax.fori_loop(0, NRING, ring, 0)
    for g in range(NCHUNK - NBUF + 1, NCHUNK):
        store_desc(g, g % NBUF).wait()


def kernel(x, table):
    return _emb_lookup(x.astype(jnp.int32), table)

# --- scband reference (transcript-rebuilt; emitter-appended) ---
"""Pipeline reference for scband-inputembeddings-43499428774102 (READ-ONLY COPY).

The authoritative reference and input builder live on the scoring server;
editing this copy changes nothing except your own understanding.
"""

import jax, jax.numpy as jnp
import numpy as np
import math

VOCAB = 100000
D_MODEL = 768

def setup_inputs(seed: int = 0) -> dict:
    key = jax.random.key(seed)
    k1, k2 = jax.random.split(key)
    x = jax.random.randint(k1, (4, 4096), 0, VOCAB, dtype=jnp.int64 if jax.config.jax_enable_x64 else jnp.int32)
    table = jax.random.normal(k2, (VOCAB, D_MODEL), dtype=jnp.float32)
    return {"x": x, "table": table}

def reference(x, table):
    # nn.Embedding lookup followed by scaling by sqrt(d_model)
    emb = jnp.take(table, x, axis=0)
    return emb * math.sqrt(D_MODEL)

if __name__ == "__main__":
    import jax
    _d = setup_inputs()
    print(jax.jit(kernel)(*tuple(_d.values())))

</pallas_src>

<mosaic_0001>
#map = affine_map<(d0, d1) -> (0, 0)>
#map1 = affine_map<(d0, d1) -> (0, 0, 0)>
module attributes {stable_mosaic.version = 14 : i64} {
  func.func @_emb_lookup(%arg0: i32, %arg1: i32, %arg2: memref<4x4096xi32, #tpu.memory_space<hbm>>, %arg3: memref<100000x768xf32, #tpu.memory_space<hbm>>, %arg4: memref<4x4096x768xf32, #tpu.memory_space<hbm>>, %arg5: memref<512xi32, #tpu.memory_space<vmem>>, %arg6: memref<32x768xf32, #tpu.memory_space<vmem>>, %arg7: memref<32x768xf32, #tpu.memory_space<vmem>>, %arg8: memref<32x768xf32, #tpu.memory_space<vmem>>, %arg9: memref<32x768xf32, #tpu.memory_space<vmem>>, %arg10: memref<!tpu.dma_semaphore, #tpu.memory_space<semaphore_mem>>, %arg11: memref<!tpu.dma_semaphore, #tpu.memory_space<semaphore_mem>>, %arg12: memref<!tpu.dma_semaphore, #tpu.memory_space<semaphore_mem>>, %arg13: memref<!tpu.dma_semaphore, #tpu.memory_space<semaphore_mem>>, %arg14: memref<!tpu.dma_semaphore, #tpu.memory_space<semaphore_mem>>, %arg15: memref<!tpu.dma_semaphore, #tpu.memory_space<semaphore_mem>>, %arg16: memref<!tpu.dma_semaphore, #tpu.memory_space<semaphore_mem>>, %arg17: memref<!tpu.dma_semaphore, #tpu.memory_space<semaphore_mem>>) attributes {dimension_semantics = [#tpu.dimension_semantics<core_parallel>, #tpu.dimension_semantics<subcore_parallel>], iteration_bounds = array<i64: 2, 16>, scalar_prefetch = 0 : i64, scratch_operands = 13 : i64, tpu.core_type = #tpu.core_type<sc_vector_subcore>, window_params = [{transform_indices = #map}, {transform_indices = #map}, {transform_indices = #map1}]} {
    %mul3A = arith.constant 2 : i32
    %mul3A_0 = arith.muli %arg1, %mul3A : i32
    %add3A = arith.addi %mul3A_0, %arg0 : i32
    %jit3A = arith.constant 8 : i32
    %div3A = arith.divsi %add3A, %jit3A : i32
    %sign3A = arith.constant 0 : i32
    %sign3A_1 = arith.cmpi sgt, %add3A, %sign3A : i32
    %sign3A_2 = arith.extui %sign3A_1 : i1 to i32
    %sign3A_3 = arith.constant 0 : i32
    %sign3A_4 = arith.cmpi slt, %add3A, %sign3A_3 : i32
    %sign3A_5 = arith.extui %sign3A_4 : i1 to i32
    %sign3A_6 = arith.subi %sign3A_2, %sign3A_5 : i32
    %sign3A_7 = arith.constant 0 : i32
    %sign3A_8 = arith.cmpi sgt, %jit3A, %sign3A_7 : i32
    %sign3A_9 = arith.extui %sign3A_8 : i1 to i32
    %sign3A_10 = arith.constant 0 : i32
    %sign3A_11 = arith.cmpi slt, %jit3A, %sign3A_10 : i32
    %sign3A_12 = arith.extui %sign3A_11 : i1 to i32
    %sign3A_13 = arith.subi %sign3A_9, %sign3A_12 : i32
    %ne3A = arith.cmpi ne, %sign3A_6, %sign3A_13 : i32
    %rem3A = arith.remsi %add3A, %jit3A : i32
    %ne3A_14 = arith.constant 0 : i32
    %ne3A_15 = arith.cmpi ne, %rem3A, %ne3A_14 : i32
    %and3A = arith.andi %ne3A, %ne3A_15 : i1
    %sub3A = arith.constant 1 : i32
    %sub3A_16 = arith.subi %div3A, %sub3A : i32
    %select_n3A = arith.select %and3A, %sub3A_16, %div3A : i32
    %jit3A_17 = arith.constant 8 : i32
    %eq3A = arith.constant 0 : i32
    %eq3A_18 = arith.cmpi eq, %jit3A_17, %eq3A : i32
    %jit3A_19 = arith.constant 1 : i32
    %select_n3A_20 = arith.select %eq3A_18, %jit3A_19, %jit3A_17 : i32
    %rem3A_21 = arith.remsi %add3A, %select_n3A_20 : i32
    %ne3A_22 = arith.constant 0 : i32
    %ne3A_23 = arith.cmpi ne, %rem3A_21, %ne3A_22 : i32
    %lt3A = arith.constant 0 : i32
    %lt3A_24 = arith.cmpi slt, %rem3A_21, %lt3A : i32
    %lt3A_25 = arith.constant 0 : i32
    %lt3A_26 = arith.cmpi slt, %select_n3A_20, %lt3A_25 : i32
    %ne3A_27 = arith.xori %lt3A_24, %lt3A_26 : i1
    %and3A_28 = arith.andi %ne3A_27, %ne3A_23 : i1
    %add3A_29 = arith.addi %rem3A_21, %select_n3A_20 : i32
    %select_n3A_30 = arith.select %and3A_28, %add3A_29, %rem3A_21 : i32
    %mul3A_31 = arith.constant 512 : i32
    %mul3A_32 = arith.muli %select_n3A_30, %mul3A_31 : i32
    "tpu.region"() ({
      %run_scoped3A = tpu.sem_alloc : memref<!tpu.dma_semaphore, #tpu.memory_space<semaphore_mem>>
      %dma_start3A_80 = tpu.memref_slice %arg2[%select_n3A, %mul3A_32] : memref<4x4096xi32, #tpu.memory_space<hbm>> -> memref<1x512xi32, #tpu.memory_space<hbm>>
      %dma_start3A_81 = tpu.memref_squeeze %dma_start3A_80 : memref<1x512xi32, #tpu.memory_space<hbm>> -> memref<512xi32, #tpu.memory_space<hbm>>
      %dma_start3A_82 = tpu.memref_slice %arg2[%select_n3A, %mul3A_32] : memref<4x4096xi32, #tpu.memory_space<hbm>> -> memref<1x512xi32, #tpu.memory_space<hbm>>
      %dma_start3A_83 = tpu.memref_squeeze %dma_start3A_82 : memref<1x512xi32, #tpu.memory_space<hbm>> -> memref<512xi32, #tpu.memory_space<hbm>>
      tpu.enqueue_dma source(%dma_start3A_83 : memref<512xi32, #tpu.memory_space<hbm>>) target(%arg5 : memref<512xi32, #tpu.memory_space<vmem>>) target_semaphore(%run_scoped3A : memref<!tpu.dma_semaphore, #tpu.memory_space<semaphore_mem>>)
      %dma_wait3A_84 = tpu.memref_slice %arg2[%select_n3A, %mul3A_32] : memref<4x4096xi32, #tpu.memory_space<hbm>> -> memref<1x512xi32, #tpu.memory_space<hbm>>
      %dma_wait3A_85 = tpu.memref_squeeze %dma_wait3A_84 : memref<1x512xi32, #tpu.memory_space<hbm>> -> memref<512xi32, #tpu.memory_space<hbm>>
      %dma_wait3A_86 = tpu.memref_slice %arg2[%select_n3A, %mul3A_32] : memref<4x4096xi32, #tpu.memory_space<hbm>> -> memref<1x512xi32, #tpu.memory_space<hbm>>
      %dma_wait3A_87 = tpu.memref_squeeze %dma_wait3A_86 : memref<1x512xi32, #tpu.memory_space<hbm>> -> memref<512xi32, #tpu.memory_space<hbm>>
      tpu.wait_dma2 semaphore(%run_scoped3A : memref<!tpu.dma_semaphore, #tpu.memory_space<semaphore_mem>>) src(%dma_wait3A_87 : memref<512xi32, #tpu.memory_space<hbm>>) dst(%arg5 : memref<512xi32, #tpu.memory_space<vmem>>)
      tpu.yield
    }) : () -> ()
    %dma_start3A = arith.constant 0 : i32
    %dma_start3A_33 = tpu.memref_slice %arg5[%dma_start3A] : memref<512xi32, #tpu.memory_space<vmem>> -> memref<32xi32, #tpu.memory_space<vmem>>
    %dma_start3A_34 = arith.constant 0 : i32
    %dma_start3A_35 = arith.constant 0 : i32
    %dma_start3A_36 = tpu.memref_slice %arg3[%dma_start3A_34, %dma_start3A_35] : memref<100000x768xf32, #tpu.memory_space<hbm>> -> memref<100000x768xf32, #tpu.memory_space<hbm>>
    tpu.enqueue_indirect_dma source(%dma_start3A_36 : memref<100000x768xf32, #tpu.memory_space<hbm>>) target(%arg6 : memref<32x768xf32, #tpu.memory_space<vmem>>) offsets(%dma_start3A_33 : memref<32xi32, #tpu.memory_space<vmem>>) semaphore(%arg10 : memref<!tpu.dma_semaphore, #tpu.memory_space<semaphore_mem>>)
    %dma_start3A_37 = arith.constant 32 : i32
    %dma_start3A_38 = tpu.memref_slice %arg5[%dma_start3A_37] : memref<512xi32, #tpu.memory_space<vmem>> -> memref<32xi32, #tpu.memory_space<vmem>>
    %dma_start3A_39 = arith.constant 0 : i32
    %dma_start3A_40 = arith.constant 0 : i32
    %dma_start3A_41 = tpu.memref_slice %arg3[%dma_start3A_39, %dma_start3A_40] : memref<100000x768xf32, #tpu.memory_space<hbm>> -> memref<100000x768xf32, #tpu.memory_space<hbm>>
    tpu.enqueue_indirect_dma source(%dma_start3A_41 : memref<100000x768xf32, #tpu.memory_space<hbm>>) target(%arg7 : memref<32x768xf32, #tpu.memory_space<vmem>>) offsets(%dma_start3A_38 : memref<32xi32, #tpu.memory_space<vmem>>) semaphore(%arg11 : memref<!tpu.dma_semaphore, #tpu.memory_space<semaphore_mem>>)
    %dma_start3A_42 = arith.constant 64 : i32
    %dma_start3A_43 = tpu.memref_slice %arg5[%dma_start3A_42] : memref<512xi32, #tpu.memory_space<vmem>> -> memref<32xi32, #tpu.memory_space<vmem>>
    %dma_start3A_44 = arith.constant 0 : i32
    %dma_start3A_45 = arith.constant 0 : i32
    %dma_start3A_46 = tpu.memref_slice %arg3[%dma_start3A_44, %dma_start3A_45] : memref<100000x768xf32, #tpu.memory_space<hbm>> -> memref<100000x768xf32, #tpu.memory_space<hbm>>
    tpu.enqueue_indirect_dma source(%dma_start3A_46 : memref<100000x768xf32, #tpu.memory_space<hbm>>) target(%arg8 : memref<32x768xf32, #tpu.memory_space<vmem>>) offsets(%dma_start3A_43 : memref<32xi32, #tpu.memory_space<vmem>>) semaphore(%arg12 : memref<!tpu.dma_semaphore, #tpu.memory_space<semaphore_mem>>)
    %dma_start3A_47 = arith.constant 96 : i32
    %dma_start3A_48 = tpu.memref_slice %arg5[%dma_start3A_47] : memref<512xi32, #tpu.memory_space<vmem>> -> memref<32xi32, #tpu.memory_space<vmem>>
    %dma_start3A_49 = arith.constant 0 : i32
    %dma_start3A_50 = arith.constant 0 : i32
    %dma_start3A_51 = tpu.memref_slice %arg3[%dma_start3A_49, %dma_start3A_50] : memref<100000x768xf32, #tpu.memory_space<hbm>> -> memref<100000x768xf32, #tpu.memory_space<hbm>>
    tpu.enqueue_indirect_dma source(%dma_start3A_51 : memref<100000x768xf32, #tpu.memory_space<hbm>>) target(%arg9 : memref<32x768xf32, #tpu.memory_space<vmem>>) offsets(%dma_start3A_48 : memref<32xi32, #tpu.memory_space<vmem>>) semaphore(%arg13 : memref<!tpu.dma_semaphore, #tpu.memory_space<semaphore_mem>>)
    %scan3A = arith.constant 0 : i32
    %scan3A_52 = arith.constant 0 : i32
    %scan3A_53 = arith.constant 4 : i32
    %scan3A_54 = arith.addi %scan3A_52, %scan3A_53 : i32
    %scan3A_55 = arith.constant 1 : i32
    scf.for %scan3A_80 = %scan3A_52 to %scan3A_54 step %scan3A_55  : i32 {
      %mul3A_81 = arith.constant 4 : i32
      %mul3A_82 = arith.muli %scan3A_80, %mul3A_81 : i32
      %add3A_83 = arith.constant 0 : i32
      %add3A_84 = arith.addi %mul3A_82, %add3A_83 : i32
      %add3A_85 = arith.constant 4 : i32
      %add3A_86 = arith.addi %add3A_84, %add3A_85 : i32
      %sub3A_87 = arith.constant 1 : i32
      %sub3A_88 = arith.subi %add3A_86, %sub3A_87 : i32
      %ge3A = arith.constant 1 : i32
      %ge3A_89 = arith.cmpi sge, %add3A_84, %ge3A : i32
      %lt3A_90 = arith.constant 16 : i32
      %lt3A_91 = arith.cmpi slt, %sub3A_88, %lt3A_90 : i32
      %and3A_92 = arith.andi %ge3A_89, %lt3A_91 : i1
      %convert_element_type3A = arith.extui %and3A_92 : i1 to i32
      %cond3A = arith.constant 0 : i32
      %cond3A_93 = arith.cmpi ne, %convert_element_type3A, %cond3A : i32
      scf.if %cond3A_93 {
        %sub3A_213 = arith.constant 1 : i32
        %sub3A_214 = arith.subi %add3A_84, %sub3A_213 : i32
        %mul3A_215 = arith.constant 32 : i32
        %mul3A_216 = arith.muli %sub3A_214, %mul3A_215 : i32
        %add3A_217 = arith.addi %mul3A_32, %mul3A_216 : i32
        %dma_wait3A_218 = arith.constant 0 : i32
        %dma_wait3A_219 = tpu.memref_slice %arg4[%select_n3A, %add3A_217, %dma_wait3A_218] : memref<4x4096x768xf32, #tpu.memory_space<hbm>> -> memref<1x32x768xf32, #tpu.memory_space<hbm>>
        %dma_wait3A_220 = tpu.memref_squeeze %dma_wait3A_219 : memref<1x32x768xf32, #tpu.memory_space<hbm>> -> memref<32x768xf32, #tpu.memory_space<hbm>>
        %dma_wait3A_221 = arith.constant 0 : i32
        %dma_wait3A_222 = tpu.memref_slice %arg4[%select_n3A, %add3A_217, %dma_wait3A_221] : memref<4x4096x768xf32, #tpu.memory_space<hbm>> -> memref<1x32x768xf32, #tpu.memory_space<hbm>>
        %dma_wait3A_223 = tpu.memref_squeeze %dma_wait3A_222 : memref<1x32x768xf32, #tpu.memory_space<hbm>> -> memref<32x768xf32, #tpu.memory_space<hbm>>
        tpu.wait_dma2 semaphore(%arg17 : memref<!tpu.dma_semaphore, #tpu.memory_space<semaphore_mem>>) src(%arg9 : memref<32x768xf32, #tpu.memory_space<vmem>>) dst(%dma_wait3A_223 : memref<32x768xf32, #tpu.memory_space<hbm>>)
        %mul3A_224 = arith.constant 32 : i32
        %mul3A_225 = arith.muli %sub3A_88, %mul3A_224 : i32
        %dma_start3A_226 = tpu.memref_slice %arg5[%mul3A_225] : memref<512xi32, #tpu.memory_space<vmem>> -> memref<32xi32, #tpu.memory_space<vmem>>
        %dma_start3A_227 = arith.constant 0 : i32
        %dma_start3A_228 = arith.constant 0 : i32
        %dma_start3A_229 = tpu.memref_slice %arg3[%dma_start3A_227, %dma_start3A_228] : memref<100000x768xf32, #tpu.memory_space<hbm>> -> memref<100000x768xf32, #tpu.memory_space<hbm>>
        tpu.enqueue_indirect_dma source(%dma_start3A_229 : memref<100000x768xf32, #tpu.memory_space<hbm>>) target(%arg9 : memref<32x768xf32, #tpu.memory_space<vmem>>) offsets(%dma_start3A_226 : memref<32xi32, #tpu.memory_space<vmem>>) semaphore(%arg13 : memref<!tpu.dma_semaphore, #tpu.memory_space<semaphore_mem>>)
      } else {
      }
      %mul3A_94 = arith.constant 32 : i32
      %mul3A_95 = arith.muli %add3A_84, %mul3A_94 : i32
      %dma_wait3A_96 = tpu.memref_slice %arg5[%mul3A_95] : memref<512xi32, #tpu.memory_space<vmem>> -> memref<32xi32, #tpu.memory_space<vmem>>
      %dma_wait3A_97 = arith.constant 0 : i32
      %dma_wait3A_98 = arith.constant 0 : i32
      %dma_wait3A_99 = tpu.memref_slice %arg3[%dma_wait3A_97, %dma_wait3A_98] : memref<100000x768xf32, #tpu.memory_space<hbm>> -> memref<100000x768xf32, #tpu.memory_space<hbm>>
      tpu.wait_indirect_dma semaphore(%arg10 : memref<!tpu.dma_semaphore, #tpu.memory_space<semaphore_mem>>) src(%dma_wait3A_99 : memref<100000x768xf32, #tpu.memory_space<hbm>>) dst(%arg6 : memref<32x768xf32, #tpu.memory_space<vmem>>)
      %parallel_loop3A = arith.constant 0 : i32
      %parallel_loop3A_100 = arith.constant 32 : i32
      %parallel_loop3A_101 = arith.constant 1 : i32
      scf.for %parallel_loop3A_213 = %parallel_loop3A to %parallel_loop3A_100 step %parallel_loop3A_101  : i32 {
        %parallel_loop3A_214 = arith.constant 0 : i32
        %parallel_loop3A_215 = arith.constant 0 : i32
        %parallel_loop3A_216 = arith.constant 6 : i32
        %parallel_loop3A_217 = arith.addi %parallel_loop3A_215, %parallel_loop3A_216 : i32
        %parallel_loop3A_218 = arith.constant 1 : i32
        scf.for %scan3A_220 = %parallel_loop3A_215 to %parallel_loop3A_217 step %parallel_loop3A_218  : i32 {
          %parallel_loop3A_221 = arith.constant 128 : i32
          %parallel_loop3A_222 = arith.muli %scan3A_220, %parallel_loop3A_221 : i32
          %parallel_loop3A_223 = arith.constant 0 : i32
          %parallel_loop3A_224 = arith.addi %parallel_loop3A_222, %parallel_loop3A_223 : i32
          %parallel_loop3A_225 = arith.index_cast %parallel_loop3A_213 : i32 to index
          %parallel_loop3A_226 = arith.index_cast %parallel_loop3A_224 : i32 to index
          %parallel_loop3A_227 = tpu.vector_load %arg6[%parallel_loop3A_225, %parallel_loop3A_226] {strides = array<i32>} : memref<32x768xf32, #tpu.memory_space<vmem>>, vector<1x16xf32>,
          %parallel_loop3A_228 = vector.shape_cast %parallel_loop3A_227 : vector<1x16xf32> to vector<16xf32>
          %parallel_loop3A_229 = arith.constant 27.7128124 : f32
          %parallel_loop3A_230 = vector.broadcast %parallel_loop3A_229 : f32 to vector<16xf32>
          %parallel_loop3A_231 = arith.mulf %parallel_loop3A_228, %parallel_loop3A_230 : vector<16xf32>
          %parallel_loop3A_232 = arith.index_cast %parallel_loop3A_213 : i32 to index
          %parallel_loop3A_233 = arith.index_cast %parallel_loop3A_224 : i32 to index
          %parallel_loop3A_234 = tpu.vector_load %arg6[%parallel_loop3A_232, %parallel_loop3A_233] {strides = array<i32>} : memref<32x768xf32, #tpu.memory_space<vmem>>, vector<1x16xf32>,
          %parallel_loop3A_235 = vector.shape_cast %parallel_loop3A_234 : vector<1x16xf32> to vector<16xf32>
          %parallel_loop3A_236 = vector.shape_cast %parallel_loop3A_231 : vector<16xf32> to vector<1x16xf32>
          tpu.vector_store %arg6[%parallel_loop3A_232, %parallel_loop3A_233], %parallel_loop3A_236 {strides = array<i32>} : memref<32x768xf32, #tpu.memory_space<vmem>>, vector<1x16xf32>,
          %parallel_loop3A_237 = arith.constant 128 : i32
          %parallel_loop3A_238 = arith.muli %scan3A_220, %parallel_loop3A_237 : i32
          %parallel_loop3A_239 = arith.constant 16 : i32
          %parallel_loop3A_240 = arith.addi %parallel_loop3A_238, %parallel_loop3A_239 : i32
          %parallel_loop3A_241 = arith.index_cast %parallel_loop3A_213 : i32 to index
          %parallel_loop3A_242 = arith.index_cast %parallel_loop3A_240 : i32 to index
          %parallel_loop3A_243 = tpu.vector_load %arg6[%parallel_loop3A_241, %parallel_loop3A_242] {strides = array<i32>} : memref<32x768xf32, #tpu.memory_space<vmem>>, vector<1x16xf32>,
          %parallel_loop3A_244 = vector.shape_cast %parallel_loop3A_243 : vector<1x16xf32> to vector<16xf32>
          %parallel_loop3A_245 = arith.constant 27.7128124 : f32
          %parallel_loop3A_246 = vector.broadcast %parallel_loop3A_245 : f32 to vector<16xf32>
          %parallel_loop3A_247 = arith.mulf %parallel_loop3A_244, %parallel_loop3A_246 : vector<16xf32>
          %parallel_loop3A_248 = arith.index_cast %parallel_loop3A_213 : i32 to index
          %parallel_loop3A_249 = arith.index_cast %parallel_loop3A_240 : i32 to index
          %parallel_loop3A_250 = tpu.vector_load %arg6[%parallel_loop3A_248, %parallel_loop3A_249] {strides = array<i32>} : memref<32x768xf32, #tpu.memory_space<vmem>>, vector<1x16xf32>,
          %parallel_loop3A_251 = vector.shape_cast %parallel_loop3A_250 : vector<1x16xf32> to vector<16xf32>
          %parallel_loop3A_252 = vector.shape_cast %parallel_loop3A_247 : vector<16xf32> to vector<1x16xf32>
          tpu.vector_store %arg6[%parallel_loop3A_248, %parallel_loop3A_249], %parallel_loop3A_252 {strides = array<i32>} : memref<32x768xf32, #tpu.memory_space<vmem>>, vector<1x16xf32>,
          %parallel_loop3A_253 = arith.constant 128 : i32
          %parallel_loop3A_254 = arith.muli %scan3A_220, %parallel_loop3A_253 : i32
          %parallel_loop3A_255 = arith.constant 32 : i32
          %parallel_loop3A_256 = arith.addi %parallel_loop3A_254, %parallel_loop3A_255 : i32
          %parallel_loop3A_257 = arith.index_cast %parallel_loop3A_213 : i32 to index
          %parallel_loop3A_258 = arith.index_cast %parallel_loop3A_256 : i32 to index
          %parallel_loop3A_259 = tpu.vector_load %arg6[%parallel_loop3A_257, %parallel_loop3A_258] {strides = array<i32>} : memref<32x768xf32, #tpu.memory_space<vmem>>, vector<1x16xf32>,
          %parallel_loop3A_260 = vector.shape_cast %parallel_loop3A_259 : vector<1x16xf32> to vector<16xf32>
          %parallel_loop3A_261 = arith.constant 27.7128124 : f32
          %parallel_loop3A_262 = vector.broadcast %parallel_loop3A_261 : f32 to vector<16xf32>
          %parallel_loop3A_263 = arith.mulf %parallel_loop3A_260, %parallel_loop3A_262 : vector<16xf32>
          %parallel_loop3A_264 = arith.index_cast %parallel_loop3A_213 : i32 to index
          %parallel_loop3A_265 = arith.index_cast %parallel_loop3A_256 : i32 to index
          %parallel_loop3A_266 = tpu.vector_load %arg6[%parallel_loop3A_264, %parallel_loop3A_265] {strides = array<i32>} : memref<32x768xf32, #tpu.memory_space<vmem>>, vector<1x16xf32>,
          %parallel_loop3A_267 = vector.shape_cast %parallel_loop3A_266 : vector<1x16xf32> to vector<16xf32>
          %parallel_loop3A_268 = vector.shape_cast %parallel_loop3A_263 : vector<16xf32> to vector<1x16xf32>
          tpu.vector_store %arg6[%parallel_loop3A_264, %parallel_loop3A_265], %parallel_loop3A_268 {strides = array<i32>} : memref<32x768xf32, #tpu.memory_space<vmem>>, vector<1x16xf32>,
          %parallel_loop3A_269 = arith.constant 128 : i32
          %parallel_loop3A_270 = arith.muli %scan3A_220, %parallel_loop3A_269 : i32
          %parallel_loop3A_271 = arith.constant 48 : i32
          %parallel_loop3A_272 = arith.addi %parallel_loop3A_270, %parallel_loop3A_271 : i32
          %parallel_loop3A_273 = arith.index_cast %parallel_loop3A_213 : i32 to index
          %parallel_loop3A_274 = arith.index_cast %parallel_loop3A_272 : i32 to index
          %parallel_loop3A_275 = tpu.vector_load %arg6[%parallel_loop3A_273, %parallel_loop3A_274] {strides = array<i32>} : memref<32x768xf32, #tpu.memory_space<vmem>>, vector<1x16xf32>,
          %parallel_loop3A_276 = vector.shape_cast %parallel_loop3A_275 : vector<1x16xf32> to vector<16xf32>
          %parallel_loop3A_277 = arith.constant 27.7128124 : f32
          %parallel_loop3A_278 = vector.broadcast %parallel_loop3A_277 : f32 to vector<16xf32>
          %parallel_loop3A_279 = arith.mulf %parallel_loop3A_276, %parallel_loop3A_278 : vector<16xf32>
          %parallel_loop3A_280 = arith.index_cast %parallel_loop3A_213 : i32 to index
          %parallel_loop3A_281 = arith.index_cast %parallel_loop3A_272 : i32 to index
          %parallel_loop3A_282 = tpu.vector_load %arg6[%parallel_loop3A_280, %parallel_loop3A_281] {strides = array<i32>} : memref<32x768xf32, #tpu.memory_space<vmem>>, vector<1x16xf32>,
          %parallel_loop3A_283 = vector.shape_cast %parallel_loop3A_282 : vector<1x16xf32> to vector<16xf32>
          %parallel_loop3A_284 = vector.shape_cast %parallel_loop3A_279 : vector<16xf32> to vector<1x16xf32>
          tpu.vector_store %arg6[%parallel_loop3A_280, %parallel_loop3A_281], %parallel_loop3A_284 {strides = array<i32>} : memref<32x768xf32, #tpu.memory_space<vmem>>, vector<1x16xf32>,
          %parallel_loop3A_285 = arith.constant 128 : i32
          %parallel_loop3A_286 = arith.muli %scan3A_220, %parallel_loop3A_285 : i32
          %parallel_loop3A_287 = arith.constant 64 : i32
          %parallel_loop3A_288 = arith.addi %parallel_loop3A_286, %parallel_loop3A_287 : i32
          %parallel_loop3A_289 = arith.index_cast %parallel_loop3A_213 : i32 to index
          %parallel_loop3A_290 = arith.index_cast %parallel_loop3A_288 : i32 to index
          %parallel_loop3A_291 = tpu.vector_load %arg6[%parallel_loop3A_289, %parallel_loop3A_290] {strides = array<i32>} : memref<32x768xf32, #tpu.memory_space<vmem>>, vector<1x16xf32>,
          %parallel_loop3A_292 = vector.shape_cast %parallel_loop3A_291 : vector<1x16xf32> to vector<16xf32>
          %parallel_loop3A_293 = arith.constant 27.7128124 : f32
          %parallel_loop3A_294 = vector.broadcast %parallel_loop3A_293 : f32 to vector<16xf32>
          %parallel_loop3A_295 = arith.mulf %parallel_loop3A_292, %parallel_loop3A_294 : vector<16xf32>
          %parallel_loop3A_296 = arith.index_cast %parallel_loop3A_213 : i32 to index
          %parallel_loop3A_297 = arith.index_cast %parallel_loop3A_288 : i32 to index
          %parallel_loop3A_298 = tpu.vector_load %arg6[%parallel_loop3A_296, %parallel_loop3A_297] {strides = array<i32>} : memref<32x768xf32, #tpu.memory_space<vmem>>, vector<1x16xf32>,
          %parallel_loop3A_299 = vector.shape_cast %parallel_loop3A_298 : vector<1x16xf32> to vector<16xf32>
          %parallel_loop3A_300 = vector.shape_cast %parallel_loop3A_295 : vector<16xf32> to vector<1x16xf32>
          tpu.vector_store %arg6[%parallel_loop3A_296, %parallel_loop3A_297], %parallel_loop3A_300 {strides = array<i32>} : memref<32x768xf32, #tpu.memory_space<vmem>>, vector<1x16xf32>,
          %parallel_loop3A_301 = arith.constant 128 : i32
          %parallel_loop3A_302 = arith.muli %scan3A_220, %parallel_loop3A_301 : i32
          %parallel_loop3A_303 = arith.constant 80 : i32
          %parallel_loop3A_304 = arith.addi %parallel_loop3A_302, %parallel_loop3A_303 : i32
          %parallel_loop3A_305 = arith.index_cast %parallel_loop3A_213 : i32 to index
          %parallel_loop3A_306 = arith.index_cast %parallel_loop3A_304 : i32 to index
          %parallel_loop3A_307 = tpu.vector_load %arg6[%parallel_loop3A_305, %parallel_loop3A_306] {strides = array<i32>} : memref<32x768xf32, #tpu.memory_space<vmem>>, vector<1x16xf32>,
          %parallel_loop3A_308 = vector.shape_cast %parallel_loop3A_307 : vector<1x16xf32> to vector<16xf32>
          %parallel_loop3A_309 = arith.constant 27.7128124 : f32
          %parallel_loop3A_310 = vector.broadcast %parallel_loop3A_309 : f32 to vector<16xf32>
          %parallel_loop3A_311 = arith.mulf %parallel_loop3A_308, %parallel_loop3A_310 : vector<16xf32>
          %parallel_loop3A_312 = arith.index_cast %parallel_loop3A_213 : i32 to index
          %parallel_loop3A_313 = arith.index_cast %parallel_loop3A_304 : i32 to index
          %parallel_loop3A_314 = tpu.vector_load %arg6[%parallel_loop3A_312, %parallel_loop3A_313] {strides = array<i32>} : memref<32x768xf32, #tpu.memory_space<vmem>>, vector<1x16xf32>,
          %parallel_loop3A_315 = vector.shape_cast %parallel_loop3A_314 : vector<1x16xf32> to vector<16xf32>
          %parallel_loop3A_316 = vector.shape_cast %parallel_loop3A_311 : vector<16xf32> to vector<1x16xf32>
          tpu.vector_store %arg6[%parallel_loop3A_312, %parallel_loop3A_313], %parallel_loop3A_316 {strides = array<i32>} : memref<32x768xf32, #tpu.memory_space<vmem>>, vector<1x16xf32>,
          %parallel_loop3A_317 = arith.constant 128 : i32
          %parallel_loop3A_318 = arith.muli %scan3A_220, %parallel_loop3A_317 : i32
          %parallel_loop3A_319 = arith.constant 96 : i32
          %parallel_loop3A_320 = arith.addi %parallel_loop3A_318, %parallel_loop3A_319 : i32
          %parallel_loop3A_321 = arith.index_cast %parallel_loop3A_213 : i32 to index
          %parallel_loop3A_322 = arith.index_cast %parallel_loop3A_320 : i32 to index
          %parallel_loop3A_323 = tpu.vector_load %arg6[%parallel_loop3A_321, %parallel_loop3A_322] {strides = array<i32>} : memref<32x768xf32, #tpu.memory_space<vmem>>, vector<1x16xf32>,
          %parallel_loop3A_324 = vector.shape_cast %parallel_loop3A_323 : vector<1x16xf32> to vector<16xf32>
          %parallel_loop3A_325 = arith.constant 27.7128124 : f32
          %parallel_loop3A_326 = vector.broadcast %parallel_loop3A_325 : f32 to vector<16xf32>
          %parallel_loop3A_327 = arith.mulf %parallel_loop3A_324, %parallel_loop3A_326 : vector<16xf32>
          %parallel_loop3A_328 = arith.index_cast %parallel_loop3A_213 : i32 to index
          %parallel_loop3A_329 = arith.index_cast %parallel_loop3A_320 : i32 to index
          %parallel_loop3A_330 = tpu.vector_load %arg6[%parallel_loop3A_328, %parallel_loop3A_329] {strides = array<i32>} : memref<32x768xf32, #tpu.memory_space<vmem>>, vector<1x16xf32>,
          %parallel_loop3A_331 = vector.shape_cast %parallel_loop3A_330 : vector<1x16xf32> to vector<16xf32>
          %parallel_loop3A_332 = vector.shape_cast %parallel_loop3A_327 : vector<16xf32> to vector<1x16xf32>
          tpu.vector_store %arg6[%parallel_loop3A_328, %parallel_loop3A_329], %parallel_loop3A_332 {strides = array<i32>} : memref<32x768xf32, #tpu.memory_space<vmem>>, vector<1x16xf32>,
          %parallel_loop3A_333 = arith.constant 128 : i32
          %parallel_loop3A_334 = arith.muli %scan3A_220, %parallel_loop3A_333 : i32
          %parallel_loop3A_335 = arith.constant 112 : i32
          %parallel_loop3A_336 = arith.addi %parallel_loop3A_334, %parallel_loop3A_335 : i32
          %parallel_loop3A_337 = arith.index_cast %parallel_loop3A_213 : i32 to index
          %parallel_loop3A_338 = arith.index_cast %parallel_loop3A_336 : i32 to index
          %parallel_loop3A_339 = tpu.vector_load %arg6[%parallel_loop3A_337, %parallel_loop3A_338] {strides = array<i32>} : memref<32x768xf32, #tpu.memory_space<vmem>>, vector<1x16xf32>,
          %parallel_loop3A_340 = vector.shape_cast %parallel_loop3A_339 : vector<1x16xf32> to vector<16xf32>
          %parallel_loop3A_341 = arith.constant 27.7128124 : f32
          %parallel_loop3A_342 = vector.broadcast %parallel_loop3A_341 : f32 to vector<16xf32>
          %parallel_loop3A_343 = arith.mulf %parallel_loop3A_340, %parallel_loop3A_342 : vector<16xf32>
          %parallel_loop3A_344 = arith.index_cast %parallel_loop3A_213 : i32 to index
          %parallel_loop3A_345 = arith.index_cast %parallel_loop3A_336 : i32 to index
          %parallel_loop3A_346 = tpu.vector_load %arg6[%parallel_loop3A_344, %parallel_loop3A_345] {strides = array<i32>} : memref<32x768xf32, #tpu.memory_space<vmem>>, vector<1x16xf32>,
          %parallel_loop3A_347 = vector.shape_cast %parallel_loop3A_346 : vector<1x16xf32> to vector<16xf32>
          %parallel_loop3A_348 = vector.shape_cast %parallel_loop3A_343 : vector<16xf32> to vector<1x16xf32>
          tpu.vector_store %arg6[%parallel_loop3A_344, %parallel_loop3A_345], %parallel_loop3A_348 {strides = array<i32>} : memref<32x768xf32, #tpu.memory_space<vmem>>, vector<1x16xf32>,
        }
        %parallel_loop3A_219 = arith.constant 6 : i32
      } {sc.loop_unroll_factor = 1 : i64, sc.parallel_access}
      %mul3A_102 = arith.constant 32 : i32
      %mul3A_103 = arith.muli %add3A_84, %mul3A_102 : i32
      %add3A_104 = arith.addi %mul3A_32, %mul3A_103 : i32
      %dma_start3A_105 = arith.constant 0 : i32
      %dma_start3A_106 = tpu.memref_slice %arg4[%select_n3A, %add3A_104, %dma_start3A_105] : memref<4x4096x768xf32, #tpu.memory_space<hbm>> -> memref<1x32x768xf32, #tpu.memory_space<hbm>>
      %dma_start3A_107 = tpu.memref_squeeze %dma_start3A_106 : memref<1x32x768xf32, #tpu.memory_space<hbm>> -> memref<32x768xf32, #tpu.memory_space<hbm>>
      %dma_start3A_108 = arith.constant 0 : i32
      %dma_start3A_109 = tpu.memref_slice %arg4[%select_n3A, %add3A_104, %dma_start3A_108] : memref<4x4096x768xf32, #tpu.memory_space<hbm>> -> memref<1x32x768xf32, #tpu.memory_space<hbm>>
      %dma_start3A_110 = tpu.memref_squeeze %dma_start3A_109 : memref<1x32x768xf32, #tpu.memory_space<hbm>> -> memref<32x768xf32, #tpu.memory_space<hbm>>
      tpu.enqueue_dma source(%arg6 : memref<32x768xf32, #tpu.memory_space<vmem>>) target(%dma_start3A_110 : memref<32x768xf32, #tpu.memory_space<hbm>>) target_semaphore(%arg14 : memref<!tpu.dma_semaphore, #tpu.memory_space<semaphore_mem>>)
      %mul3A_111 = arith.constant 4 : i32
      %mul3A_112 = arith.muli %scan3A_80, %mul3A_111 : i32
      %add3A_113 = arith.constant 1 : i32
      %add3A_114 = arith.addi %mul3A_112, %add3A_113 : i32
      %add3A_115 = arith.constant 4 : i32
      %add3A_116 = arith.addi %add3A_114, %add3A_115 : i32
      %sub3A_117 = arith.constant 1 : i32
      %sub3A_118 = arith.subi %add3A_116, %sub3A_117 : i32
      %ge3A_119 = arith.constant 1 : i32
      %ge3A_120 = arith.cmpi sge, %add3A_114, %ge3A_119 : i32
      %lt3A_121 = arith.constant 16 : i32
      %lt3A_122 = arith.cmpi slt, %sub3A_118, %lt3A_121 : i32
      %and3A_123 = arith.andi %ge3A_120, %lt3A_122 : i1
      %convert_element_type3A_124 = arith.extui %and3A_123 : i1 to i32
      %cond3A_125 = arith.constant 0 : i32
      %cond3A_126 = arith.cmpi ne, %convert_element_type3A_124, %cond3A_125 : i32
      scf.if %cond3A_126 {
        %sub3A_213 = arith.constant 1 : i32
        %sub3A_214 = arith.subi %add3A_114, %sub3A_213 : i32
        %mul3A_215 = arith.constant 32 : i32
        %mul3A_216 = arith.muli %sub3A_214, %mul3A_215 : i32
        %add3A_217 = arith.addi %mul3A_32, %mul3A_216 : i32
        %dma_wait3A_218 = arith.constant 0 : i32
        %dma_wait3A_219 = tpu.memref_slice %arg4[%select_n3A, %add3A_217, %dma_wait3A_218] : memref<4x4096x768xf32, #tpu.memory_space<hbm>> -> memref<1x32x768xf32, #tpu.memory_space<hbm>>
        %dma_wait3A_220 = tpu.memref_squeeze %dma_wait3A_219 : memref<1x32x768xf32, #tpu.memory_space<hbm>> -> memref<32x768xf32, #tpu.memory_space<hbm>>
        %dma_wait3A_221 = arith.constant 0 : i32
        %dma_wait3A_222 = tpu.memref_slice %arg4[%select_n3A, %add3A_217, %dma_wait3A_221] : memref<4x4096x768xf32, #tpu.memory_space<hbm>> -> memref<1x32x768xf32, #tpu.memory_space<hbm>>
        %dma_wait3A_223 = tpu.memref_squeeze %dma_wait3A_222 : memref<1x32x768xf32, #tpu.memory_space<hbm>> -> memref<32x768xf32, #tpu.memory_space<hbm>>
        tpu.wait_dma2 semaphore(%arg14 : memref<!tpu.dma_semaphore, #tpu.memory_space<semaphore_mem>>) src(%arg6 : memref<32x768xf32, #tpu.memory_space<vmem>>) dst(%dma_wait3A_223 : memref<32x768xf32, #tpu.memory_space<hbm>>)
        %mul3A_224 = arith.constant 32 : i32
        %mul3A_225 = arith.muli %sub3A_118, %mul3A_224 : i32
        %dma_start3A_226 = tpu.memref_slice %arg5[%mul3A_225] : memref<512xi32, #tpu.memory_space<vmem>> -> memref<32xi32, #tpu.memory_space<vmem>>
        %dma_start3A_227 = arith.constant 0 : i32
        %dma_start3A_228 = arith.constant 0 : i32
        %dma_start3A_229 = tpu.memref_slice %arg3[%dma_start3A_227, %dma_start3A_228] : memref<100000x768xf32, #tpu.memory_space<hbm>> -> memref<100000x768xf32, #tpu.memory_space<hbm>>
        tpu.enqueue_indirect_dma source(%dma_start3A_229 : memref<100000x768xf32, #tpu.memory_space<hbm>>) target(%arg6 : memref<32x768xf32, #tpu.memory_space<vmem>>) offsets(%dma_start3A_226 : memref<32xi32, #tpu.memory_space<vmem>>) semaphore(%arg10 : memref<!tpu.dma_semaphore, #tpu.memory_space<semaphore_mem>>)
      } else {
      }
      %mul3A_127 = arith.constant 32 : i32
      %mul3A_128 = arith.muli %add3A_114, %mul3A_127 : i32
      %dma_wait3A_129 = tpu.memref_slice %arg5[%mul3A_128] : memref<512xi32, #tpu.memory_space<vmem>> -> memref<32xi32, #tpu.memory_space<vmem>>
      %dma_wait3A_130 = arith.constant 0 : i32
      %dma_wait3A_131 = arith.constant 0 : i32
      %dma_wait3A_132 = tpu.memref_slice %arg3[%dma_wait3A_130, %dma_wait3A_131] : memref<100000x768xf32, #tpu.memory_space<hbm>> -> memref<100000x768xf32, #tpu.memory_space<hbm>>
      tpu.wait_indirect_dma semaphore(%arg11 : memref<!tpu.dma_semaphore, #tpu.memory_space<semaphore_mem>>) src(%dma_wait3A_132 : memref<100000x768xf32, #tpu.memory_space<hbm>>) dst(%arg7 : memref<32x768xf32, #tpu.memory_space<vmem>>)
      %parallel_loop3A_133 = arith.constant 0 : i32
      %parallel_loop3A_134 = arith.constant 32 : i32
      %parallel_loop3A_135 = arith.constant 1 : i32
      scf.for %parallel_loop3A_213 = %parallel_loop3A_133 to %parallel_loop3A_134 step %parallel_loop3A_135  : i32 {
        %parallel_loop3A_214 = arith.constant 0 : i32
        %parallel_loop3A_215 = arith.constant 0 : i32
        %parallel_loop3A_216 = arith.constant 6 : i32
        %parallel_loop3A_217 = arith.addi %parallel_loop3A_215, %parallel_loop3A_216 : i32
        %parallel_loop3A_218 = arith.constant 1 : i32
        scf.for %scan3A_220 = %parallel_loop3A_215 to %parallel_loop3A_217 step %parallel_loop3A_218  : i32 {
          %parallel_loop3A_221 = arith.constant 128 : i32
          %parallel_loop3A_222 = arith.muli %scan3A_220, %parallel_loop3A_221 : i32
          %parallel_loop3A_223 = arith.constant 0 : i32
          %parallel_loop3A_224 = arith.addi %parallel_loop3A_222, %parallel_loop3A_223 : i32
          %parallel_loop3A_225 = arith.index_cast %parallel_loop3A_213 : i32 to index
          %parallel_loop3A_226 = arith.index_cast %parallel_loop3A_224 : i32 to index
          %parallel_loop3A_227 = tpu.vector_load %arg7[%parallel_loop3A_225, %parallel_loop3A_226] {strides = array<i32>} : memref<32x768xf32, #tpu.memory_space<vmem>>, vector<1x16xf32>,
          %parallel_loop3A_228 = vector.shape_cast %parallel_loop3A_227 : vector<1x16xf32> to vector<16xf32>
          %parallel_loop3A_229 = arith.constant 27.7128124 : f32
          %parallel_loop3A_230 = vector.broadcast %parallel_loop3A_229 : f32 to vector<16xf32>
          %parallel_loop3A_231 = arith.mulf %parallel_loop3A_228, %parallel_loop3A_230 : vector<16xf32>
          %parallel_loop3A_232 = arith.index_cast %parallel_loop3A_213 : i32 to index
          %parallel_loop3A_233 = arith.index_cast %parallel_loop3A_224 : i32 to index
          %parallel_loop3A_234 = tpu.vector_load %arg7[%parallel_loop3A_232, %parallel_loop3A_233] {strides = array<i32>} : memref<32x768xf32, #tpu.memory_space<vmem>>, vector<1x16xf32>,
          %parallel_loop3A_235 = vector.shape_cast %parallel_loop3A_234 : vector<1x16xf32> to vector<16xf32>
          %parallel_loop3A_236 = vector.shape_cast %parallel_loop3A_231 : vector<16xf32> to vector<1x16xf32>
          tpu.vector_store %arg7[%parallel_loop3A_232, %parallel_loop3A_233], %parallel_loop3A_236 {strides = array<i32>} : memref<32x768xf32, #tpu.memory_space<vmem>>, vector<1x16xf32>,
          %parallel_loop3A_237 = arith.constant 128 : i32
          %parallel_loop3A_238 = arith.muli %scan3A_220, %parallel_loop3A_237 : i32
          %parallel_loop3A_239 = arith.constant 16 : i32
          %parallel_loop3A_240 = arith.addi %parallel_loop3A_238, %parallel_loop3A_239 : i32
          %parallel_loop3A_241 = arith.index_cast %parallel_loop3A_213 : i32 to index
          %parallel_loop3A_242 = arith.index_cast %parallel_loop3A_240 : i32 to index
          %parallel_loop3A_243 = tpu.vector_load %arg7[%parallel_loop3A_241, %parallel_loop3A_242] {strides = array<i32>} : memref<32x768xf32, #tpu.memory_space<vmem>>, vector<1x16xf32>,
          %parallel_loop3A_244 = vector.shape_cast %parallel_loop3A_243 : vector<1x16xf32> to vector<16xf32>
          %parallel_loop3A_245 = arith.constant 27.7128124 : f32
          %parallel_loop3A_246 = vector.broadcast %parallel_loop3A_245 : f32 to vector<16xf32>
          %parallel_loop3A_247 = arith.mulf %parallel_loop3A_244, %parallel_loop3A_246 : vector<16xf32>
          %parallel_loop3A_248 = arith.index_cast %parallel_loop3A_213 : i32 to index
          %parallel_loop3A_249 = arith.index_cast %parallel_loop3A_240 : i32 to index
          %parallel_loop3A_250 = tpu.vector_load %arg7[%parallel_loop3A_248, %parallel_loop3A_249] {strides = array<i32>} : memref<32x768xf32, #tpu.memory_space<vmem>>, vector<1x16xf32>,
          %parallel_loop3A_251 = vector.shape_cast %parallel_loop3A_250 : vector<1x16xf32> to vector<16xf32>
          %parallel_loop3A_252 = vector.shape_cast %parallel_loop3A_247 : vector<16xf32> to vector<1x16xf32>
          tpu.vector_store %arg7[%parallel_loop3A_248, %parallel_loop3A_249], %parallel_loop3A_252 {strides = array<i32>} : memref<32x768xf32, #tpu.memory_space<vmem>>, vector<1x16xf32>,
          %parallel_loop3A_253 = arith.constant 128 : i32
          %parallel_loop3A_254 = arith.muli %scan3A_220, %parallel_loop3A_253 : i32
          %parallel_loop3A_255 = arith.constant 32 : i32
          %parallel_loop3A_256 = arith.addi %parallel_loop3A_254, %parallel_loop3A_255 : i32
          %parallel_loop3A_257 = arith.index_cast %parallel_loop3A_213 : i32 to index
          %parallel_loop3A_258 = arith.index_cast %parallel_loop3A_256 : i32 to index
          %parallel_loop3A_259 = tpu.vector_load %arg7[%parallel_loop3A_257, %parallel_loop3A_258] {strides = array<i32>} : memref<32x768xf32, #tpu.memory_space<vmem>>, vector<1x16xf32>,
          %parallel_loop3A_260 = vector.shape_cast %parallel_loop3A_259 : vector<1x16xf32> to vector<16xf32>
          %parallel_loop3A_261 = arith.constant 27.7128124 : f32
          %parallel_loop3A_262 = vector.broadcast %parallel_loop3A_261 : f32 to vector<16xf32>
          %parallel_loop3A_263 = arith.mulf %parallel_loop3A_260, %parallel_loop3A_262 : vector<16xf32>
          %parallel_loop3A_264 = arith.index_cast %parallel_loop3A_213 : i32 to index
          %parallel_loop3A_265 = arith.index_cast %parallel_loop3A_256 : i32 to index
          %parallel_loop3A_266 = tpu.vector_load %arg7[%parallel_loop3A_264, %parallel_loop3A_265] {strides = array<i32>} : memref<32x768xf32, #tpu.memory_space<vmem>>, vector<1x16xf32>,
          %parallel_loop3A_267 = vector.shape_cast %parallel_loop3A_266 : vector<1x16xf32> to vector<16xf32>
          %parallel_loop3A_268 = vector.shape_cast %parallel_loop3A_263 : vector<16xf32> to vector<1x16xf32>
          tpu.vector_store %arg7[%parallel_loop3A_264, %parallel_loop3A_265], %parallel_loop3A_268 {strides = array<i32>} : memref<32x768xf32, #tpu.memory_space<vmem>>, vector<1x16xf32>,
          %parallel_loop3A_269 = arith.constant 128 : i32
          %parallel_loop3A_270 = arith.muli %scan3A_220, %parallel_loop3A_269 : i32
          %parallel_loop3A_271 = arith.constant 48 : i32
          %parallel_loop3A_272 = arith.addi %parallel_loop3A_270, %parallel_loop3A_271 : i32
          %parallel_loop3A_273 = arith.index_cast %parallel_loop3A_213 : i32 to index
          %parallel_loop3A_274 = arith.index_cast %parallel_loop3A_272 : i32 to index
          %parallel_loop3A_275 = tpu.vector_load %arg7[%parallel_loop3A_273, %parallel_loop3A_274] {strides = array<i32>} : memref<32x768xf32, #tpu.memory_space<vmem>>, vector<1x16xf32>,
          %parallel_loop3A_276 = vector.shape_cast %parallel_loop3A_275 : vector<1x16xf32> to vector<16xf32>
          %parallel_loop3A_277 = arith.constant 27.7128124 : f32
          %parallel_loop3A_278 = vector.broadcast %parallel_loop3A_277 : f32 to vector<16xf32>
          %parallel_loop3A_279 = arith.mulf %parallel_loop3A_276, %parallel_loop3A_278 : vector<16xf32>
          %parallel_loop3A_280 = arith.index_cast %parallel_loop3A_213 : i32 to index
          %parallel_loop3A_281 = arith.index_cast %parallel_loop3A_272 : i32 to index
          %parallel_loop3A_282 = tpu.vector_load %arg7[%parallel_loop3A_280, %parallel_loop3A_281] {strides = array<i32>} : memref<32x768xf32, #tpu.memory_space<vmem>>, vector<1x16xf32>,
          %parallel_loop3A_283 = vector.shape_cast %parallel_loop3A_282 : vector<1x16xf32> to vector<16xf32>
          %parallel_loop3A_284 = vector.shape_cast %parallel_loop3A_279 : vector<16xf32> to vector<1x16xf32>
          tpu.vector_store %arg7[%parallel_loop3A_280, %parallel_loop3A_281], %parallel_loop3A_284 {strides = array<i32>} : memref<32x768xf32, #tpu.memory_space<vmem>>, vector<1x16xf32>,
          %parallel_loop3A_285 = arith.constant 128 : i32
          %parallel_loop3A_286 = arith.muli %scan3A_220, %parallel_loop3A_285 : i32
          %parallel_loop3A_287 = arith.constant 64 : i32
          %parallel_loop3A_288 = arith.addi %parallel_loop3A_286, %parallel_loop3A_287 : i32
          %parallel_loop3A_289 = arith.index_cast %parallel_loop3A_213 : i32 to index
          %parallel_loop3A_290 = arith.index_cast %parallel_loop3A_288 : i32 to index
          %parallel_loop3A_291 = tpu.vector_load %arg7[%parallel_loop3A_289, %parallel_loop3A_290] {strides = array<i32>} : memref<32x768xf32, #tpu.memory_space<vmem>>, vector<1x16xf32>,
          %parallel_loop3A_292 = vector.shape_cast %parallel_loop3A_291 : vector<1x16xf32> to vector<16xf32>
          %parallel_loop3A_293 = arith.constant 27.7128124 : f32
          %parallel_loop3A_294 = vector.broadcast %parallel_loop3A_293 : f32 to vector<16xf32>
          %parallel_loop3A_295 = arith.mulf %parallel_loop3A_292, %parallel_loop3A_294 : vector<16xf32>
          %parallel_loop3A_296 = arith.index_cast %parallel_loop3A_213 : i32 to index
          %parallel_loop3A_297 = arith.index_cast %parallel_loop3A_288 : i32 to index
          %parallel_loop3A_298 = tpu.vector_load %arg7[%parallel_loop3A_296, %parallel_loop3A_297] {strides = array<i32>} : memref<32x768xf32, #tpu.memory_space<vmem>>, vector<1x16xf32>,
          %parallel_loop3A_299 = vector.shape_cast %parallel_loop3A_298 : vector<1x16xf32> to vector<16xf32>
          %parallel_loop3A_300 = vector.shape_cast %parallel_loop3A_295 : vector<16xf32> to vector<1x16xf32>
          tpu.vector_store %arg7[%parallel_loop3A_296, %parallel_loop3A_297], %parallel_loop3A_300 {strides = array<i32>} : memref<32x768xf32, #tpu.memory_space<vmem>>, vector<1x16xf32>,
          %parallel_loop3A_301 = arith.constant 128 : i32
          %parallel_loop3A_302 = arith.muli %scan3A_220, %parallel_loop3A_301 : i32
          %parallel_loop3A_303 = arith.constant 80 : i32
          %parallel_loop3A_304 = arith.addi %parallel_loop3A_302, %parallel_loop3A_303 : i32
          %parallel_loop3A_305 = arith.index_cast %parallel_loop3A_213 : i32 to index
          %parallel_loop3A_306 = arith.index_cast %parallel_loop3A_304 : i32 to index
          %parallel_loop3A_307 = tpu.vector_load %arg7[%parallel_loop3A_305, %parallel_loop3A_306] {strides = array<i32>} : memref<32x768xf32, #tpu.memory_space<vmem>>, vector<1x16xf32>,
          %parallel_loop3A_308 = vector.shape_cast %parallel_loop3A_307 : vector<1x16xf32> to vector<16xf32>
          %parallel_loop3A_309 = arith.constant 27.7128124 : f32
          %parallel_loop3A_310 = vector.broadcast %parallel_loop3A_309 : f32 to vector<16xf32>
          %parallel_loop3A_311 = arith.mulf %parallel_loop3A_308, %parallel_loop3A_310 : vector<16xf32>
          %parallel_loop3A_312 = arith.index_cast %parallel_loop3A_213 : i32 to index
          %parallel_loop3A_313 = arith.index_cast %parallel_loop3A_304 : i32 to index
          %parallel_loop3A_314 = tpu.vector_load %arg7[%parallel_loop3A_312, %parallel_loop3A_313] {strides = array<i32>} : memref<32x768xf32, #tpu.memory_space<vmem>>, vector<1x16xf32>,
          %parallel_loop3A_315 = vector.shape_cast %parallel_loop3A_314 : vector<1x16xf32> to vector<16xf32>
          %parallel_loop3A_316 = vector.shape_cast %parallel_loop3A_311 : vector<16xf32> to vector<1x16xf32>
          tpu.vector_store %arg7[%parallel_loop3A_312, %parallel_loop3A_313], %parallel_loop3A_316 {strides = array<i32>} : memref<32x768xf32, #tpu.memory_space<vmem>>, vector<1x16xf32>,
          %parallel_loop3A_317 = arith.constant 128 : i32
          %parallel_loop3A_318 = arith.muli %scan3A_220, %parallel_loop3A_317 : i32
          %parallel_loop3A_319 = arith.constant 96 : i32
          %parallel_loop3A_320 = arith.addi %parallel_loop3A_318, %parallel_loop3A_319 : i32
          %parallel_loop3A_321 = arith.index_cast %parallel_loop3A_213 : i32 to index
          %parallel_loop3A_322 = arith.index_cast %parallel_loop3A_320 : i32 to index
          %parallel_loop3A_323 = tpu.vector_load %arg7[%parallel_loop3A_321, %parallel_loop3A_322] {strides = array<i32>} : memref<32x768xf32, #tpu.memory_space<vmem>>, vector<1x16xf32>,
          %parallel_loop3A_324 = vector.shape_cast %parallel_loop3A_323 : vector<1x16xf32> to vector<16xf32>
          %parallel_loop3A_325 = arith.constant 27.7128124 : f32
          %parallel_loop3A_326 = vector.broadcast %parallel_loop3A_325 : f32 to vector<16xf32>
          %parallel_loop3A_327 = arith.mulf %parallel_loop3A_324, %parallel_loop3A_326 : vector<16xf32>
          %parallel_loop3A_328 = arith.index_cast %parallel_loop3A_213 : i32 to index
          %parallel_loop3A_329 = arith.index_cast %parallel_loop3A_320 : i32 to index
          %parallel_loop3A_330 = tpu.vector_load %arg7[%parallel_loop3A_328, %parallel_loop3A_329] {strides = array<i32>} : memref<32x768xf32, #tpu.memory_space<vmem>>, vector<1x16xf32>,
          %parallel_loop3A_331 = vector.shape_cast %parallel_loop3A_330 : vector<1x16xf32> to vector<16xf32>
          %parallel_loop3A_332 = vector.shape_cast %parallel_loop3A_327 : vector<16xf32> to vector<1x16xf32>
          tpu.vector_store %arg7[%parallel_loop3A_328, %parallel_loop3A_329], %parallel_loop3A_332 {strides = array<i32>} : memref<32x768xf32, #tpu.memory_space<vmem>>, vector<1x16xf32>,
          %parallel_loop3A_333 = arith.constant 128 : i32
          %parallel_loop3A_334 = arith.muli %scan3A_220, %parallel_loop3A_333 : i32
          %parallel_loop3A_335 = arith.constant 112 : i32
          %parallel_loop3A_336 = arith.addi %parallel_loop3A_334, %parallel_loop3A_335 : i32
          %parallel_loop3A_337 = arith.index_cast %parallel_loop3A_213 : i32 to index
          %parallel_loop3A_338 = arith.index_cast %parallel_loop3A_336 : i32 to index
          %parallel_loop3A_339 = tpu.vector_load %arg7[%parallel_loop3A_337, %parallel_loop3A_338] {strides = array<i32>} : memref<32x768xf32, #tpu.memory_space<vmem>>, vector<1x16xf32>,
          %parallel_loop3A_340 = vector.shape_cast %parallel_loop3A_339 : vector<1x16xf32> to vector<16xf32>
          %parallel_loop3A_341 = arith.constant 27.7128124 : f32
          %parallel_loop3A_342 = vector.broadcast %parallel_loop3A_341 : f32 to vector<16xf32>
          %parallel_loop3A_343 = arith.mulf %parallel_loop3A_340, %parallel_loop3A_342 : vector<16xf32>
          %parallel_loop3A_344 = arith.index_cast %parallel_loop3A_213 : i32 to index
          %parallel_loop3A_345 = arith.index_cast %parallel_loop3A_336 : i32 to index
          %parallel_loop3A_346 = tpu.vector_load %arg7[%parallel_loop3A_344, %parallel_loop3A_345] {strides = array<i32>} : memref<32x768xf32, #tpu.memory_space<vmem>>, vector<1x16xf32>,
          %parallel_loop3A_347 = vector.shape_cast %parallel_loop3A_346 : vector<1x16xf32> to vector<16xf32>
          %parallel_loop3A_348 = vector.shape_cast %parallel_loop3A_343 : vector<16xf32> to vector<1x16xf32>
          tpu.vector_store %arg7[%parallel_loop3A_344, %parallel_loop3A_345], %parallel_loop3A_348 {strides = array<i32>} : memref<32x768xf32, #tpu.memory_space<vmem>>, vector<1x16xf32>,
        }
        %parallel_loop3A_219 = arith.constant 6 : i32
      } {sc.loop_unroll_factor = 1 : i64, sc.parallel_access}
      %mul3A_136 = arith.constant 32 : i32
      %mul3A_137 = arith.muli %add3A_114, %mul3A_136 : i32
      %add3A_138 = arith.addi %mul3A_32, %mul3A_137 : i32
      %dma_start3A_139 = arith.constant 0 : i32
      %dma_start3A_140 = tpu.memref_slice %arg4[%select_n3A, %add3A_138, %dma_start3A_139] : memref<4x4096x768xf32, #tpu.memory_space<hbm>> -> memref<1x32x768xf32, #tpu.memory_space<hbm>>
      %dma_start3A_141 = tpu.memref_squeeze %dma_start3A_140 : memref<1x32x768xf32, #tpu.memory_space<hbm>> -> memref<32x768xf32, #tpu.memory_space<hbm>>
      %dma_start3A_142 = arith.constant 0 : i32
      %dma_start3A_143 = tpu.memref_slice %arg4[%select_n3A, %add3A_138, %dma_start3A_142] : memref<4x4096x768xf32, #tpu.memory_space<hbm>> -> memref<1x32x768xf32, #tpu.memory_space<hbm>>
      %dma_start3A_144 = tpu.memref_squeeze %dma_start3A_143 : memref<1x32x768xf32, #tpu.memory_space<hbm>> -> memref<32x768xf32, #tpu.memory_space<hbm>>
      tpu.enqueue_dma source(%arg7 : memref<32x768xf32, #tpu.memory_space<vmem>>) target(%dma_start3A_144 : memref<32x768xf32, #tpu.memory_space<hbm>>) target_semaphore(%arg15 : memref<!tpu.dma_semaphore, #tpu.memory_space<semaphore_mem>>)
      %mul3A_145 = arith.constant 4 : i32
      %mul3A_146 = arith.muli %scan3A_80, %mul3A_145 : i32
      %add3A_147 = arith.constant 2 : i32
      %add3A_148 = arith.addi %mul3A_146, %add3A_147 : i32
      %add3A_149 = arith.constant 4 : i32
      %add3A_150 = arith.addi %add3A_148, %add3A_149 : i32
      %sub3A_151 = arith.constant 1 : i32
      %sub3A_152 = arith.subi %add3A_150, %sub3A_151 : i32
      %ge3A_153 = arith.constant 1 : i32
      %ge3A_154 = arith.cmpi sge, %add3A_148, %ge3A_153 : i32
      %lt3A_155 = arith.constant 16 : i32
      %lt3A_156 = arith.cmpi slt, %sub3A_152, %lt3A_155 : i32
      %and3A_157 = arith.andi %ge3A_154, %lt3A_156 : i1
      %convert_element_type3A_158 = arith.extui %and3A_157 : i1 to i32
      %cond3A_159 = arith.constant 0 : i32
      %cond3A_160 = arith.cmpi ne, %convert_element_type3A_158, %cond3A_159 : i32
      scf.if %cond3A_160 {
        %sub3A_213 = arith.constant 1 : i32
        %sub3A_214 = arith.subi %add3A_148, %sub3A_213 : i32
        %mul3A_215 = arith.constant 32 : i32
        %mul3A_216 = arith.muli %sub3A_214, %mul3A_215 : i32
        %add3A_217 = arith.addi %mul3A_32, %mul3A_216 : i32
        %dma_wait3A_218 = arith.constant 0 : i32
        %dma_wait3A_219 = tpu.memref_slice %arg4[%select_n3A, %add3A_217, %dma_wait3A_218] : memref<4x4096x768xf32, #tpu.memory_space<hbm>> -> memref<1x32x768xf32, #tpu.memory_space<hbm>>
        %dma_wait3A_220 = tpu.memref_squeeze %dma_wait3A_219 : memref<1x32x768xf32, #tpu.memory_space<hbm>> -> memref<32x768xf32, #tpu.memory_space<hbm>>
        %dma_wait3A_221 = arith.constant 0 : i32
        %dma_wait3A_222 = tpu.memref_slice %arg4[%select_n3A, %add3A_217, %dma_wait3A_221] : memref<4x4096x768xf32, #tpu.memory_space<hbm>> -> memref<1x32x768xf32, #tpu.memory_space<hbm>>
        %dma_wait3A_223 = tpu.memref_squeeze %dma_wait3A_222 : memref<1x32x768xf32, #tpu.memory_space<hbm>> -> memref<32x768xf32, #tpu.memory_space<hbm>>
        tpu.wait_dma2 semaphore(%arg15 : memref<!tpu.dma_semaphore, #tpu.memory_space<semaphore_mem>>) src(%arg7 : memref<32x768xf32, #tpu.memory_space<vmem>>) dst(%dma_wait3A_223 : memref<32x768xf32, #tpu.memory_space<hbm>>)
        %mul3A_224 = arith.constant 32 : i32
        %mul3A_225 = arith.muli %sub3A_152, %mul3A_224 : i32
        %dma_start3A_226 = tpu.memref_slice %arg5[%mul3A_225] : memref<512xi32, #tpu.memory_space<vmem>> -> memref<32xi32, #tpu.memory_space<vmem>>
        %dma_start3A_227 = arith.constant 0 : i32
        %dma_start3A_228 = arith.constant 0 : i32
        %dma_start3A_229 = tpu.memref_slice %arg3[%dma_start3A_227, %dma_start3A_228] : memref<100000x768xf32, #tpu.memory_space<hbm>> -> memref<100000x768xf32, #tpu.memory_space<hbm>>
        tpu.enqueue_indirect_dma source(%dma_start3A_229 : memref<100000x768xf32, #tpu.memory_space<hbm>>) target(%arg7 : memref<32x768xf32, #tpu.memory_space<vmem>>) offsets(%dma_start3A_226 : memref<32xi32, #tpu.memory_space<vmem>>) semaphore(%arg11 : memref<!tpu.dma_semaphore, #tpu.memory_space<semaphore_mem>>)
      } else {
      }
      %mul3A_161 = arith.constant 32 : i32
      %mul3A_162 = arith.muli %add3A_148, %mul3A_161 : i32
      %dma_wait3A_163 = tpu.memref_slice %arg5[%mul3A_162] : memref<512xi32, #tpu.memory_space<vmem>> -> memref<32xi32, #tpu.memory_space<vmem>>
      %dma_wait3A_164 = arith.constant 0 : i32
      %dma_wait3A_165 = arith.constant 0 : i32
      %dma_wait3A_166 = tpu.memref_slice %arg3[%dma_wait3A_164, %dma_wait3A_165] : memref<100000x768xf32, #tpu.memory_space<hbm>> -> memref<100000x768xf32, #tpu.memory_space<hbm>>
      tpu.wait_indirect_dma semaphore(%arg12 : memref<!tpu.dma_semaphore, #tpu.memory_space<semaphore_mem>>) src(%dma_wait3A_166 : memref<100000x768xf32, #tpu.memory_space<hbm>>) dst(%arg8 : memref<32x768xf32, #tpu.memory_space<vmem>>)
      %parallel_loop3A_167 = arith.constant 0 : i32
      %parallel_loop3A_168 = arith.constant 32 : i32
      %parallel_loop3A_169 = arith.constant 1 : i32
      scf.for %parallel_loop3A_213 = %parallel_loop3A_167 to %parallel_loop3A_168 step %parallel_loop3A_169  : i32 {
        %parallel_loop3A_214 = arith.constant 0 : i32
        %parallel_loop3A_215 = arith.constant 0 : i32
        %parallel_loop3A_216 = arith.constant 6 : i32
        %parallel_loop3A_217 = arith.addi %parallel_loop3A_215, %parallel_loop3A_216 : i32
        %parallel_loop3A_218 = arith.constant 1 : i32
        scf.for %scan3A_220 = %parallel_loop3A_215 to %parallel_loop3A_217 step %parallel_loop3A_218  : i32 {
          %parallel_loop3A_221 = arith.constant 128 : i32
          %parallel_loop3A_222 = arith.muli %scan3A_220, %parallel_loop3A_221 : i32
          %parallel_loop3A_223 = arith.constant 0 : i32
          %parallel_loop3A_224 = arith.addi %parallel_loop3A_222, %parallel_loop3A_223 : i32
          %parallel_loop3A_225 = arith.index_cast %parallel_loop3A_213 : i32 to index
          %parallel_loop3A_226 = arith.index_cast %parallel_loop3A_224 : i32 to index
          %parallel_loop3A_227 = tpu.vector_load %arg8[%parallel_loop3A_225, %parallel_loop3A_226] {strides = array<i32>} : memref<32x768xf32, #tpu.memory_space<vmem>>, vector<1x16xf32>,
          %parallel_loop3A_228 = vector.shape_cast %parallel_loop3A_227 : vector<1x16xf32> to vector<16xf32>
          %parallel_loop3A_229 = arith.constant 27.7128124 : f32
          %parallel_loop3A_230 = vector.broadcast %parallel_loop3A_229 : f32 to vector<16xf32>
          %parallel_loop3A_231 = arith.mulf %parallel_loop3A_228, %parallel_loop3A_230 : vector<16xf32>
          %parallel_loop3A_232 = arith.index_cast %parallel_loop3A_213 : i32 to index
          %parallel_loop3A_233 = arith.index_cast %parallel_loop3A_224 : i32 to index
          %parallel_loop3A_234 = tpu.vector_load %arg8[%parallel_loop3A_232, %parallel_loop3A_233] {strides = array<i32>} : memref<32x768xf32, #tpu.memory_space<vmem>>, vector<1x16xf32>,
          %parallel_loop3A_235 = vector.shape_cast %parallel_loop3A_234 : vector<1x16xf32> to vector<16xf32>
          %parallel_loop3A_236 = vector.shape_cast %parallel_loop3A_231 : vector<16xf32> to vector<1x16xf32>
          tpu.vector_store %arg8[%parallel_loop3A_232, %parallel_loop3A_233], %parallel_loop3A_236 {strides = array<i32>} : memref<32x768xf32, #tpu.memory_space<vmem>>, vector<1x16xf32>,
          %parallel_loop3A_237 = arith.constant 128 : i32
          %parallel_loop3A_238 = arith.muli %scan3A_220, %parallel_loop3A_237 : i32
          %parallel_loop3A_239 = arith.constant 16 : i32
          %parallel_loop3A_240 = arith.addi %parallel_loop3A_238, %parallel_loop3A_239 : i32
          %parallel_loop3A_241 = arith.index_cast %parallel_loop3A_213 : i32 to index
          %parallel_loop3A_242 = arith.index_cast %parallel_loop3A_240 : i32 to index
          %parallel_loop3A_243 = tpu.vector_load %arg8[%parallel_loop3A_241, %parallel_loop3A_242] {strides = array<i32>} : memref<32x768xf32, #tpu.memory_space<vmem>>, vector<1x16xf32>,
          %parallel_loop3A_244 = vector.shape_cast %parallel_loop3A_243 : vector<1x16xf32> to vector<16xf32>
          %parallel_loop3A_245 = arith.constant 27.7128124 : f32
          %parallel_loop3A_246 = vector.broadcast %parallel_loop3A_245 : f32 to vector<16xf32>
          %parallel_loop3A_247 = arith.mulf %parallel_loop3A_244, %parallel_loop3A_246 : vector<16xf32>
          %parallel_loop3A_248 = arith.index_cast %parallel_loop3A_213 : i32 to index
          %parallel_loop3A_249 = arith.index_cast %parallel_loop3A_240 : i32 to index
          %parallel_loop3A_250 = tpu.vector_load %arg8[%parallel_loop3A_248, %parallel_loop3A_249] {strides = array<i32>} : memref<32x768xf32, #tpu.memory_space<vmem>>, vector<1x16xf32>,
          %parallel_loop3A_251 = vector.shape_cast %parallel_loop3A_250 : vector<1x16xf32> to vector<16xf32>
          %parallel_loop3A_252 = vector.shape_cast %parallel_loop3A_247 : vector<16xf32> to vector<1x16xf32>
          tpu.vector_store %arg8[%parallel_loop3A_248, %parallel_loop3A_249], %parallel_loop3A_252 {strides = array<i32>} : memref<32x768xf32, #tpu.memory_space<vmem>>, vector<1x16xf32>,
          %parallel_loop3A_253 = arith.constant 128 : i32
          %parallel_loop3A_254 = arith.muli %scan3A_220, %parallel_loop3A_253 : i32
          %parallel_loop3A_255 = arith.constant 32 : i32
          %parallel_loop3A_256 = arith.addi %parallel_loop3A_254, %parallel_loop3A_255 : i32
          %parallel_loop3A_257 = arith.index_cast %parallel_loop3A_213 : i32 to index
          %parallel_loop3A_258 = arith.index_cast %parallel_loop3A_256 : i32 to index
          %parallel_loop3A_259 = tpu.vector_load %arg8[%parallel_loop3A_257, %parallel_loop3A_258] {strides = array<i32>} : memref<32x768xf32, #tpu.memory_space<vmem>>, vector<1x16xf32>,
          %parallel_loop3A_260 = vector.shape_cast %parallel_loop3A_259 : vector<1x16xf32> to vector<16xf32>
          %parallel_loop3A_261 = arith.constant 27.7128124 : f32
          %parallel_loop3A_262 = vector.broadcast %parallel_loop3A_261 : f32 to vector<16xf32>
          %parallel_loop3A_263 = arith.mulf %parallel_loop3A_260, %parallel_loop3A_262 : vector<16xf32>
          %parallel_loop3A_264 = arith.index_cast %parallel_loop3A_213 : i32 to index
          %parallel_loop3A_265 = arith.index_cast %parallel_loop3A_256 : i32 to index
          %parallel_loop3A_266 = tpu.vector_load %arg8[%parallel_loop3A_264, %parallel_loop3A_265] {strides = array<i32>} : memref<32x768xf32, #tpu.memory_space<vmem>>, vector<1x16xf32>,
          %parallel_loop3A_267 = vector.shape_cast %parallel_loop3A_266 : vector<1x16xf32> to vector<16xf32>
          %parallel_loop3A_268 = vector.shape_cast %parallel_loop3A_263 : vector<16xf32> to vector<1x16xf32>
          tpu.vector_store %arg8[%parallel_loop3A_264, %parallel_loop3A_265], %parallel_loop3A_268 {strides = array<i32>} : memref<32x768xf32, #tpu.memory_space<vmem>>, vector<1x16xf32>,
          %parallel_loop3A_269 = arith.constant 128 : i32
          %parallel_loop3A_270 = arith.muli %scan3A_220, %parallel_loop3A_269 : i32
          %parallel_loop3A_271 = arith.constant 48 : i32
          %parallel_loop3A_272 = arith.addi %parallel_loop3A_270, %parallel_loop3A_271 : i32
          %parallel_loop3A_273 = arith.index_cast %parallel_loop3A_213 : i32 to index
          %parallel_loop3A_274 = arith.index_cast %parallel_loop3A_272 : i32 to index
          %parallel_loop3A_275 = tpu.vector_load %arg8[%parallel_loop3A_273, %parallel_loop3A_274] {strides = array<i32>} : memref<32x768xf32, #tpu.memory_space<vmem>>, vector<1x16xf32>,
          %parallel_loop3A_276 = vector.shape_cast %parallel_loop3A_275 : vector<1x16xf32> to vector<16xf32>
          %parallel_loop3A_277 = arith.constant 27.7128124 : f32
          %parallel_loop3A_278 = vector.broadcast %parallel_loop3A_277 : f32 to vector<16xf32>
          %parallel_loop3A_279 = arith.mulf %parallel_loop3A_276, %parallel_loop3A_278 : vector<16xf32>
          %parallel_loop3A_280 = arith.index_cast %parallel_loop3A_213 : i32 to index
          %parallel_loop3A_281 = arith.index_cast %parallel_loop3A_272 : i32 to index
          %parallel_loop3A_282 = tpu.vector_load %arg8[%parallel_loop3A_280, %parallel_loop3A_281] {strides = array<i32>} : memref<32x768xf32, #tpu.memory_space<vmem>>, vector<1x16xf32>,
          %parallel_loop3A_283 = vector.shape_cast %parallel_loop3A_282 : vector<1x16xf32> to vector<16xf32>
          %parallel_loop3A_284 = vector.shape_cast %parallel_loop3A_279 : vector<16xf32> to vector<1x16xf32>
          tpu.vector_store %arg8[%parallel_loop3A_280, %parallel_loop3A_281], %parallel_loop3A_284 {strides = array<i32>} : memref<32x768xf32, #tpu.memory_space<vmem>>, vector<1x16xf32>,
          %parallel_loop3A_285 = arith.constant 128 : i32
          %parallel_loop3A_286 = arith.muli %scan3A_220, %parallel_loop3A_285 : i32
          %parallel_loop3A_287 = arith.constant 64 : i32
          %parallel_loop3A_288 = arith.addi %parallel_loop3A_286, %parallel_loop3A_287 : i32
          %parallel_loop3A_289 = arith.index_cast %parallel_loop3A_213 : i32 to index
          %parallel_loop3A_290 = arith.index_cast %parallel_loop3A_288 : i32 to index
          %parallel_loop3A_291 = tpu.vector_load %arg8[%parallel_loop3A_289, %parallel_loop3A_290] {strides = array<i32>} : memref<32x768xf32, #tpu.memory_space<vmem>>, vector<1x16xf32>,
          %parallel_loop3A_292 = vector.shape_cast %parallel_loop3A_291 : vector<1x16xf32> to vector<16xf32>
          %parallel_loop3A_293 = arith.constant 27.7128124 : f32
          %parallel_loop3A_294 = vector.broadcast %parallel_loop3A_293 : f32 to vector<16xf32>
          %parallel_loop3A_295 = arith.mulf %parallel_loop3A_292, %parallel_loop3A_294 : vector<16xf32>
          %parallel_loop3A_296 = arith.index_cast %parallel_loop3A_213 : i32 to index
          %parallel_loop3A_297 = arith.index_cast %parallel_loop3A_288 : i32 to index
          %parallel_loop3A_298 = tpu.vector_load %arg8[%parallel_loop3A_296, %parallel_loop3A_297] {strides = array<i32>} : memref<32x768xf32, #tpu.memory_space<vmem>>, vector<1x16xf32>,
          %parallel_loop3A_299 = vector.shape_cast %parallel_loop3A_298 : vector<1x16xf32> to vector<16xf32>
          %parallel_loop3A_300 = vector.shape_cast %parallel_loop3A_295 : vector<16xf32> to vector<1x16xf32>
          tpu.vector_store %arg8[%parallel_loop3A_296, %parallel_loop3A_297], %parallel_loop3A_300 {strides = array<i32>} : memref<32x768xf32, #tpu.memory_space<vmem>>, vector<1x16xf32>,
          %parallel_loop3A_301 = arith.constant 128 : i32
          %parallel_loop3A_302 = arith.muli %scan3A_220, %parallel_loop3A_301 : i32
          %parallel_loop3A_303 = arith.constant 80 : i32
          %parallel_loop3A_304 = arith.addi %parallel_loop3A_302, %parallel_loop3A_303 : i32
          %parallel_loop3A_305 = arith.index_cast %parallel_loop3A_213 : i32 to index
          %parallel_loop3A_306 = arith.index_cast %parallel_loop3A_304 : i32 to index
          %parallel_loop3A_307 = tpu.vector_load %arg8[%parallel_loop3A_305, %parallel_loop3A_306] {strides = array<i32>} : memref<32x768xf32, #tpu.memory_space<vmem>>, vector<1x16xf32>,
          %parallel_loop3A_308 = vector.shape_cast %parallel_loop3A_307 : vector<1x16xf32> to vector<16xf32>
          %parallel_loop3A_309 = arith.constant 27.7128124 : f32
          %parallel_loop3A_310 = vector.broadcast %parallel_loop3A_309 : f32 to vector<16xf32>
          %parallel_loop3A_311 = arith.mulf %parallel_loop3A_308, %parallel_loop3A_310 : vector<16xf32>
          %parallel_loop3A_312 = arith.index_cast %parallel_loop3A_213 : i32 to index
          %parallel_loop3A_313 = arith.index_cast %parallel_loop3A_304 : i32 to index
          %parallel_loop3A_314 = tpu.vector_load %arg8[%parallel_loop3A_312, %parallel_loop3A_313] {strides = array<i32>} : memref<32x768xf32, #tpu.memory_space<vmem>>, vector<1x16xf32>,
          %parallel_loop3A_315 = vector.shape_cast %parallel_loop3A_314 : vector<1x16xf32> to vector<16xf32>
          %parallel_loop3A_316 = vector.shape_cast %parallel_loop3A_311 : vector<16xf32> to vector<1x16xf32>
          tpu.vector_store %arg8[%parallel_loop3A_312, %parallel_loop3A_313], %parallel_loop3A_316 {strides = array<i32>} : memref<32x768xf32, #tpu.memory_space<vmem>>, vector<1x16xf32>,
          %parallel_loop3A_317 = arith.constant 128 : i32
          %parallel_loop3A_318 = arith.muli %scan3A_220, %parallel_loop3A_317 : i32
          %parallel_loop3A_319 = arith.constant 96 : i32
          %parallel_loop3A_320 = arith.addi %parallel_loop3A_318, %parallel_loop3A_319 : i32
          %parallel_loop3A_321 = arith.index_cast %parallel_loop3A_213 : i32 to index
          %parallel_loop3A_322 = arith.index_cast %parallel_loop3A_320 : i32 to index
          %parallel_loop3A_323 = tpu.vector_load %arg8[%parallel_loop3A_321, %parallel_loop3A_322] {strides = array<i32>} : memref<32x768xf32, #tpu.memory_space<vmem>>, vector<1x16xf32>,
          %parallel_loop3A_324 = vector.shape_cast %parallel_loop3A_323 : vector<1x16xf32> to vector<16xf32>
          %parallel_loop3A_325 = arith.constant 27.7128124 : f32
          %parallel_loop3A_326 = vector.broadcast %parallel_loop3A_325 : f32 to vector<16xf32>
          %parallel_loop3A_327 = arith.mulf %parallel_loop3A_324, %parallel_loop3A_326 : vector<16xf32>
          %parallel_loop3A_328 = arith.index_cast %parallel_loop3A_213 : i32 to index
          %parallel_loop3A_329 = arith.index_cast %parallel_loop3A_320 : i32 to index
          %parallel_loop3A_330 = tpu.vector_load %arg8[%parallel_loop3A_328, %parallel_loop3A_329] {strides = array<i32>} : memref<32x768xf32, #tpu.memory_space<vmem>>, vector<1x16xf32>,
          %parallel_loop3A_331 = vector.shape_cast %parallel_loop3A_330 : vector<1x16xf32> to vector<16xf32>
          %parallel_loop3A_332 = vector.shape_cast %parallel_loop3A_327 : vector<16xf32> to vector<1x16xf32>
          tpu.vector_store %arg8[%parallel_loop3A_328, %parallel_loop3A_329], %parallel_loop3A_332 {strides = array<i32>} : memref<32x768xf32, #tpu.memory_space<vmem>>, vector<1x16xf32>,
          %parallel_loop3A_333 = arith.constant 128 : i32
          %parallel_loop3A_334 = arith.muli %scan3A_220, %parallel_loop3A_333 : i32
          %parallel_loop3A_335 = arith.constant 112 : i32
          %parallel_loop3A_336 = arith.addi %parallel_loop3A_334, %parallel_loop3A_335 : i32
          %parallel_loop3A_337 = arith.index_cast %parallel_loop3A_213 : i32 to index
          %parallel_loop3A_338 = arith.index_cast %parallel_loop3A_336 : i32 to index
          %parallel_loop3A_339 = tpu.vector_load %arg8[%parallel_loop3A_337, %parallel_loop3A_338] {strides = array<i32>} : memref<32x768xf32, #tpu.memory_space<vmem>>, vector<1x16xf32>,
          %parallel_loop3A_340 = vector.shape_cast %parallel_loop3A_339 : vector<1x16xf32> to vector<16xf32>
          %parallel_loop3A_341 = arith.constant 27.7128124 : f32
          %parallel_loop3A_342 = vector.broadcast %parallel_loop3A_341 : f32 to vector<16xf32>
          %parallel_loop3A_343 = arith.mulf %parallel_loop3A_340, %parallel_loop3A_342 : vector<16xf32>
          %parallel_loop3A_344 = arith.index_cast %parallel_loop3A_213 : i32 to index
          %parallel_loop3A_345 = arith.index_cast %parallel_loop3A_336 : i32 to index
          %parallel_loop3A_346 = tpu.vector_load %arg8[%parallel_loop3A_344, %parallel_loop3A_345] {strides = array<i32>} : memref<32x768xf32, #tpu.memory_space<vmem>>, vector<1x16xf32>,
          %parallel_loop3A_347 = vector.shape_cast %parallel_loop3A_346 : vector<1x16xf32> to vector<16xf32>
          %parallel_loop3A_348 = vector.shape_cast %parallel_loop3A_343 : vector<16xf32> to vector<1x16xf32>
          tpu.vector_store %arg8[%parallel_loop3A_344, %parallel_loop3A_345], %parallel_loop3A_348 {strides = array<i32>} : memref<32x768xf32, #tpu.memory_space<vmem>>, vector<1x16xf32>,
        }
        %parallel_loop3A_219 = arith.constant 6 : i32
      } {sc.loop_unroll_factor = 1 : i64, sc.parallel_access}
      %mul3A_170 = arith.constant 32 : i32
      %mul3A_171 = arith.muli %add3A_148, %mul3A_170 : i32
      %add3A_172 = arith.addi %mul3A_32, %mul3A_171 : i32
      %dma_start3A_173 = arith.constant 0 : i32
      %dma_start3A_174 = tpu.memref_slice %arg4[%select_n3A, %add3A_172, %dma_start3A_173] : memref<4x4096x768xf32, #tpu.memory_space<hbm>> -> memref<1x32x768xf32, #tpu.memory_space<hbm>>
      %dma_start3A_175 = tpu.memref_squeeze %dma_start3A_174 : memref<1x32x768xf32, #tpu.memory_space<hbm>> -> memref<32x768xf32, #tpu.memory_space<hbm>>
      %dma_start3A_176 = arith.constant 0 : i32
      %dma_start3A_177 = tpu.memref_slice %arg4[%select_n3A, %add3A_172, %dma_start3A_176] : memref<4x4096x768xf32, #tpu.memory_space<hbm>> -> memref<1x32x768xf32, #tpu.memory_space<hbm>>
      %dma_start3A_178 = tpu.memref_squeeze %dma_start3A_177 : memref<1x32x768xf32, #tpu.memory_space<hbm>> -> memref<32x768xf32, #tpu.memory_space<hbm>>
      tpu.enqueue_dma source(%arg8 : memref<32x768xf32, #tpu.memory_space<vmem>>) target(%dma_start3A_178 : memref<32x768xf32, #tpu.memory_space<hbm>>) target_semaphore(%arg16 : memref<!tpu.dma_semaphore, #tpu.memory_space<semaphore_mem>>)
      %mul3A_179 = arith.constant 4 : i32
      %mul3A_180 = arith.muli %scan3A_80, %mul3A_179 : i32
      %add3A_181 = arith.constant 3 : i32
      %add3A_182 = arith.addi %mul3A_180, %add3A_181 : i32
      %add3A_183 = arith.constant 4 : i32
      %add3A_184 = arith.addi %add3A_182, %add3A_183 : i32
      %sub3A_185 = arith.constant 1 : i32
      %sub3A_186 = arith.subi %add3A_184, %sub3A_185 : i32
      %ge3A_187 = arith.constant 1 : i32
      %ge3A_188 = arith.cmpi sge, %add3A_182, %ge3A_187 : i32
      %lt3A_189 = arith.constant 16 : i32
      %lt3A_190 = arith.cmpi slt, %sub3A_186, %lt3A_189 : i32
      %and3A_191 = arith.andi %ge3A_188, %lt3A_190 : i1
      %convert_element_type3A_192 = arith.extui %and3A_191 : i1 to i32
      %cond3A_193 = arith.constant 0 : i32
      %cond3A_194 = arith.cmpi ne, %convert_element_type3A_192, %cond3A_193 : i32
      scf.if %cond3A_194 {
        %sub3A_213 = arith.constant 1 : i32
        %sub3A_214 = arith.subi %add3A_182, %sub3A_213 : i32
        %mul3A_215 = arith.constant 32 : i32
        %mul3A_216 = arith.muli %sub3A_214, %mul3A_215 : i32
        %add3A_217 = arith.addi %mul3A_32, %mul3A_216 : i32
        %dma_wait3A_218 = arith.constant 0 : i32
        %dma_wait3A_219 = tpu.memref_slice %arg4[%select_n3A, %add3A_217, %dma_wait3A_218] : memref<4x4096x768xf32, #tpu.memory_space<hbm>> -> memref<1x32x768xf32, #tpu.memory_space<hbm>>
        %dma_wait3A_220 = tpu.memref_squeeze %dma_wait3A_219 : memref<1x32x768xf32, #tpu.memory_space<hbm>> -> memref<32x768xf32, #tpu.memory_space<hbm>>
        %dma_wait3A_221 = arith.constant 0 : i32
        %dma_wait3A_222 = tpu.memref_slice %arg4[%select_n3A, %add3A_217, %dma_wait3A_221] : memref<4x4096x768xf32, #tpu.memory_space<hbm>> -> memref<1x32x768xf32, #tpu.memory_space<hbm>>
        %dma_wait3A_223 = tpu.memref_squeeze %dma_wait3A_222 : memref<1x32x768xf32, #tpu.memory_space<hbm>> -> memref<32x768xf32, #tpu.memory_space<hbm>>
        tpu.wait_dma2 semaphore(%arg16 : memref<!tpu.dma_semaphore, #tpu.memory_space<semaphore_mem>>) src(%arg8 : memref<32x768xf32, #tpu.memory_space<vmem>>) dst(%dma_wait3A_223 : memref<32x768xf32, #tpu.memory_space<hbm>>)
        %mul3A_224 = arith.constant 32 : i32
        %mul3A_225 = arith.muli %sub3A_186, %mul3A_224 : i32
        %dma_start3A_226 = tpu.memref_slice %arg5[%mul3A_225] : memref<512xi32, #tpu.memory_space<vmem>> -> memref<32xi32, #tpu.memory_space<vmem>>
        %dma_start3A_227 = arith.constant 0 : i32
        %dma_start3A_228 = arith.constant 0 : i32
        %dma_start3A_229 = tpu.memref_slice %arg3[%dma_start3A_227, %dma_start3A_228] : memref<100000x768xf32, #tpu.memory_space<hbm>> -> memref<100000x768xf32, #tpu.memory_space<hbm>>
        tpu.enqueue_indirect_dma source(%dma_start3A_229 : memref<100000x768xf32, #tpu.memory_space<hbm>>) target(%arg8 : memref<32x768xf32, #tpu.memory_space<vmem>>) offsets(%dma_start3A_226 : memref<32xi32, #tpu.memory_space<vmem>>) semaphore(%arg12 : memref<!tpu.dma_semaphore, #tpu.memory_space<semaphore_mem>>)
      } else {
      }
      %mul3A_195 = arith.constant 32 : i32
      %mul3A_196 = arith.muli %add3A_182, %mul3A_195 : i32
      %dma_wait3A_197 = tpu.memref_slice %arg5[%mul3A_196] : memref<512xi32, #tpu.memory_space<vmem>> -> memref<32xi32, #tpu.memory_space<vmem>>
      %dma_wait3A_198 = arith.constant 0 : i32
      %dma_wait3A_199 = arith.constant 0 : i32
      %dma_wait3A_200 = tpu.memref_slice %arg3[%dma_wait3A_198, %dma_wait3A_199] : memref<100000x768xf32, #tpu.memory_space<hbm>> -> memref<100000x768xf32, #tpu.memory_space<hbm>>
      tpu.wait_indirect_dma semaphore(%arg13 : memref<!tpu.dma_semaphore, #tpu.memory_space<semaphore_mem>>) src(%dma_wait3A_200 : memref<100000x768xf32, #tpu.memory_space<hbm>>) dst(%arg9 : memref<32x768xf32, #tpu.memory_space<vmem>>)
      %parallel_loop3A_201 = arith.constant 0 : i32
      %parallel_loop3A_202 = arith.constant 32 : i32
      %parallel_loop3A_203 = arith.constant 1 : i32
      scf.for %parallel_loop3A_213 = %parallel_loop3A_201 to %parallel_loop3A_202 step %parallel_loop3A_203  : i32 {
        %parallel_loop3A_214 = arith.constant 0 : i32
        %parallel_loop3A_215 = arith.constant 0 : i32
        %parallel_loop3A_216 = arith.constant 6 : i32
        %parallel_loop3A_217 = arith.addi %parallel_loop3A_215, %parallel_loop3A_216 : i32
        %parallel_loop3A_218 = arith.constant 1 : i32
        scf.for %scan3A_220 = %parallel_loop3A_215 to %parallel_loop3A_217 step %parallel_loop3A_218  : i32 {
          %parallel_loop3A_221 = arith.constant 128 : i32
          %parallel_loop3A_222 = arith.muli %scan3A_220, %parallel_loop3A_221 : i32
          %parallel_loop3A_223 = arith.constant 0 : i32
          %parallel_loop3A_224 = arith.addi %parallel_loop3A_222, %parallel_loop3A_223 : i32
          %parallel_loop3A_225 = arith.index_cast %parallel_loop3A_213 : i32 to index
          %parallel_loop3A_226 = arith.index_cast %parallel_loop3A_224 : i32 to index
          %parallel_loop3A_227 = tpu.vector_load %arg9[%parallel_loop3A_225, %parallel_loop3A_226] {strides = array<i32>} : memref<32x768xf32, #tpu.memory_space<vmem>>, vector<1x16xf32>,
          %parallel_loop3A_228 = vector.shape_cast %parallel_loop3A_227 : vector<1x16xf32> to vector<16xf32>
          %parallel_loop3A_229 = arith.constant 27.7128124 : f32
          %parallel_loop3A_230 = vector.broadcast %parallel_loop3A_229 : f32 to vector<16xf32>
          %parallel_loop3A_231 = arith.mulf %parallel_loop3A_228, %parallel_loop3A_230 : vector<16xf32>
          %parallel_loop3A_232 = arith.index_cast %parallel_loop3A_213 : i32 to index
          %parallel_loop3A_233 = arith.index_cast %parallel_loop3A_224 : i32 to index
          %parallel_loop3A_234 = tpu.vector_load %arg9[%parallel_loop3A_232, %parallel_loop3A_233] {strides = array<i32>} : memref<32x768xf32, #tpu.memory_space<vmem>>, vector<1x16xf32>,
          %parallel_loop3A_235 = vector.shape_cast %parallel_loop3A_234 : vector<1x16xf32> to vector<16xf32>
          %parallel_loop3A_236 = vector.shape_cast %parallel_loop3A_231 : vector<16xf32> to vector<1x16xf32>
          tpu.vector_store %arg9[%parallel_loop3A_232, %parallel_loop3A_233], %parallel_loop3A_236 {strides = array<i32>} : memref<32x768xf32, #tpu.memory_space<vmem>>, vector<1x16xf32>,
          %parallel_loop3A_237 = arith.constant 128 : i32
          %parallel_loop3A_238 = arith.muli %scan3A_220, %parallel_loop3A_237 : i32
          %parallel_loop3A_239 = arith.constant 16 : i32
          %parallel_loop3A_240 = arith.addi %parallel_loop3A_238, %parallel_loop3A_239 : i32
          %parallel_loop3A_241 = arith.index_cast %parallel_loop3A_213 : i32 to index
          %parallel_loop3A_242 = arith.index_cast %parallel_loop3A_240 : i32 to index
          %parallel_loop3A_243 = tpu.vector_load %arg9[%parallel_loop3A_241, %parallel_loop3A_242] {strides = array<i32>} : memref<32x768xf32, #tpu.memory_space<vmem>>, vector<1x16xf32>,
          %parallel_loop3A_244 = vector.shape_cast %parallel_loop3A_243 : vector<1x16xf32> to vector<16xf32>
          %parallel_loop3A_245 = arith.constant 27.7128124 : f32
          %parallel_loop3A_246 = vector.broadcast %parallel_loop3A_245 : f32 to vector<16xf32>
          %parallel_loop3A_247 = arith.mulf %parallel_loop3A_244, %parallel_loop3A_246 : vector<16xf32>
          %parallel_loop3A_248 = arith.index_cast %parallel_loop3A_213 : i32 to index
          %parallel_loop3A_249 = arith.index_cast %parallel_loop3A_240 : i32 to index
          %parallel_loop3A_250 = tpu.vector_load %arg9[%parallel_loop3A_248, %parallel_loop3A_249] {strides = array<i32>} : memref<32x768xf32, #tpu.memory_space<vmem>>, vector<1x16xf32>,
          %parallel_loop3A_251 = vector.shape_cast %parallel_loop3A_250 : vector<1x16xf32> to vector<16xf32>
          %parallel_loop3A_252 = vector.shape_cast %parallel_loop3A_247 : vector<16xf32> to vector<1x16xf32>
          tpu.vector_store %arg9[%parallel_loop3A_248, %parallel_loop3A_249], %parallel_loop3A_252 {strides = array<i32>} : memref<32x768xf32, #tpu.memory_space<vmem>>, vector<1x16xf32>,
          %parallel_loop3A_253 = arith.constant 128 : i32
          %parallel_loop3A_254 = arith.muli %scan3A_220, %parallel_loop3A_253 : i32
          %parallel_loop3A_255 = arith.constant 32 : i32
          %parallel_loop3A_256 = arith.addi %parallel_loop3A_254, %parallel_loop3A_255 : i32
          %parallel_loop3A_257 = arith.index_cast %parallel_loop3A_213 : i32 to index
          %parallel_loop3A_258 = arith.index_cast %parallel_loop3A_256 : i32 to index
          %parallel_loop3A_259 = tpu.vector_load %arg9[%parallel_loop3A_257, %parallel_loop3A_258] {strides = array<i32>} : memref<32x768xf32, #tpu.memory_space<vmem>>, vector<1x16xf32>,
          %parallel_loop3A_260 = vector.shape_cast %parallel_loop3A_259 : vector<1x16xf32> to vector<16xf32>
          %parallel_loop3A_261 = arith.constant 27.7128124 : f32
          %parallel_loop3A_262 = vector.broadcast %parallel_loop3A_261 : f32 to vector<16xf32>
          %parallel_loop3A_263 = arith.mulf %parallel_loop3A_260, %parallel_loop3A_262 : vector<16xf32>
          %parallel_loop3A_264 = arith.index_cast %parallel_loop3A_213 : i32 to index
          %parallel_loop3A_265 = arith.index_cast %parallel_loop3A_256 : i32 to index
          %parallel_loop3A_266 = tpu.vector_load %arg9[%parallel_loop3A_264, %parallel_loop3A_265] {strides = array<i32>} : memref<32x768xf32, #tpu.memory_space<vmem>>, vector<1x16xf32>,
          %parallel_loop3A_267 = vector.shape_cast %parallel_loop3A_266 : vector<1x16xf32> to vector<16xf32>
          %parallel_loop3A_268 = vector.shape_cast %parallel_loop3A_263 : vector<16xf32> to vector<1x16xf32>
          tpu.vector_store %arg9[%parallel_loop3A_264, %parallel_loop3A_265], %parallel_loop3A_268 {strides = array<i32>} : memref<32x768xf32, #tpu.memory_space<vmem>>, vector<1x16xf32>,
          %parallel_loop3A_269 = arith.constant 128 : i32
          %parallel_loop3A_270 = arith.muli %scan3A_220, %parallel_loop3A_269 : i32
          %parallel_loop3A_271 = arith.constant 48 : i32
          %parallel_loop3A_272 = arith.addi %parallel_loop3A_270, %parallel_loop3A_271 : i32
          %parallel_loop3A_273 = arith.index_cast %parallel_loop3A_213 : i32 to index
          %parallel_loop3A_274 = arith.index_cast %parallel_loop3A_272 : i32 to index
          %parallel_loop3A_275 = tpu.vector_load %arg9[%parallel_loop3A_273, %parallel_loop3A_274] {strides = array<i32>} : memref<32x768xf32, #tpu.memory_space<vmem>>, vector<1x16xf32>,
          %parallel_loop3A_276 = vector.shape_cast %parallel_loop3A_275 : vector<1x16xf32> to vector<16xf32>
          %parallel_loop3A_277 = arith.constant 27.7128124 : f32
          %parallel_loop3A_278 = vector.broadcast %parallel_loop3A_277 : f32 to vector<16xf32>
          %parallel_loop3A_279 = arith.mulf %parallel_loop3A_276, %parallel_loop3A_278 : vector<16xf32>
          %parallel_loop3A_280 = arith.index_cast %parallel_loop3A_213 : i32 to index
          %parallel_loop3A_281 = arith.index_cast %parallel_loop3A_272 : i32 to index
          %parallel_loop3A_282 = tpu.vector_load %arg9[%parallel_loop3A_280, %parallel_loop3A_281] {strides = array<i32>} : memref<32x768xf32, #tpu.memory_space<vmem>>, vector<1x16xf32>,
          %parallel_loop3A_283 = vector.shape_cast %parallel_loop3A_282 : vector<1x16xf32> to vector<16xf32>
          %parallel_loop3A_284 = vector.shape_cast %parallel_loop3A_279 : vector<16xf32> to vector<1x16xf32>
          tpu.vector_store %arg9[%parallel_loop3A_280, %parallel_loop3A_281], %parallel_loop3A_284 {strides = array<i32>} : memref<32x768xf32, #tpu.memory_space<vmem>>, vector<1x16xf32>,
          %parallel_loop3A_285 = arith.constant 128 : i32
          %parallel_loop3A_286 = arith.muli %scan3A_220, %parallel_loop3A_285 : i32
          %parallel_loop3A_287 = arith.constant 64 : i32
          %parallel_loop3A_288 = arith.addi %parallel_loop3A_286, %parallel_loop3A_287 : i32
          %parallel_loop3A_289 = arith.index_cast %parallel_loop3A_213 : i32 to index
          %parallel_loop3A_290 = arith.index_cast %parallel_loop3A_288 : i32 to index
          %parallel_loop3A_291 = tpu.vector_load %arg9[%parallel_loop3A_289, %parallel_loop3A_290] {strides = array<i32>} : memref<32x768xf32, #tpu.memory_space<vmem>>, vector<1x16xf32>,
          %parallel_loop3A_292 = vector.shape_cast %parallel_loop3A_291 : vector<1x16xf32> to vector<16xf32>
          %parallel_loop3A_293 = arith.constant 27.7128124 : f32
          %parallel_loop3A_294 = vector.broadcast %parallel_loop3A_293 : f32 to vector<16xf32>
          %parallel_loop3A_295 = arith.mulf %parallel_loop3A_292, %parallel_loop3A_294 : vector<16xf32>
          %parallel_loop3A_296 = arith.index_cast %parallel_loop3A_213 : i32 to index
          %parallel_loop3A_297 = arith.index_cast %parallel_loop3A_288 : i32 to index
          %parallel_loop3A_298 = tpu.vector_load %arg9[%parallel_loop3A_296, %parallel_loop3A_297] {strides = array<i32>} : memref<32x768xf32, #tpu.memory_space<vmem>>, vector<1x16xf32>,
          %parallel_loop3A_299 = vector.shape_cast %parallel_loop3A_298 : vector<1x16xf32> to vector<16xf32>
          %parallel_loop3A_300 = vector.shape_cast %parallel_loop3A_295 : vector<16xf32> to vector<1x16xf32>
          tpu.vector_store %arg9[%parallel_loop3A_296, %parallel_loop3A_297], %parallel_loop3A_300 {strides = array<i32>} : memref<32x768xf32, #tpu.memory_space<vmem>>, vector<1x16xf32>,
          %parallel_loop3A_301 = arith.constant 128 : i32
          %parallel_loop3A_302 = arith.muli %scan3A_220, %parallel_loop3A_301 : i32
          %parallel_loop3A_303 = arith.constant 80 : i32
          %parallel_loop3A_304 = arith.addi %parallel_loop3A_302, %parallel_loop3A_303 : i32
          %parallel_loop3A_305 = arith.index_cast %parallel_loop3A_213 : i32 to index
          %parallel_loop3A_306 = arith.index_cast %parallel_loop3A_304 : i32 to index
          %parallel_loop3A_307 = tpu.vector_load %arg9[%parallel_loop3A_305, %parallel_loop3A_306] {strides = array<i32>} : memref<32x768xf32, #tpu.memory_space<vmem>>, vector<1x16xf32>,
          %parallel_loop3A_308 = vector.shape_cast %parallel_loop3A_307 : vector<1x16xf32> to vector<16xf32>
          %parallel_loop3A_309 = arith.constant 27.7128124 : f32
          %parallel_loop3A_310 = vector.broadcast %parallel_loop3A_309 : f32 to vector<16xf32>
          %parallel_loop3A_311 = arith.mulf %parallel_loop3A_308, %parallel_loop3A_310 : vector<16xf32>
          %parallel_loop3A_312 = arith.index_cast %parallel_loop3A_213 : i32 to index
          %parallel_loop3A_313 = arith.index_cast %parallel_loop3A_304 : i32 to index
          %parallel_loop3A_314 = tpu.vector_load %arg9[%parallel_loop3A_312, %parallel_loop3A_313] {strides = array<i32>} : memref<32x768xf32, #tpu.memory_space<vmem>>, vector<1x16xf32>,
          %parallel_loop3A_315 = vector.shape_cast %parallel_loop3A_314 : vector<1x16xf32> to vector<16xf32>
          %parallel_loop3A_316 = vector.shape_cast %parallel_loop3A_311 : vector<16xf32> to vector<1x16xf32>
          tpu.vector_store %arg9[%parallel_loop3A_312, %parallel_loop3A_313], %parallel_loop3A_316 {strides = array<i32>} : memref<32x768xf32, #tpu.memory_space<vmem>>, vector<1x16xf32>,
          %parallel_loop3A_317 = arith.constant 128 : i32
          %parallel_loop3A_318 = arith.muli %scan3A_220, %parallel_loop3A_317 : i32
          %parallel_loop3A_319 = arith.constant 96 : i32
          %parallel_loop3A_320 = arith.addi %parallel_loop3A_318, %parallel_loop3A_319 : i32
          %parallel_loop3A_321 = arith.index_cast %parallel_loop3A_213 : i32 to index
          %parallel_loop3A_322 = arith.index_cast %parallel_loop3A_320 : i32 to index
          %parallel_loop3A_323 = tpu.vector_load %arg9[%parallel_loop3A_321, %parallel_loop3A_322] {strides = array<i32>} : memref<32x768xf32, #tpu.memory_space<vmem>>, vector<1x16xf32>,
          %parallel_loop3A_324 = vector.shape_cast %parallel_loop3A_323 : vector<1x16xf32> to vector<16xf32>
          %parallel_loop3A_325 = arith.constant 27.7128124 : f32
          %parallel_loop3A_326 = vector.broadcast %parallel_loop3A_325 : f32 to vector<16xf32>
          %parallel_loop3A_327 = arith.mulf %parallel_loop3A_324, %parallel_loop3A_326 : vector<16xf32>
          %parallel_loop3A_328 = arith.index_cast %parallel_loop3A_213 : i32 to index
          %parallel_loop3A_329 = arith.index_cast %parallel_loop3A_320 : i32 to index
          %parallel_loop3A_330 = tpu.vector_load %arg9[%parallel_loop3A_328, %parallel_loop3A_329] {strides = array<i32>} : memref<32x768xf32, #tpu.memory_space<vmem>>, vector<1x16xf32>,
          %parallel_loop3A_331 = vector.shape_cast %parallel_loop3A_330 : vector<1x16xf32> to vector<16xf32>
          %parallel_loop3A_332 = vector.shape_cast %parallel_loop3A_327 : vector<16xf32> to vector<1x16xf32>
          tpu.vector_store %arg9[%parallel_loop3A_328, %parallel_loop3A_329], %parallel_loop3A_332 {strides = array<i32>} : memref<32x768xf32, #tpu.memory_space<vmem>>, vector<1x16xf32>,
          %parallel_loop3A_333 = arith.constant 128 : i32
          %parallel_loop3A_334 = arith.muli %scan3A_220, %parallel_loop3A_333 : i32
          %parallel_loop3A_335 = arith.constant 112 : i32
          %parallel_loop3A_336 = arith.addi %parallel_loop3A_334, %parallel_loop3A_335 : i32
          %parallel_loop3A_337 = arith.index_cast %parallel_loop3A_213 : i32 to index
          %parallel_loop3A_338 = arith.index_cast %parallel_loop3A_336 : i32 to index
          %parallel_loop3A_339 = tpu.vector_load %arg9[%parallel_loop3A_337, %parallel_loop3A_338] {strides = array<i32>} : memref<32x768xf32, #tpu.memory_space<vmem>>, vector<1x16xf32>,
          %parallel_loop3A_340 = vector.shape_cast %parallel_loop3A_339 : vector<1x16xf32> to vector<16xf32>
          %parallel_loop3A_341 = arith.constant 27.7128124 : f32
          %parallel_loop3A_342 = vector.broadcast %parallel_loop3A_341 : f32 to vector<16xf32>
          %parallel_loop3A_343 = arith.mulf %parallel_loop3A_340, %parallel_loop3A_342 : vector<16xf32>
          %parallel_loop3A_344 = arith.index_cast %parallel_loop3A_213 : i32 to index
          %parallel_loop3A_345 = arith.index_cast %parallel_loop3A_336 : i32 to index
          %parallel_loop3A_346 = tpu.vector_load %arg9[%parallel_loop3A_344, %parallel_loop3A_345] {strides = array<i32>} : memref<32x768xf32, #tpu.memory_space<vmem>>, vector<1x16xf32>,
          %parallel_loop3A_347 = vector.shape_cast %parallel_loop3A_346 : vector<1x16xf32> to vector<16xf32>
          %parallel_loop3A_348 = vector.shape_cast %parallel_loop3A_343 : vector<16xf32> to vector<1x16xf32>
          tpu.vector_store %arg9[%parallel_loop3A_344, %parallel_loop3A_345], %parallel_loop3A_348 {strides = array<i32>} : memref<32x768xf32, #tpu.memory_space<vmem>>, vector<1x16xf32>,
        }
        %parallel_loop3A_219 = arith.constant 6 : i32
      } {sc.loop_unroll_factor = 1 : i64, sc.parallel_access}
      %mul3A_204 = arith.constant 32 : i32
      %mul3A_205 = arith.muli %add3A_182, %mul3A_204 : i32
      %add3A_206 = arith.addi %mul3A_32, %mul3A_205 : i32
      %dma_start3A_207 = arith.constant 0 : i32
      %dma_start3A_208 = tpu.memref_slice %arg4[%select_n3A, %add3A_206, %dma_start3A_207] : memref<4x4096x768xf32, #tpu.memory_space<hbm>> -> memref<1x32x768xf32, #tpu.memory_space<hbm>>
      %dma_start3A_209 = tpu.memref_squeeze %dma_start3A_208 : memref<1x32x768xf32, #tpu.memory_space<hbm>> -> memref<32x768xf32, #tpu.memory_space<hbm>>
      %dma_start3A_210 = arith.constant 0 : i32
      %dma_start3A_211 = tpu.memref_slice %arg4[%select_n3A, %add3A_206, %dma_start3A_210] : memref<4x4096x768xf32, #tpu.memory_space<hbm>> -> memref<1x32x768xf32, #tpu.memory_space<hbm>>
      %dma_start3A_212 = tpu.memref_squeeze %dma_start3A_211 : memref<1x32x768xf32, #tpu.memory_space<hbm>> -> memref<32x768xf32, #tpu.memory_space<hbm>>
      tpu.enqueue_dma source(%arg9 : memref<32x768xf32, #tpu.memory_space<vmem>>) target(%dma_start3A_212 : memref<32x768xf32, #tpu.memory_space<hbm>>) target_semaphore(%arg17 : memref<!tpu.dma_semaphore, #tpu.memory_space<semaphore_mem>>)
    }
    %scan3A_56 = arith.constant 4 : i32
    %add3A_57 = arith.constant 416 : i32
    %add3A_58 = arith.addi %mul3A_32, %add3A_57 : i32
    %dma_wait3A = arith.constant 0 : i32
    %dma_wait3A_59 = tpu.memref_slice %arg4[%select_n3A, %add3A_58, %dma_wait3A] : memref<4x4096x768xf32, #tpu.memory_space<hbm>> -> memref<1x32x768xf32, #tpu.memory_space<hbm>>
    %dma_wait3A_60 = tpu.memref_squeeze %dma_wait3A_59 : memref<1x32x768xf32, #tpu.memory_space<hbm>> -> memref<32x768xf32, #tpu.memory_space<hbm>>
    %dma_wait3A_61 = arith.constant 0 : i32
    %dma_wait3A_62 = tpu.memref_slice %arg4[%select_n3A, %add3A_58, %dma_wait3A_61] : memref<4x4096x768xf32, #tpu.memory_space<hbm>> -> memref<1x32x768xf32, #tpu.memory_space<hbm>>
    %dma_wait3A_63 = tpu.memref_squeeze %dma_wait3A_62 : memref<1x32x768xf32, #tpu.memory_space<hbm>> -> memref<32x768xf32, #tpu.memory_space<hbm>>
    tpu.wait_dma2 semaphore(%arg15 : memref<!tpu.dma_semaphore, #tpu.memory_space<semaphore_mem>>) src(%arg7 : memref<32x768xf32, #tpu.memory_space<vmem>>) dst(%dma_wait3A_63 : memref<32x768xf32, #tpu.memory_space<hbm>>)
    %add3A_64 = arith.constant 448 : i32
    %add3A_65 = arith.addi %mul3A_32, %add3A_64 : i32
    %dma_wait3A_66 = arith.constant 0 : i32
    %dma_wait3A_67 = tpu.memref_slice %arg4[%select_n3A, %add3A_65, %dma_wait3A_66] : memref<4x4096x768xf32, #tpu.memory_space<hbm>> -> memref<1x32x768xf32, #tpu.memory_space<hbm>>
    %dma_wait3A_68 = tpu.memref_squeeze %dma_wait3A_67 : memref<1x32x768xf32, #tpu.memory_space<hbm>> -> memref<32x768xf32, #tpu.memory_space<hbm>>
    %dma_wait3A_69 = arith.constant 0 : i32
    %dma_wait3A_70 = tpu.memref_slice %arg4[%select_n3A, %add3A_65, %dma_wait3A_69] : memref<4x4096x768xf32, #tpu.memory_space<hbm>> -> memref<1x32x768xf32, #tpu.memory_space<hbm>>
    %dma_wait3A_71 = tpu.memref_squeeze %dma_wait3A_70 : memref<1x32x768xf32, #tpu.memory_space<hbm>> -> memref<32x768xf32, #tpu.memory_space<hbm>>
    tpu.wait_dma2 semaphore(%arg16 : memref<!tpu.dma_semaphore, #tpu.memory_space<semaphore_mem>>) src(%arg8 : memref<32x768xf32, #tpu.memory_space<vmem>>) dst(%dma_wait3A_71 : memref<32x768xf32, #tpu.memory_space<hbm>>)
    %add3A_72 = arith.constant 480 : i32
    %add3A_73 = arith.addi %mul3A_32, %add3A_72 : i32
    %dma_wait3A_74 = arith.constant 0 : i32
    %dma_wait3A_75 = tpu.memref_slice %arg4[%select_n3A, %add3A_73, %dma_wait3A_74] : memref<4x4096x768xf32, #tpu.memory_space<hbm>> -> memref<1x32x768xf32, #tpu.memory_space<hbm>>
    %dma_wait3A_76 = tpu.memref_squeeze %dma_wait3A_75 : memref<1x32x768xf32, #tpu.memory_space<hbm>> -> memref<32x768xf32, #tpu.memory_space<hbm>>
    %dma_wait3A_77 = arith.constant 0 : i32
    %dma_wait3A_78 = tpu.memref_slice %arg4[%select_n3A, %add3A_73, %dma_wait3A_77] : memref<4x4096x768xf32, #tpu.memory_space<hbm>> -> memref<1x32x768xf32, #tpu.memory_space<hbm>>
    %dma_wait3A_79 = tpu.memref_squeeze %dma_wait3A_78 : memref<1x32x768xf32, #tpu.memory_space<hbm>> -> memref<32x768xf32, #tpu.memory_space<hbm>>
    tpu.wait_dma2 semaphore(%arg17 : memref<!tpu.dma_semaphore, #tpu.memory_space<semaphore_mem>>) src(%arg9 : memref<32x768xf32, #tpu.memory_space<vmem>>) dst(%dma_wait3A_79 : memref<32x768xf32, #tpu.memory_space<hbm>>)
    return
  }
}

</mosaic_0001>

<sc_bundles>
// kernel: kernel.3.cloned.1.call-start
scs
__scs_entry_jumppad:
0x0: {  	(pc) =	sbr.rel $0x88, $3  }
0x1: {  	(tag) =	ssettag $0x0;
	lr =	simm.s32 $0x1  }
0x2: {  	[smem:$0x3F9F] =	sst lr;
	_ =	strace $0xD0000000  }
0x3: {  	_ = 	snop  }
0x4: {  	_ = 	snop  }
0x5: {  	_ = 	snop  }
0x6: {  	_ = 	snop  }
0x7: {  	_ = 	snop  }
__scs_overlays_trampoline_lowered:
0x8: {  	[smem:$0x3FAE] =	sst s0  }
0x9: {  	[smem:$0x3FAF] =	sst s1  }
0xa: {  	[smem:$0x3FB0] =	sst s2  }
0xb: {  	[smem:$0x3FB1] =	sst s3  }
0xc: {  	[smem:$0x3FB2] =	sst s4  }
0xd: {  	[smem:$0x3FB3] =	sst s5  }
0xe: {  	[smem:$0x3FB4] =	sst s6  }
0xf: {  	[smem:$0x3FB5] =	sst s7  }
0x10: {  	[smem:$0x3FB6] =	sst s8  }
0x11: {  	[smem:$0x3FB7] =	sst s9;
	s0 =	simm.s32 @!p0 $0x0  }
0x12: {  	s1 =	sld [smem:$0x3F9D];
	s0 =	simm.s32 @p0 $0x1  }
0x13: {  	[smem:$0x3FB8] =	sst s0;
	s0 =	simm.s32 @!p1 $0x0  }
0x14: {  	s2 =	sld [smem:$0x3F9C];
	s0 =	simm.s32 @p1 $0x1  }
0x15: {  	[smem:$0x3FB9] =	sst s0;
	s0 =	simm.s32 @!p2 $0x0  }
0x16: {  	s3 =	sld [smem:$0x3FDB];
	s0 =	simm.s32 @p2 $0x1  }
0x17: {  	s4 =	simm.s32 $0x1BF5;
	[smem:$0x3FBB] =	sst s0  }
0x18: {  	s0 =	sld [smem:$0x3F9E];
	_ =	swait.ge [sflag:s4], $0x0  }
0x19: {  	s7 =	sld [smem:$0x3F9F]  }
0x1a: {  	s8 =	sadd.s32 $0xFFFFE003, lr  }
0x1b: {  	s9 =	sadd.s32 $0xFFFFFEF7, lr;
	s5 =	simm.s32 $0xFFFFFFFF;
	p2 =	slt.u32 s8, $0xFFFFF086  }
0x1c: {  	p1 =	slt.u32 s9, $0xF7A;
	s5 =	simm.s32 @!p2 $0x0  }
0x1d: {  	s5 =	simm.s32 @p1 $0x1;
	p0 =	seq.s32 s7, s2  }
0x1e: {  	s7 =	smul.u32 @!p0 $0xF7A, s2;
	p2 =	seq.s32 @!p0 s5, $0x0  }
0x1f: {  	s9 =	smul.u32 $0xF7A, s1;
	s8 =	simm.s32 @!p0 $0x1BF5;
	p2 =	por !p2, p0  }
0x20: {  	[sflag:s8] =	ssyncset.s32 @!p0 $0xFFFFF086;
	s6 =	sadd.s32 @!p0 s3, s7;
	s7 =	simm.s32 @!p0 $0x108  }
0x21: {  	s3 =	sadd.s32 s3, s9;
	s6 =	sadd.s32 @!p0 $0x88, s6;
	s7 =	simm.s32 @p2 $0x1082  }
0x22: {  	[simem:s7], [sflag:s8] =	dma.local @!p0 [hbm:s6], $0xF7A  }
0x23: {  	s9 =	sor.u32 $0xD0000000, s2;
	s6 =	simm.s32 $0x108;
	_ =	swait.ge @!p0 [sflag:s8], $0x0  }
0x24: {  	s3 =	sadd.s32 $0x88, s3;
	s6 =	simm.s32 @!p1 $0x1082;
	[sflag:s4] =	ssyncset.s32 $0xFFFFF086  }
0x25: {  	[simem:s6], [sflag:s4] =	dma.local [hbm:s3], $0xF7A  }
0x26: {  	[smem:$0x3F9F] =	sst s1;
	(tag) =	ssettag s2;
	_ =	strace s9  }
0x27: {  	s1 =	sld [smem:$0x3FAF]  }
0x28: {  	s2 =	sld [smem:$0x3FB0]  }
0x29: {  	s4 =	sld [smem:$0x3FB2]  }
0x2a: {  	p0 =	seq.s32 s5, $0x0;
	s5 =	sld [smem:$0x3FB3]  }
0x2b: {  	s6 =	sld [smem:$0x3FB4]  }
0x2c: {  	s7 =	sld [smem:$0x3FB5]  }
0x2d: {  	s3 =	simm.s32 $0x108;
	s8 =	sld [smem:$0x3FB6]  }
0x2e: {  	s3 =	simm.s32 @!p0 $0x1082;
	s9 =	sld [smem:$0x3FB7]  }
0x2f: {  	lr =	sadd.s32 s0, s3;
	s0 =	sld [smem:$0x3FAE]  }
0x30: {  	s3 =	sld [smem:$0x3FB1]  }
0x31: {  	[smem:$0x3FBA] =	sst s10  }
0x32: {  	s10 =	sld [smem:$0x3FB8];
	_ =	sdelay $0x3  }
0x33: {  	p0 =	seq.s32 s10, $0x1;
	s10 =	sld [smem:$0x3FBA];
	_ =	sdelay $0x3  }
0x34: {  	[smem:$0x3FBA] =	sst s10  }
0x35: {  	s10 =	sld [smem:$0x3FB9];
	_ =	sdelay $0x3  }
0x36: {  	p1 =	seq.s32 s10, $0x1;
	s10 =	sld [smem:$0x3FBA];
	_ =	sdelay $0x3  }
0x37: {  	[smem:$0x3FBA] =	sst s10  }
0x38: {  	s10 =	sld [smem:$0x3FBB]  }
0x39: {  	_ = 	snop;
	(pc) =	sbr.ind lr, $3  }
0x3a: {  	_ = 	snop  }
0x3b: {  	_ = 	snop  }
0x3c: {  	p2 =	seq.s32 s10, $0x1;
	s10 =	sld [smem:$0x3FBA]  }
0x3d: {  	_ =	shalt  }
0x3e: {  	_ =	shalt  }
0x3f: {  	_ =	shalt  }
0x40: {  	_ =	shalt  }
0x41: {  	_ =	shalt  }
0x42: {  	_ =	shalt  }
0x43: {  	_ =	shalt  }
0x44: {  	_ =	shalt  }
0x45: {  	_ =	shalt  }
0x46: {  	_ =	shalt  }
0x47: {  	_ =	shalt  }
0x48: {  	_ =	shalt  }
0x49: {  	_ =	shalt  }
0x4a: {  	_ =	shalt  }
0x4b: {  	_ =	shalt  }
0x4c: {  	_ =	shalt  }
0x4d: {  	_ =	shalt  }
0x4e: {  	_ =	shalt  }
0x4f: {  	_ =	shalt  }
0x50: {  	_ =	shalt  }
0x51: {  	_ =	shalt  }
0x52: {  	_ =	shalt  }
0x53: {  	_ =	shalt  }
0x54: {  	_ =	shalt  }
0x55: {  	_ =	shalt  }
0x56: {  	_ =	shalt  }
0x57: {  	_ =	shalt  }
0x58: {  	_ =	shalt  }
0x59: {  	_ =	shalt  }
0x5a: {  	_ =	shalt  }
0x5b: {  	_ =	shalt  }
0x5c: {  	_ =	shalt  }
0x5d: {  	_ =	shalt  }
0x5e: {  	_ =	shalt  }
0x5f: {  	_ =	shalt  }
0x60: {  	_ =	shalt  }
0x61: {  	_ =	shalt  }
0x62: {  	_ =	shalt  }
0x63: {  	_ =	shalt  }
0x64: {  	_ =	shalt  }
0x65: {  	_ =	shalt  }
0x66: {  	_ =	shalt  }
0x67: {  	_ =	shalt  }
0x68: {  	_ =	shalt  }
0x69: {  	_ =	shalt  }
0x6a: {  	_ =	shalt  }
0x6b: {  	_ =	shalt  }
0x6c: {  	_ =	shalt  }
0x6d: {  	_ =	shalt  }
0x6e: {  	_ =	shalt  }
0x6f: {  	_ =	shalt  }
0x70: {  	_ =	shalt  }
0x71: {  	_ =	shalt  }
0x72: {  	_ =	shalt  }
0x73: {  	_ =	shalt  }
0x74: {  	_ =	shalt  }
0x75: {  	_ =	shalt  }
0x76: {  	_ =	shalt  }
0x77: {  	_ =	shalt  }
0x78: {  	_ =	shalt  }
0x79: {  	_ =	shalt  }
0x7a: {  	_ =	shalt  }
0x7b: {  	_ =	shalt  }
0x7c: {  	_ =	shalt  }
0x7d: {  	_ =	shalt  }
0x7e: {  	_ =	shalt  }
0x7f: {  	_ =	shalt  }
0x80: {  	_ =	shalt  }
0x81: {  	_ =	shalt  }
0x82: {  	_ =	shalt  }
0x83: {  	_ =	shalt  }
0x84: {  	_ =	shalt  }
0x85: {  	_ =	shalt  }
0x86: {  	_ =	shalt  }
0x87: {  	_ =	shalt  }
.Lfunc_end0:
.L_simem_size_0:
called_computation_lowered:
.L_overlay_start_0:
0x88: {  	s2 =	sld [smem:$0x3FD9]  }
0x89: {  	s3 =	sld [smem:$0x3FFE];
	_ =	sdelay $0x1  }
0x8a: {  	s1 =	srdreg.scid  }
0x8b: {  	s0 =	sand.u32 $0x1, s1  }
0x8c: {  	s18 =	sshll.u32 s0, $0xA;
	s2 =	sadd.s32 s3, s2  }
0x8d: {  	s2 =	sadd.s32 s2, s18  }
0x8e: {  	[smem:$0x3FC6] =	sst s2  }
0x8f: {  	_ = 	snop  }
0x90: {  	s2 =	sld [smem:$0x3FC9]  }
0x91: {  	s19 =	sld [smem:$0x3FC8]  }
0x92: {  	s4 =	sld [smem:$0x3FD0];
	(tm) =	ssettm $0x1  }
0x93: {  	s5 =	sld [smem:$0x3FFB];
	_ =	sdelay $0x3  }
0x94: {  	_ =	strace s5  }
0x95: {  	s5 =	sld [smem:$0x3FFC];
	_ =	sdelay $0x3  }
0x96: {  	_ =	strace s5  }
0x97: {  	s5 =	sld [smem:$0x3FFD];
	_ =	sdelay $0x3  }
0x98: {  	_ =	strace s5  }
0x99: {  	_ =	strace $0x8FFFFFFF  }
0x9a: {  	s20 =	sld [smem:$0x3FDB];
	_ =	sdelay $0x1  }
0x9b: {  	s6 =	simm.s32 $_scs_section_size  }
0x9c: {  	s7 =	simm.s32 $_size__tile_overlayer_lowered;
	s8 =	simm.s32 $_tile_overlayer_lowered  }
0x9d: {  	s23 =	simm.s32 $0x1BFF;
	s22 =	sshll.u32 s8, $0x1;
	s5 =	sadd.s32 s6, s20  }
0x9e: {  	s9 =	simm.s32 $0x0;
	s21 =	sshll.u32 s7, $0x1;
	s7 =	sadd.s32 s22, s5  }
0x9f: {  	[timem:s9], [sflag:s23] =	dma.local [hbm:s7], s21  }
0xa0: {  	_ =	swait.ge [sflag:s23], s21  }
0xa1: {  	s6 =	ssub.s32 $0x0, s21;
	[sflag:s23] =	ssyncset.done $0x0  }
0xa2: {  	[sflag:s23] =	ssyncadd.s32 s6;
	_ =	sdelay $0x1  }
0xa3: {  	s24 =	simm.s32 $0x1B8B  }
0xa4: {  	_ =	swait.ge [sflag:s24], $0x1  }
0xa5: {  	[sflag:s24] =	ssyncset.done $0x0  }
0xa6: {  	s25 =	simm.s32 $0x1B8E;
	[sflag:s24] =	ssyncadd.s32 $0xFFFFFFFF  }
0xa7: {  	s26 =	simm.s32 $execute0_lowered;
	[smem:$0x3FD2] =	sst s25  }
0xa8: {  	s6 =	sshll.u32 s26, $0x1;
	_ =	strace $0x80000046;
	[dreg:$0x1] =	wrdreg $0xFFFFFFFF  }
0xa9: {  	s28 =	simm.s32 $_size_execute0_lowered;
	s5 =	sadd.s32 s5, s6;
	[dreg:$0x0] =	wrdreg $0x0  }
0xaa: {  	s6 =	sshll.u32 s28, $0x1;
	[dreg:$0x2] =	wrdreg s5  }
0xab: {  	[dreg:$0x3] =	wrdreg s6  }
0xac: {  	[dreg:$0x4] =	wrdreg $0xC0  }
0xad: {  	_ =	task [dreg:s9], $0x5FFFF  }
0xae: {  	[dreg:$0x1] =	wrdreg $0xFFFFFFFF  }
0xaf: {  	[dreg:$0x0] =	wrdreg $0x60  }
0xb0: {  	[dreg:$0x2] =	wrdreg s2  }
0xb1: {  	[dreg:$0x3] =	wrdreg s19  }
0xb2: {  	[dreg:$0x4] =	wrdreg s4  }
0xb3: {  	[dreg:$0x5] =	wrdreg $0x9  }
0xb4: {  	_ =	task.clear_ibuf [dreg:s9], $0x6FFFF;
	_ =	strace $0x90000046  }
0xb5: {  	s29 =	simm.s32 $0x9;
	_ =	strace $0x80000048  }
0xb6: {  	_ =	swait.ge [sflag:s29], $0x1  }
0xb7: {  	[sflag:s29] =	ssyncadd.s32 $0xFFFFFFFF  }
0xb8: {  	_ =	strace $0x90000048  }
0xb9: {  	_ =	sfence  }
0xba: {  	s30 =	sld [smem:$0x0];
	_ =	sdelay $0x2  }
0xbb: {  	s31 =	sshll.u32 s1, $0xD;
	s1 =	sshrl.u32 s1, $0x2  }
0xbc: {  	s3 =	sand.u32 $0x4000, s31;
	s1 =	sadd.s32 s1, s30  }
0xbd: {  	s0 =	sor.u32 s3, s0;
	s1 =	sshll.u32 s1, $0x11  }
0xbe: {  	s0 =	sor.u32 s1, s0  }
0xbf: {  	s0 =	sadd.s32 $0x8F2B, s0  }
0xc0: {  	[sflag:s0] =	ssyncadd.remote.s32 $0x1  }
0xc1: {  	_ =	sfence.sel $0xFFFF  }
0xc2: {  	[dreg:$0x0] =	wrdreg $0xFFFFFFFF;
	(pc) =	sbr.abs _section_cstart, $3  }
0xc3: {  	[dreg:$0x1] =	wrdreg $0xFFFFFFFF  }
0xc4: {  	_ =	task.clear_ibuf [dreg:s9], $0x2FFFF;
	_ =	strace $0x9FFFFFFF  }
0xc5: {  	(tm) =	ssettm $0x7FFFFFFF  }
tec
execute0_lowered:
.L_overlay_start_1:
0x0: {  	(tag) =	ssettag $0x1  }
0x1: {  	s0 =	rddreg [dreg:$0x0]  }
0x2: {  	s1 =	rddreg [dreg:$0x1]  }
0x3: {  	s3 =	rddreg [dreg:$0x2];
	s4 =	simm.s32 $0x0  }
0x4: {  	s2 =	srdreg.scid;
	s8 =	stileid.u32;
	s13 =	simm.s32 $0x200  }
0x5: {  	s14 =	simm.s32 $0x9;
	s19 =	simm.s32 $0xC200;
	s28 =	simm.s32 $0x1  }
0x6: {  	s29 =	simm.s32 $0x2;
	s30 =	simm.s32 $0x3;
	s31 =	simm.s32 $0x4  }
0x7: {  	s12 =	simm.s32 $0x7;
	s15 =	simm.s32 $0x8;
	s16 =	simm.s32 $0x0  }
0x8: {  	[smem:$0x7FF] =	sst s4;
	s2 =	sand.u32 $0x1, s2;
	s5 =	sshll.u32 s8, $0x1  }
0x9: {  	s8 =	sshrl.u32 s8, $0x2;
	s9 =	sadd.s32 $0x200, s1;
	_ =	strace $0x80000047  }
0xa: {  	s6 =	ssub.s32 $0x2, s2;
	s5 =	sand.u32 $0x6, s5;
	s26 =	sshll.u32 s8, $0x4  }
0xb: {  	s7 =	sshrl.u32 s6, $0x1;
	s2 =	sor.u32 s2, s5;
	s0 =	sadd.s32 s0, s26  }
0xc: {  	s26 =	simm.s32 $0x6200;
	s10 =	ssub.s32 s6, s7;
	s5 =	sshll.u32 s2, $0x9  }
0xd: {  	v2 =	vlaneseq.u32;
	s2 =	sshll.u32 s2, $0x8;
	s6 =	smul.u32 $0x300000, s8;
	s8 =	sadd.s32 $0x100, s1  }
0xe: {  	vm0 =	vmmov $0xffff;
	v1 =	vshrl.u32 v2, $0x3;
	s0 =	sadd.s32 s2, s0;
	s10 =	smax.u32 s10, $0x1;
	s2 =	simm.s32 $0x12200  }
0xf: {  	v0 =	vand.u32 $0x7, v2;
	v2 =	vor.u32 $0x8, v2;
	v1 =	vmul.u32 $0x8, v1;
	[dreg:$0x4] =	wrdreg s0;
	s11 =	sor.u32 $0xC000, s6;
	s0 =	simm.s32 $0x6  }
.LBB2_1:
0x10: {  	s7 =	rddreg [dreg:$0x4];
	s17 =	simm.s32 $0x80  }
0x11: {  	[tilespmem:s4], [sflag:$0x9] =	stream.strided.gather [hbm4b:s7+s17], $0x200, s13, s17, $0x38;
	[tilespmem:$0x18200] =	vst v63  }
0x12: {  	_ =	swait.ge [sflag:s14], $0x200  }
0x13: {  	[sflag:s14] =	ssyncset.done $0x0  }
0x14: {  	[sflag:s14] =	ssyncadd.s32 $0xFFFFFE00  }
0x15: {  	v3 =	vld [tilespmem:$0x0];
	_ =	sdelay $0x4  }
0x16: {  	v4 =	vshrl.u32 v3, $0x3  }
0x17: {  	v4 =	vmul.u32 $0x30, v4  }
0x18: {  	v3 =	vand.u32 $0x7, v3  }
0x19: {  	v3 =	vor.u32 v3, v4  }
0x1a: {  	v4 =	vperm.xlane v3, v0;
	_ =	sdelay $0x1  }
0x1b: {  	v4 =	vadd.s32 v1, v4;
	_ =	sdelay $0x3  }
0x1c: {  	v3 =	vperm.xlane v3, v2  }
0x1d: {  	[tilespmem:s13], [sflag:$0x1] =	stream.indirect_vreg.gather [hbm4b:s1+s4], $0x80, v4, vm0, $0xb8;
	[tilespmem:$0x18200] =	vst v63  }
0x1e: {  	s22 =	simm.s32 $0xA00;
	v3 =	vadd.s32 v1, v3  }
0x1f: {  	[tilespmem:s22], [sflag:$0x1] =	stream.indirect_vreg.gather [hbm4b:s8+s4], $0x80, v4, vm0, $0xb8;
	[tilespmem:$0x18200] =	vst v63  }
0x20: {  	s23 =	simm.s32 $0x1200  }
0x21: {  	[tilespmem:s23], [sflag:$0x1] =	stream.indirect_vreg.gather [hbm4b:s9+s4], $0x80, v4, vm0, $0xb8;
	[tilespmem:$0x18200] =	vst v63  }
0x22: {  	s24 =	simm.s32 $0x1A00  }
0x23: {  	[tilespmem:s24], [sflag:$0x1] =	stream.indirect_vreg.gather [hbm4b:s1+s4], $0x80, v3, vm0, $0xb8;
	[tilespmem:$0x18200] =	vst v63  }
0x24: {  	s25 =	simm.s32 $0x2200  }
0x25: {  	[tilespmem:s25], [sflag:$0x1] =	stream.indirect_vreg.gather [hbm4b:s8+s4], $0x80, v3, vm0, $0xb8;
	[tilespmem:$0x18200] =	vst v63  }
0x26: {  	s17 =	simm.s32 $0x2A00  }
0x27: {  	[tilespmem:s17], [sflag:$0x1] =	stream.indirect_vreg.gather [hbm4b:s9+s4], $0x80, v3, vm0, $0xb8;
	[tilespmem:$0x18200] =	vst v63  }
0x28: {  	v3 =	vld [tilespmem:$0x10];
	_ =	sdelay $0x4  }
0x29: {  	v57 =	vshrl.u32 v3, $0x3  }
0x2a: {  	v4 =	vmul.u32 $0x30, v57  }
0x2b: {  	v3 =	vand.u32 $0x7, v3  }
0x2c: {  	v3 =	vor.u32 v3, v4  }
0x2d: {  	v4 =	vperm.xlane v3, v0;
	_ =	sdelay $0x1  }
0x2e: {  	v4 =	vadd.s32 v1, v4;
	_ =	sdelay $0x3  }
0x2f: {  	s18 =	simm.s32 $0x3200;
	v3 =	vperm.xlane v3, v2  }
0x30: {  	[tilespmem:s18], [sflag:$0x1] =	stream.indirect_vreg.gather [hbm4b:s1+s4], $0x80, v4, vm0, $0xb8;
	[tilespmem:$0x18200] =	vst v63  }
0x31: {  	s20 =	simm.s32 $0x3A00;
	v3 =	vadd.s32 v1, v3  }
0x32: {  	[tilespmem:s20], [sflag:$0x1] =	stream.indirect_vreg.gather [hbm4b:s8+s4], $0x80, v4, vm0, $0xb8;
	[tilespmem:$0x18200] =	vst v63  }
0x33: {  	s21 =	simm.s32 $0x4200  }
0x34: {  	[tilespmem:s21], [sflag:$0x1] =	stream.indirect_vreg.gather [hbm4b:s9+s4], $0x80, v4, vm0, $0xb8;
	[tilespmem:$0x18200] =	vst v63  }
0x35: {  	s22 =	simm.s32 $0x4A00  }
0x36: {  	[tilespmem:s22], [sflag:$0x1] =	stream.indirect_vreg.gather [hbm4b:s1+s4], $0x80, v3, vm0, $0xb8;
	[tilespmem:$0x18200] =	vst v63  }
0x37: {  	s23 =	simm.s32 $0x5200  }
0x38: {  	[tilespmem:s23], [sflag:$0x1] =	stream.indirect_vreg.gather [hbm4b:s8+s4], $0x80, v3, vm0, $0xb8;
	[tilespmem:$0x18200] =	vst v63  }
0x39: {  	s24 =	simm.s32 $0x5A00  }
0x3a: {  	[tilespmem:s24], [sflag:$0x1] =	stream.indirect_vreg.gather [hbm4b:s9+s4], $0x80, v3, vm0, $0xb8;
	[tilespmem:$0x18200] =	vst v63  }
0x3b: {  	v3 =	vld [tilespmem:$0x20];
	_ =	sdelay $0x4  }
0x3c: {  	v58 =	vshrl.u32 v3, $0x3  }
0x3d: {  	v4 =	vmul.u32 $0x30, v58  }
0x3e: {  	v3 =	vand.u32 $0x7, v3  }
0x3f: {  	v3 =	vor.u32 v3, v4  }
0x40: {  	v4 =	vperm.xlane v3, v0;
	_ =	sdelay $0x1  }
0x41: {  	v4 =	vadd.s32 v1, v4;
	_ =	sdelay $0x3  }
0x42: {  	v3 =	vperm.xlane v3, v2  }
0x43: {  	[tilespmem:s26], [sflag:$0x2] =	stream.indirect_vreg.gather [hbm4b:s1+s4], $0x80, v4, vm0, $0xb8;
	[tilespmem:$0x18200] =	vst v63  }
0x44: {  	s25 =	simm.s32 $0x6A00;
	v3 =	vadd.s32 v1, v3  }
0x45: {  	[tilespmem:s25], [sflag:$0x2] =	stream.indirect_vreg.gather [hbm4b:s8+s4], $0x80, v4, vm0, $0xb8;
	[tilespmem:$0x18200] =	vst v63  }
0x46: {  	s17 =	simm.s32 $0x7200  }
0x47: {  	[tilespmem:s17], [sflag:$0x2] =	stream.indirect_vreg.gather [hbm4b:s9+s4], $0x80, v4, vm0, $0xb8;
	[tilespmem:$0x18200] =	vst v63  }
0x48: {  	s18 =	simm.s32 $0x7A00  }
0x49: {  	[tilespmem:s18], [sflag:$0x2] =	stream.indirect_vreg.gather [hbm4b:s1+s4], $0x80, v3, vm0, $0xb8;
	[tilespmem:$0x18200] =	vst v63  }
0x4a: {  	s20 =	simm.s32 $0x8200  }
0x4b: {  	[tilespmem:s20], [sflag:$0x2] =	stream.indirect_vreg.gather [hbm4b:s8+s4], $0x80, v3, vm0, $0xb8;
	[tilespmem:$0x18200] =	vst v63  }
0x4c: {  	s21 =	simm.s32 $0x8A00  }
0x4d: {  	[tilespmem:s21], [sflag:$0x2] =	stream.indirect_vreg.gather [hbm4b:s9+s4], $0x80, v3, vm0, $0xb8;
	[tilespmem:$0x18200] =	vst v63  }
0x4e: {  	v3 =	vld [tilespmem:$0x30];
	_ =	sdelay $0x4  }
0x4f: {  	v59 =	vshrl.u32 v3, $0x3  }
0x50: {  	v4 =	vmul.u32 $0x30, v59  }
0x51: {  	v3 =	vand.u32 $0x7, v3  }
0x52: {  	v3 =	vor.u32 v3, v4  }
0x53: {  	v4 =	vperm.xlane v3, v0;
	_ =	sdelay $0x1  }
0x54: {  	v4 =	vadd.s32 v1, v4;
	_ =	sdelay $0x3  }
0x55: {  	s22 =	simm.s32 $0x9200;
	v3 =	vperm.xlane v3, v2  }
0x56: {  	[tilespmem:s22], [sflag:$0x2] =	stream.indirect_vreg.gather [hbm4b:s1+s4], $0x80, v4, vm0, $0xb8;
	[tilespmem:$0x18200] =	vst v63  }
0x57: {  	s23 =	simm.s32 $0x9A00;
	v3 =	vadd.s32 v1, v3  }
0x58: {  	[tilespmem:s23], [sflag:$0x2] =	stream.indirect_vreg.gather [hbm4b:s8+s4], $0x80, v4, vm0, $0xb8;
	[tilespmem:$0x18200] =	vst v63  }
0x59: {  	s24 =	simm.s32 $0xA200  }
0x5a: {  	[tilespmem:s24], [sflag:$0x2] =	stream.indirect_vreg.gather [hbm4b:s9+s4], $0x80, v4, vm0, $0xb8;
	[tilespmem:$0x18200] =	vst v63  }
0x5b: {  	s25 =	simm.s32 $0xAA00  }
0x5c: {  	[tilespmem:s25], [sflag:$0x2] =	stream.indirect_vreg.gather [hbm4b:s1+s4], $0x80, v3, vm0, $0xb8;
	[tilespmem:$0x18200] =	vst v63  }
0x5d: {  	s17 =	simm.s32 $0xB200  }
0x5e: {  	[tilespmem:s17], [sflag:$0x2] =	stream.indirect_vreg.gather [hbm4b:s8+s4], $0x80, v3, vm0, $0xb8;
	[tilespmem:$0x18200] =	vst v63  }
0x5f: {  	s18 =	simm.s32 $0xBA00  }
0x60: {  	[tilespmem:s18], [sflag:$0x2] =	stream.indirect_vreg.gather [hbm4b:s9+s4], $0x80, v3, vm0, $0xb8;
	[tilespmem:$0x18200] =	vst v63  }
0x61: {  	v3 =	vld [tilespmem:$0x40];
	_ =	sdelay $0x4  }
0x62: {  	v60 =	vshrl.u32 v3, $0x3  }
0x63: {  	v4 =	vmul.u32 $0x30, v60  }
0x64: {  	v3 =	vand.u32 $0x7, v3  }
0x65: {  	v3 =	vor.u32 v3, v4  }
0x66: {  	v4 =	vperm.xlane v3, v0;
	_ =	sdelay $0x1  }
0x67: {  	v4 =	vadd.s32 v1, v4;
	_ =	sdelay $0x3  }
0x68: {  	v3 =	vperm.xlane v3, v2  }
0x69: {  	[tilespmem:s19], [sflag:$0x3] =	stream.indirect_vreg.gather [hbm4b:s1+s4], $0x80, v4, vm0, $0xb8;
	[tilespmem:$0x18200] =	vst v63  }
0x6a: {  	s20 =	simm.s32 $0xCA00;
	v3 =	vadd.s32 v1, v3  }
0x6b: {  	[tilespmem:s20], [sflag:$0x3] =	stream.indirect_vreg.gather [hbm4b:s8+s4], $0x80, v4, vm0, $0xb8;
	[tilespmem:$0x18200] =	vst v63  }
0x6c: {  	s21 =	simm.s32 $0xD200  }
0x6d: {  	[tilespmem:s21], [sflag:$0x3] =	stream.indirect_vreg.gather [hbm4b:s9+s4], $0x80, v4, vm0, $0xb8;
	[tilespmem:$0x18200] =	vst v63  }
0x6e: {  	s22 =	simm.s32 $0xDA00  }
0x6f: {  	[tilespmem:s22], [sflag:$0x3] =	stream.indirect_vreg.gather [hbm4b:s1+s4], $0x80, v3, vm0, $0xb8;
	[tilespmem:$0x18200] =	vst v63  }
0x70: {  	s23 =	simm.s32 $0xE200  }
0x71: {  	[tilespmem:s23], [sflag:$0x3] =	stream.indirect_vreg.gather [hbm4b:s8+s4], $0x80, v3, vm0, $0xb8;
	[tilespmem:$0x18200] =	vst v63  }
0x72: {  	s24 =	simm.s32 $0xEA00  }
0x73: {  	[tilespmem:s24], [sflag:$0x3] =	stream.indirect_vreg.gather [hbm4b:s9+s4], $0x80, v3, vm0, $0xb8;
	[tilespmem:$0x18200] =	vst v63  }
0x74: {  	v3 =	vld [tilespmem:$0x50];
	_ =	sdelay $0x4  }
0x75: {  	v61 =	vshrl.u32 v3, $0x3  }
0x76: {  	v4 =	vmul.u32 $0x30, v61  }
0x77: {  	v3 =	vand.u32 $0x7, v3  }
0x78: {  	v3 =	vor.u32 v3, v4  }
0x79: {  	v4 =	vperm.xlane v3, v0;
	_ =	sdelay $0x1  }
0x7a: {  	v4 =	vadd.s32 v1, v4;
	_ =	sdelay $0x3  }
0x7b: {  	s25 =	simm.s32 $0xF200;
	v3 =	vperm.xlane v3, v2  }
0x7c: {  	[tilespmem:s25], [sflag:$0x3] =	stream.indirect_vreg.gather [hbm4b:s1+s4], $0x80, v4, vm0, $0xb8;
	[tilespmem:$0x18200] =	vst v63  }
0x7d: {  	s17 =	simm.s32 $0xFA00;
	v3 =	vadd.s32 v1, v3  }
0x7e: {  	[tilespmem:s17], [sflag:$0x3] =	stream.indirect_vreg.gather [hbm4b:s8+s4], $0x80, v4, vm0, $0xb8;
	[tilespmem:$0x18200] =	vst v63  }
0x7f: {  	s18 =	simm.s32 $0x10200  }
0x80: {  	[tilespmem:s18], [sflag:$0x3] =	stream.indirect_vreg.gather [hbm4b:s9+s4], $0x80, v4, vm0, $0xb8;
	[tilespmem:$0x18200] =	vst v63  }
0x81: {  	s20 =	simm.s32 $0x10A00  }
0x82: {  	[tilespmem:s20], [sflag:$0x3] =	stream.indirect_vreg.gather [hbm4b:s1+s4], $0x80, v3, vm0, $0xb8;
	[tilespmem:$0x18200] =	vst v63  }
0x83: {  	s21 =	simm.s32 $0x11200  }
0x84: {  	[tilespmem:s21], [sflag:$0x3] =	stream.indirect_vreg.gather [hbm4b:s8+s4], $0x80, v3, vm0, $0xb8;
	[tilespmem:$0x18200] =	vst v63  }
0x85: {  	s22 =	simm.s32 $0x11A00  }
0x86: {  	[tilespmem:s22], [sflag:$0x3] =	stream.indirect_vreg.gather [hbm4b:s9+s4], $0x80, v3, vm0, $0xb8;
	[tilespmem:$0x18200] =	vst v63  }
0x87: {  	v3 =	vld [tilespmem:$0x60];
	_ =	sdelay $0x4  }
0x88: {  	v62 =	vshrl.u32 v3, $0x3  }
0x89: {  	v4 =	vmul.u32 $0x30, v62  }
0x8a: {  	v3 =	vand.u32 $0x7, v3  }
0x8b: {  	v3 =	vor.u32 v3, v4  }
0x8c: {  	v4 =	vperm.xlane v3, v0;
	_ =	sdelay $0x1  }
0x8d: {  	v4 =	vadd.s32 v1, v4;
	_ =	sdelay $0x3  }
0x8e: {  	v3 =	vperm.xlane v3, v2  }
0x8f: {  	[tilespmem:s2], [sflag:$0x4] =	stream.indirect_vreg.gather [hbm4b:s1+s4], $0x80, v4, vm0, $0xb8;
	[tilespmem:$0x18200] =	vst v63  }
0x90: {  	s23 =	simm.s32 $0x12A00;
	v3 =	vadd.s32 v1, v3  }
0x91: {  	[tilespmem:s23], [sflag:$0x4] =	stream.indirect_vreg.gather [hbm4b:s8+s4], $0x80, v4, vm0, $0xb8;
	[tilespmem:$0x18200] =	vst v63  }
0x92: {  	s24 =	simm.s32 $0x13200  }
0x93: {  	[tilespmem:s24], [sflag:$0x4] =	stream.indirect_vreg.gather [hbm4b:s9+s4], $0x80, v4, vm0, $0xb8;
	[tilespmem:$0x18200] =	vst v63  }
0x94: {  	s25 =	simm.s32 $0x13A00  }
0x95: {  	[tilespmem:s25], [sflag:$0x4] =	stream.indirect_vreg.gather [hbm4b:s1+s4], $0x80, v3, vm0, $0xb8;
	[tilespmem:$0x18200] =	vst v63  }
0x96: {  	s17 =	simm.s32 $0x14200  }
0x97: {  	[tilespmem:s17], [sflag:$0x4] =	stream.indirect_vreg.gather [hbm4b:s8+s4], $0x80, v3, vm0, $0xb8;
	[tilespmem:$0x18200] =	vst v63  }
0x98: {  	s18 =	simm.s32 $0x14A00  }
0x99: {  	[tilespmem:s18], [sflag:$0x4] =	stream.indirect_vreg.gather [hbm4b:s9+s4], $0x80, v3, vm0, $0xb8;
	[tilespmem:$0x18200] =	vst v63  }
0x9a: {  	v3 =	vld [tilespmem:$0x70];
	_ =	sdelay $0x4  }
0x9b: {  	v63 =	vshrl.u32 v3, $0x3  }
0x9c: {  	v4 =	vmul.u32 $0x30, v63  }
0x9d: {  	v3 =	vand.u32 $0x7, v3  }
0x9e: {  	v3 =	vor.u32 v3, v4  }
0x9f: {  	v4 =	vperm.xlane v3, v0;
	_ =	sdelay $0x1  }
0xa0: {  	v4 =	vadd.s32 v1, v4;
	_ =	sdelay $0x3  }
0xa1: {  	s20 =	simm.s32 $0x15200;
	v3 =	vperm.xlane v3, v2  }
0xa2: {  	[tilespmem:s20], [sflag:$0x4] =	stream.indirect_vreg.gather [hbm4b:s1+s4], $0x80, v4, vm0, $0xb8;
	[tilespmem:$0x18200] =	vst v63  }
0xa3: {  	s21 =	simm.s32 $0x15A00;
	v3 =	vadd.s32 v1, v3  }
0xa4: {  	[tilespmem:s21], [sflag:$0x4] =	stream.indirect_vreg.gather [hbm4b:s8+s4], $0x80, v4, vm0, $0xb8;
	[tilespmem:$0x18200] =	vst v63  }
0xa5: {  	s22 =	simm.s32 $0x16200  }
0xa6: {  	[tilespmem:s22], [sflag:$0x4] =	stream.indirect_vreg.gather [hbm4b:s9+s4], $0x80, v4, vm0, $0xb8;
	[tilespmem:$0x18200] =	vst v63  }
0xa7: {  	s23 =	simm.s32 $0x16A00  }
0xa8: {  	[tilespmem:s23], [sflag:$0x4] =	stream.indirect_vreg.gather [hbm4b:s1+s4], $0x80, v3, vm0, $0xb8;
	[tilespmem:$0x18200] =	vst v63  }
0xa9: {  	s24 =	simm.s32 $0x17200  }
0xaa: {  	[tilespmem:s24], [sflag:$0x4] =	stream.indirect_vreg.gather [hbm4b:s8+s4], $0x80, v3, vm0, $0xb8;
	[tilespmem:$0x18200] =	vst v63  }
0xab: {  	s25 =	simm.s32 $0x17A00;
	s17 =	simm.s32 $0x0  }
0xac: {  	[tilespmem:s25], [sflag:$0x4] =	stream.indirect_vreg.gather [hbm4b:s9+s4], $0x80, v3, vm0, $0xb8;
	[tilespmem:$0x18200] =	vst v63  }
.LBB2_2:
0xad: {  	p0 =	seq.s32 s17, $0x0  }
0xae: {  	s20 =	simm.s32 @!p0 $0x8  }
0xaf: {  	s18 =	sshllo.u32 s17, $0x2;
	_ =	swait.ge @!p0 [sflag:s20], $0x6000  }
0xb0: {  	s21 =	sshll.u32 @!p0 s18, $0x5;
	[sflag:s20] =	ssyncset.done @!p0 $0x0  }
0xb1: {  	[sflag:s20] =	ssyncadd.s32 @!p0 $0xFFFFA000;
	s20 =	sand.u32 @!p0 $0x3FFFFFE0, s21  }
0xb2: {  	v3 =	vld @!p0 [tilespmem:s20+$0x0];
	_ =	sdelay $0x4  }
0xb3: {  	v4 =	vshrl.u32 @!p0 v3, $0x3  }
0xb4: {  	v4 =	vmul.u32 @!p0 $0x30, v4  }
0xb5: {  	v5 =	vlaneseq.u32 @!p0;
	v3 =	vand.u32 @!p0 $0x7, v3  }
0xb6: {  	v6 =	vshrl.u32 @!p0 v5, $0x3;
	v3 =	vor.u32 @!p0 v3, v4;
	v4 =	vand.u32 @!p0 $0x7, v5  }
0xb7: {  	v6 =	vmul.u32 @!p0 $0x8, v6;
	v7 =	vperm.xlane @!p0 v3, v4;
	_ =	sdelay $0x1  }
0xb8: {  	v7 =	vadd.s32 @!p0 v6, v7;
	_ =	sdelay $0x2  }
0xb9: {  	v5 =	vor.u32 @!p0 $0x8, v5  }
0xba: {  	vm1 =	vmmov @!p0 $0xffff;
	s22 =	simm.s32 @!p0 $0x12200;
	s21 =	simm.s32 @!p0 $0x0;
	v3 =	vperm.xlane @!p0 v3, v5  }
0xbb: {  	[tilespmem:s22], [sflag:$0x4] =	stream.indirect_vreg.gather @!p0 [hbm4b:s1+s21], $0x80, v7, vm1, $0xb8;
	[tilespmem:$0x18200] =	vst v63  }
0xbc: {  	v3 =	vadd.s32 @!p0 v6, v3;
	s22 =	simm.s32 @!p0 $0x12A00  }
0xbd: {  	[tilespmem:s22], [sflag:$0x4] =	stream.indirect_vreg.gather @!p0 [hbm4b:s8+s21], $0x80, v7, vm1, $0xb8;
	[tilespmem:$0x18200] =	vst v63  }
0xbe: {  	s22 =	simm.s32 @!p0 $0x13200  }
0xbf: {  	[tilespmem:s22], [sflag:$0x4] =	stream.indirect_vreg.gather @!p0 [hbm4b:s9+s21], $0x80, v7, vm1, $0xb8;
	[tilespmem:$0x18200] =	vst v63  }
0xc0: {  	s22 =	simm.s32 @!p0 $0x13A00  }
0xc1: {  	[tilespmem:s22], [sflag:$0x4] =	stream.indirect_vreg.gather @!p0 [hbm4b:s1+s21], $0x80, v3, vm1, $0xb8;
	[tilespmem:$0x18200] =	vst v63  }
0xc2: {  	s22 =	simm.s32 @!p0 $0x14200  }
0xc3: {  	[tilespmem:s22], [sflag:$0x4] =	stream.indirect_vreg.gather @!p0 [hbm4b:s8+s21], $0x80, v3, vm1, $0xb8;
	[tilespmem:$0x18200] =	vst v63  }
0xc4: {  	s22 =	simm.s32 @!p0 $0x14A00  }
0xc5: {  	[tilespmem:s22], [sflag:$0x4] =	stream.indirect_vreg.gather @!p0 [hbm4b:s9+s21], $0x80, v3, vm1, $0xb8;
	[tilespmem:$0x18200] =	vst v63  }
0xc6: {  	v3 =	vld @!p0 [tilespmem:s20+$0x10];
	_ =	sdelay $0x4  }
0xc7: {  	v7 =	vshrl.u32 @!p0 v3, $0x3  }
0xc8: {  	v7 =	vmul.u32 @!p0 $0x30, v7  }
0xc9: {  	v3 =	vand.u32 @!p0 $0x7, v3  }
0xca: {  	v3 =	vor.u32 @!p0 v3, v7  }
0xcb: {  	v4 =	vperm.xlane @!p0 v3, v4;
	_ =	sdelay $0x1  }
0xcc: {  	v4 =	vadd.s32 @!p0 v6, v4;
	_ =	sdelay $0x3  }
0xcd: {  	s20 =	simm.s32 @!p0 $0x15200;
	v3 =	vperm.xlane @!p0 v3, v5  }
0xce: {  	[tilespmem:s20], [sflag:$0x4] =	stream.indirect_vreg.gather @!p0 [hbm4b:s1+s21], $0x80, v4, vm1, $0xb8;
	[tilespmem:$0x18200] =	vst v63  }
0xcf: {  	v3 =	vadd.s32 @!p0 v6, v3;
	s20 =	simm.s32 @!p0 $0x15A00  }
0xd0: {  	[tilespmem:s20], [sflag:$0x4] =	stream.indirect_vreg.gather @!p0 [hbm4b:s8+s21], $0x80, v4, vm1, $0xb8;
	[tilespmem:$0x18200] =	vst v63  }
0xd1: {  	s20 =	simm.s32 @!p0 $0x16200  }
0xd2: {  	[tilespmem:s20], [sflag:$0x4] =	stream.indirect_vreg.gather @!p0 [hbm4b:s9+s21], $0x80, v4, vm1, $0xb8;
	[tilespmem:$0x18200] =	vst v63  }
0xd3: {  	s20 =	simm.s32 @!p0 $0x16A00  }
0xd4: {  	[tilespmem:s20], [sflag:$0x4] =	stream.indirect_vreg.gather @!p0 [hbm4b:s1+s21], $0x80, v3, vm1, $0xb8;
	[tilespmem:$0x18200] =	vst v63  }
0xd5: {  	s20 =	simm.s32 @!p0 $0x17200  }
0xd6: {  	[tilespmem:s20], [sflag:$0x4] =	stream.indirect_vreg.gather @!p0 [hbm4b:s8+s21], $0x80, v3, vm1, $0xb8;
	[tilespmem:$0x18200] =	vst v63  }
0xd7: {  	s24 =	simm.s32 $0x0;
	s20 =	simm.s32 @!p0 $0x17A00  }
0xd8: {  	[tilespmem:s20], [sflag:$0x4] =	stream.indirect_vreg.gather @!p0 [hbm4b:s9+s21], $0x80, v3, vm1, $0xb8;
	[tilespmem:$0x18200] =	vst v63  }
0xd9: {  	s20 =	smul.u32 $0x6000, s24  }
0xda: {  	s21 =	simm.s32 $0x0;
	_ =	swait.ge [sflag:s28], $0x6000  }
0xdb: {  	s25 =	sand.u32 $0x380, s21;
	[sflag:s28] =	ssyncset.done $0x0;
	s20 =	sshra.s32 s20, $0x2  }
0xdc: {  	[sflag:s28] =	ssyncadd.s32 $0xFFFFA000;
	s20 =	sor.u32 s25, s20  }
0xdd: {  	v3 =	vld [tilespmem:s20+$0x1670]  }
0xde: {  	v4 =	vld [tilespmem:s20+$0x200]  }
0xdf: {  	v5 =	vld [tilespmem:s20+$0x210]  }
0xe0: {  	v6 =	vld [tilespmem:s20+$0x220]  }
0xe1: {  	v7 =	vld [tilespmem:s20+$0x230]  }
0xe2: {  	v8 =	vld [tilespmem:s20+$0x240];
	v3 =	vmul.f32 $2.771281240e+01, v3  }
0xe3: {  	v9 =	vld [tilespmem:s20+$0x250];
	v4 =	vmul.f32 $2.771281240e+01, v4  }
0xe4: {  	v10 =	vld [tilespmem:s20+$0x260];
	[tilespmem:s20+$0x1670] =	vst v3;
	v3 =	vmul.f32 $2.771281240e+01, v5  }
0xe5: {  	[tilespmem:s20+$0x200] =	vst v4;
	v4 =	vld [tilespmem:s20+$0x270];
	v5 =	vmul.f32 $2.771281240e+01, v6  }
0xe6: {  	v6 =	vmul.f32 $2.771281240e+01, v7;
	[tilespmem:s20+$0x210] =	vst v3;
	v3 =	vld [tilespmem:s20+$0x600]  }
0xe7: {  	v7 =	vmul.f32 $2.771281240e+01, v8;
	[tilespmem:s20+$0x220] =	vst v5;
	v5 =	vld [tilespmem:s20+$0x610]  }
0xe8: {  	v8 =	vmul.f32 $2.771281240e+01, v9;
	[tilespmem:s20+$0x230] =	vst v6;
	v6 =	vld [tilespmem:s20+$0x620]  }
0xe9: {  	v9 =	vmul.f32 $2.771281240e+01, v10;
	[tilespmem:s20+$0x240] =	vst v7;
	v7 =	vld [tilespmem:s20+$0x630]  }
0xea: {  	[tilespmem:s20+$0x250] =	vst v8;
	v8 =	vld [tilespmem:s20+$0x640];
	v4 =	vmul.f32 $2.771281240e+01, v4  }
0xeb: {  	[tilespmem:s20+$0x260] =	vst v9;
	v9 =	vld [tilespmem:s20+$0x650];
	v3 =	vmul.f32 $2.771281240e+01, v3  }
0xec: {  	[tilespmem:s20+$0x270] =	vst v4;
	v4 =	vld [tilespmem:s20+$0x660];
	v5 =	vmul.f32 $2.771281240e+01, v5  }
0xed: {  	v6 =	vmul.f32 $2.771281240e+01, v6;
	[tilespmem:s20+$0x600] =	vst v3;
	v3 =	vld [tilespmem:s20+$0x670]  }
0xee: {  	v7 =	vmul.f32 $2.771281240e+01, v7;
	[tilespmem:s20+$0x610] =	vst v5;
	v5 =	vld [tilespmem:s20+$0xA00]  }
0xef: {  	v8 =	vmul.f32 $2.771281240e+01, v8;
	[tilespmem:s20+$0x620] =	vst v6;
	v6 =	vld [tilespmem:s20+$0xA10]  }
0xf0: {  	v9 =	vmul.f32 $2.771281240e+01, v9;
	[tilespmem:s20+$0x630] =	vst v7;
	v7 =	vld [tilespmem:s20+$0xA20]  }
0xf1: {  	[tilespmem:s20+$0x640] =	vst v8;
	v8 =	vld [tilespmem:s20+$0xA30];
	v4 =	vmul.f32 $2.771281240e+01, v4  }
0xf2: {  	[tilespmem:s20+$0x650] =	vst v9;
	v9 =	vld [tilespmem:s20+$0xA40];
	v3 =	vmul.f32 $2.771281240e+01, v3  }
0xf3: {  	[tilespmem:s20+$0x660] =	vst v4;
	v4 =	vld [tilespmem:s20+$0xA50];
	v5 =	vmul.f32 $2.771281240e+01, v5  }
0xf4: {  	v6 =	vmul.f32 $2.771281240e+01, v6;
	[tilespmem:s20+$0x670] =	vst v3;
	v3 =	vld [tilespmem:s20+$0xA60]  }
0xf5: {  	v7 =	vmul.f32 $2.771281240e+01, v7;
	[tilespmem:s20+$0xA00] =	vst v5;
	v5 =	vld [tilespmem:s20+$0xA70]  }
0xf6: {  	v8 =	vmul.f32 $2.771281240e+01, v8;
	[tilespmem:s20+$0xA10] =	vst v6;
	v6 =	vld [tilespmem:s20+$0xE00]  }
0xf7: {  	v9 =	vmul.f32 $2.771281240e+01, v9;
	[tilespmem:s20+$0xA20] =	vst v7;
	v7 =	vld [tilespmem:s20+$0xE10]  }
0xf8: {  	[tilespmem:s20+$0xA30] =	vst v8;
	v8 =	vld [tilespmem:s20+$0xE20];
	v4 =	vmul.f32 $2.771281240e+01, v4  }
0xf9: {  	[tilespmem:s20+$0xA40] =	vst v9;
	v9 =	vld [tilespmem:s20+$0xE30];
	v3 =	vmul.f32 $2.771281240e+01, v3  }
0xfa: {  	[tilespmem:s20+$0xA50] =	vst v4;
	v4 =	vld [tilespmem:s20+$0xE40];
	v5 =	vmul.f32 $2.771281240e+01, v5  }
0xfb: {  	v6 =	vmul.f32 $2.771281240e+01, v6;
	[tilespmem:s20+$0xA60] =	vst v3;
	v3 =	vld [tilespmem:s20+$0xE50]  }
0xfc: {  	v7 =	vmul.f32 $2.771281240e+01, v7;
	[tilespmem:s20+$0xA70] =	vst v5;
	v5 =	vld [tilespmem:s20+$0xE60]  }
0xfd: {  	v8 =	vmul.f32 $2.771281240e+01, v8;
	[tilespmem:s20+$0xE00] =	vst v6;
	v6 =	vld [tilespmem:s20+$0xE70]  }
0xfe: {  	v9 =	vmul.f32 $2.771281240e+01, v9;
	[tilespmem:s20+$0xE10] =	vst v7;
	v7 =	vld [tilespmem:s20+$0x1200]  }
0xff: {  	[tilespmem:s20+$0xE20] =	vst v8;
	v8 =	vld [tilespmem:s20+$0x1210];
	v4 =	vmul.f32 $2.771281240e+01, v4  }
0x100: {  	[tilespmem:s20+$0xE30] =	vst v9;
	v9 =	vld [tilespmem:s20+$0x1220];
	v3 =	vmul.f32 $2.771281240e+01, v3  }
0x101: {  	v10 =	vld [tilespmem:s20+$0x1230];
	[tilespmem:s20+$0xE40] =	vst v4;
	v4 =	vmul.f32 $2.771281240e+01, v5  }
0x102: {  	v5 =	vld [tilespmem:s20+$0x1240];
	[tilespmem:s20+$0xE50] =	vst v3;
	v3 =	vmul.f32 $2.771281240e+01, v6  }
0x103: {  	v11 =	vld [tilespmem:s20+$0x1250];
	[tilespmem:s20+$0xE60] =	vst v4;
	v4 =	vmul.f32 $2.771281240e+01, v7  }
0x104: {  	v7 =	vld [tilespmem:s20+$0x1260];
	[tilespmem:s20+$0xE70] =	vst v3;
	v3 =	vmul.f32 $2.771281240e+01, v8  }
0x105: {  	v6 =	vld [tilespmem:s20+$0x1270];
	[tilespmem:s20+$0x1200] =	vst v4;
	v8 =	vmul.f32 $2.771281240e+01, v9  }
0x106: {  	v4 =	vld [tilespmem:s20+$0x1600];
	v9 =	vmul.f32 $2.771281240e+01, v10;
	[tilespmem:s20+$0x1210] =	vst v3  }
0x107: {  	[tilespmem:s20+$0x1220] =	vst v8;
	v3 =	vld [tilespmem:s20+$0x1610];
	v8 =	vmul.f32 $2.771281240e+01, v5  }
0x108: {  	s23 =	simm.s32 $0x0;
	s22 =	simm.s32 $0x2;
	[tilespmem:s20+$0x1230] =	vst v9;
	v9 =	vmul.f32 $2.771281240e+01, v11;
	v5 =	vld [tilespmem:s20+$0x1620]  }
.LBB2_3:
0x109: {  	p0 =	sne.s32 s22, $0x1F;
	s23 =	smul.u32 $0x6000, s23;
	[tilespmem:s20+$0x1240] =	vst v8;
	v7 =	vmul.f32 $2.771281240e+01, v7;
	v8 =	vld [tilespmem:s20+$0x1630]  }
0x10a: {  	s21 =	sadd.s32 $0x80, s21;
	[tilespmem:s20+$0x1250] =	vst v9;
	v6 =	vmul.f32 $2.771281240e+01, v6;
	v9 =	vld [tilespmem:s20+$0x1640]  }
0x10b: {  	s24 =	sand.u32 $0x380, s21;
	s23 =	sshra.s32 s23, $0x2;
	[tilespmem:s20+$0x1260] =	vst v7;
	v4 =	vmul.f32 $2.771281240e+01, v4;
	v7 =	vld [tilespmem:s20+$0x1650]  }
0x10c: {  	s23 =	sor.u32 s24, s23;
	[tilespmem:s20+$0x1270] =	vst v6;
	v3 =	vmul.f32 $2.771281240e+01, v3;
	v6 =	vld [tilespmem:s20+$0x1660]  }
0x10d: {  	v10 =	vld [tilespmem:s23+$0x1670];
	[tilespmem:s20+$0x1600] =	vst v4;
	v4 =	vmul.f32 $2.771281240e+01, v5  }
0x10e: {  	v5 =	vld [tilespmem:s23+$0x200];
	[tilespmem:s20+$0x1610] =	vst v3;
	v3 =	vmul.f32 $2.771281240e+01, v8  }
0x10f: {  	v8 =	vld [tilespmem:s23+$0x210];
	[tilespmem:s20+$0x1620] =	vst v4;
	v4 =	vmul.f32 $2.771281240e+01, v9  }
0x110: {  	v9 =	vld [tilespmem:s23+$0x220];
	[tilespmem:s20+$0x1630] =	vst v3;
	v3 =	vmul.f32 $2.771281240e+01, v7  }
0x111: {  	v7 =	vld [tilespmem:s23+$0x230];
	[tilespmem:s20+$0x1640] =	vst v4;
	v4 =	vmul.f32 $2.771281240e+01, v6  }
0x112: {  	v6 =	vld [tilespmem:s23+$0x240];
	v10 =	vmul.f32 $2.771281240e+01, v10;
	[tilespmem:s20+$0x1650] =	vst v3  }
0x113: {  	v3 =	vmul.f32 $2.771281240e+01, v5;
	v5 =	vld [tilespmem:s23+$0x250];
	[tilespmem:s20+$0x1660] =	vst v4;
	s20 =	smov.u32 s23  }
0x114: {  	v4 =	vmul.f32 $2.771281240e+01, v8;
	v8 =	vld [tilespmem:s20+$0x260];
	[tilespmem:s20+$0x1670] =	vst v10  }
0x115: {  	[tilespmem:s20+$0x200] =	vst v3;
	v3 =	vmul.f32 $2.771281240e+01, v9;
	v9 =	vld [tilespmem:s20+$0x270]  }
0x116: {  	[tilespmem:s20+$0x210] =	vst v4;
	v4 =	vmul.f32 $2.771281240e+01, v7;
	v7 =	vld [tilespmem:s20+$0x600]  }
0x117: {  	[tilespmem:s20+$0x220] =	vst v3;
	v3 =	vmul.f32 $2.771281240e+01, v6;
	v6 =	vld [tilespmem:s20+$0x610]  }
0x118: {  	[tilespmem:s20+$0x230] =	vst v4;
	v4 =	vmul.f32 $2.771281240e+01, v5;
	v5 =	vld [tilespmem:s20+$0x620]  }
0x119: {  	[tilespmem:s20+$0x240] =	vst v3;
	v3 =	vmul.f32 $2.771281240e+01, v8;
	v8 =	vld [tilespmem:s20+$0x630]  }
0x11a: {  	[tilespmem:s20+$0x250] =	vst v4;
	v4 =	vmul.f32 $2.771281240e+01, v9;
	v9 =	vld [tilespmem:s20+$0x640]  }
0x11b: {  	[tilespmem:s20+$0x260] =	vst v3;
	v3 =	vmul.f32 $2.771281240e+01, v7;
	v7 =	vld [tilespmem:s20+$0x650]  }
0x11c: {  	[tilespmem:s20+$0x270] =	vst v4;
	v4 =	vmul.f32 $2.771281240e+01, v6;
	v6 =	vld [tilespmem:s20+$0x660]  }
0x11d: {  	[tilespmem:s20+$0x600] =	vst v3;
	v3 =	vmul.f32 $2.771281240e+01, v5;
	v5 =	vld [tilespmem:s20+$0x670]  }
0x11e: {  	[tilespmem:s20+$0x610] =	vst v4;
	v4 =	vmul.f32 $2.771281240e+01, v8;
	v8 =	vld [tilespmem:s20+$0xA00]  }
0x11f: {  	[tilespmem:s20+$0x620] =	vst v3;
	v3 =	vmul.f32 $2.771281240e+01, v9;
	v9 =	vld [tilespmem:s20+$0xA10]  }
0x120: {  	[tilespmem:s20+$0x630] =	vst v4;
	v4 =	vmul.f32 $2.771281240e+01, v7;
	v7 =	vld [tilespmem:s20+$0xA20]  }
0x121: {  	[tilespmem:s20+$0x640] =	vst v3;
	v3 =	vmul.f32 $2.771281240e+01, v6;
	v6 =	vld [tilespmem:s20+$0xA30]  }
0x122: {  	[tilespmem:s20+$0x650] =	vst v4;
	v4 =	vmul.f32 $2.771281240e+01, v5;
	v5 =	vld [tilespmem:s20+$0xA40]  }
0x123: {  	[tilespmem:s20+$0x660] =	vst v3;
	v3 =	vmul.f32 $2.771281240e+01, v8;
	v8 =	vld [tilespmem:s20+$0xA50]  }
0x124: {  	[tilespmem:s20+$0x670] =	vst v4;
	v4 =	vmul.f32 $2.771281240e+01, v9;
	v9 =	vld [tilespmem:s20+$0xA60]  }
0x125: {  	[tilespmem:s20+$0xA00] =	vst v3;
	v3 =	vmul.f32 $2.771281240e+01, v7;
	v7 =	vld [tilespmem:s20+$0xA70]  }
0x126: {  	[tilespmem:s20+$0xA10] =	vst v4;
	v4 =	vmul.f32 $2.771281240e+01, v6;
	v6 =	vld [tilespmem:s20+$0xE00]  }
0x127: {  	[tilespmem:s20+$0xA20] =	vst v3;
	v3 =	vmul.f32 $2.771281240e+01, v5;
	v5 =	vld [tilespmem:s20+$0xE10]  }
0x128: {  	[tilespmem:s20+$0xA30] =	vst v4;
	v4 =	vmul.f32 $2.771281240e+01, v8;
	v8 =	vld [tilespmem:s20+$0xE20]  }
0x129: {  	[tilespmem:s20+$0xA40] =	vst v3;
	v3 =	vmul.f32 $2.771281240e+01, v9;
	v9 =	vld [tilespmem:s20+$0xE30]  }
0x12a: {  	[tilespmem:s20+$0xA50] =	vst v4;
	v4 =	vmul.f32 $2.771281240e+01, v7;
	v7 =	vld [tilespmem:s20+$0xE40]  }
0x12b: {  	[tilespmem:s20+$0xA60] =	vst v3;
	v3 =	vmul.f32 $2.771281240e+01, v6;
	v6 =	vld [tilespmem:s20+$0xE50]  }
0x12c: {  	[tilespmem:s20+$0xA70] =	vst v4;
	v4 =	vmul.f32 $2.771281240e+01, v5;
	v5 =	vld [tilespmem:s20+$0xE60]  }
0x12d: {  	[tilespmem:s20+$0xE00] =	vst v3;
	v3 =	vmul.f32 $2.771281240e+01, v8;
	v8 =	vld [tilespmem:s20+$0xE70]  }
0x12e: {  	[tilespmem:s20+$0xE10] =	vst v4;
	v4 =	vmul.f32 $2.771281240e+01, v9;
	v9 =	vld [tilespmem:s20+$0x1200]  }
0x12f: {  	[tilespmem:s20+$0xE20] =	vst v3;
	v3 =	vmul.f32 $2.771281240e+01, v7;
	v7 =	vld [tilespmem:s20+$0x1210]  }
0x130: {  	[tilespmem:s20+$0xE30] =	vst v4;
	v4 =	vmul.f32 $2.771281240e+01, v6;
	v6 =	vld [tilespmem:s20+$0x1220]  }
0x131: {  	[tilespmem:s20+$0xE40] =	vst v3;
	v3 =	vmul.f32 $2.771281240e+01, v5;
	v5 =	vld [tilespmem:s20+$0x1230]  }
0x132: {  	[tilespmem:s20+$0xE50] =	vst v4;
	v4 =	vmul.f32 $2.771281240e+01, v8;
	v8 =	vld [tilespmem:s20+$0x1240]  }
0x133: {  	[tilespmem:s20+$0xE60] =	vst v3;
	v3 =	vmul.f32 $2.771281240e+01, v9;
	v9 =	vld [tilespmem:s20+$0x1250]  }
.Ltmp0:
0x134: {  	[tilespmem:s20+$0xE70] =	vst v4;
	v4 =	vmul.f32 $2.771281240e+01, v7;
	v7 =	vld [tilespmem:s20+$0x1260];
	(pc) =	sbr.rel @p0 .LBB2_3-.Ltmp0, $4  }
0x135: {  	[tilespmem:s20+$0x1200] =	vst v3;
	v3 =	vmul.f32 $2.771281240e+01, v6;
	v6 =	vld [tilespmem:s20+$0x1270]  }
0x136: {  	[tilespmem:s20+$0x1210] =	vst v4;
	v5 =	vmul.f32 $2.771281240e+01, v5;
	v4 =	vld [tilespmem:s20+$0x1600]  }
0x137: {  	[tilespmem:s20+$0x1220] =	vst v3;
	v8 =	vmul.f32 $2.771281240e+01, v8;
	v3 =	vld [tilespmem:s20+$0x1610]  }
0x138: {  	s23 =	sshrl.u32 s22, $0x3;
	s22 =	sadd.s32 $0x1, s22;
	[tilespmem:s20+$0x1230] =	vst v5;
	v9 =	vmul.f32 $2.771281240e+01, v9;
	v5 =	vld [tilespmem:s20+$0x1620]  }
0x139: {  	[tilespmem:s20+$0x1240] =	vst v8;
	v8 =	vld [tilespmem:s20+$0x1630];
	v7 =	vmul.f32 $2.771281240e+01, v7;
	s22 =	smul.u32 $0x6000, s23  }
0x13a: {  	s21 =	sadd.s32 $0x80, s21;
	[tilespmem:s20+$0x1250] =	vst v9;
	v9 =	vld [tilespmem:s20+$0x1640];
	v6 =	vmul.f32 $2.771281240e+01, v6  }
0x13b: {  	s21 =	sand.u32 $0x380, s21;
	[tilespmem:s20+$0x1260] =	vst v7;
	v7 =	vld [tilespmem:s20+$0x1650];
	s22 =	sshra.s32 s22, $0x2;
	v4 =	vmul.f32 $2.771281240e+01, v4  }
0x13c: {  	[tilespmem:s20+$0x1270] =	vst v6;
	s22 =	sor.u32 s21, s22;
	v3 =	vmul.f32 $2.771281240e+01, v3;
	v6 =	vld [tilespmem:s20+$0x1660]  }
0x13d: {  	v10 =	vld [tilespmem:s22+$0x1670];
	[tilespmem:s20+$0x1600] =	vst v4;
	v4 =	vmul.f32 $2.771281240e+01, v5  }
0x13e: {  	v5 =	vld [tilespmem:s22+$0x200];
	[tilespmem:s20+$0x1610] =	vst v3;
	v3 =	vmul.f32 $2.771281240e+01, v8  }
0x13f: {  	v8 =	vld [tilespmem:s22+$0x210];
	[tilespmem:s20+$0x1620] =	vst v4;
	v4 =	vmul.f32 $2.771281240e+01, v9  }
0x140: {  	v9 =	vld [tilespmem:s22+$0x220];
	[tilespmem:s20+$0x1630] =	vst v3;
	v3 =	vmul.f32 $2.771281240e+01, v7  }
0x141: {  	v7 =	vld [tilespmem:s22+$0x230];
	[tilespmem:s20+$0x1640] =	vst v4;
	v4 =	vmul.f32 $2.771281240e+01, v6  }
0x142: {  	v6 =	vld [tilespmem:s22+$0x240];
	v10 =	vmul.f32 $2.771281240e+01, v10;
	[tilespmem:s20+$0x1650] =	vst v3  }
0x143: {  	v3 =	vmul.f32 $2.771281240e+01, v5;
	v5 =	vld [tilespmem:s22+$0x250];
	[tilespmem:s20+$0x1660] =	vst v4  }
0x144: {  	v4 =	vmul.f32 $2.771281240e+01, v8;
	v8 =	vld [tilespmem:s22+$0x260];
	[tilespmem:s22+$0x1670] =	vst v10  }
0x145: {  	[tilespmem:s22+$0x200] =	vst v3;
	v3 =	vmul.f32 $2.771281240e+01, v9;
	v9 =	vld [tilespmem:s22+$0x270]  }
0x146: {  	[tilespmem:s22+$0x210] =	vst v4;
	v4 =	vmul.f32 $2.771281240e+01, v7;
	v7 =	vld [tilespmem:s22+$0x600]  }
0x147: {  	[tilespmem:s22+$0x220] =	vst v3;
	v3 =	vmul.f32 $2.771281240e+01, v6;
	v6 =	vld [tilespmem:s22+$0x610]  }
0x148: {  	[tilespmem:s22+$0x230] =	vst v4;
	v4 =	vmul.f32 $2.771281240e+01, v5;
	v5 =	vld [tilespmem:s22+$0x620]  }
0x149: {  	[tilespmem:s22+$0x240] =	vst v3;
	v3 =	vmul.f32 $2.771281240e+01, v8;
	v8 =	vld [tilespmem:s22+$0x630]  }
0x14a: {  	[tilespmem:s22+$0x250] =	vst v4;
	v4 =	vmul.f32 $2.771281240e+01, v9;
	v9 =	vld [tilespmem:s22+$0x640]  }
0x14b: {  	[tilespmem:s22+$0x260] =	vst v3;
	v3 =	vmul.f32 $2.771281240e+01, v7;
	v7 =	vld [tilespmem:s22+$0x650]  }
0x14c: {  	[tilespmem:s22+$0x270] =	vst v4;
	v4 =	vmul.f32 $2.771281240e+01, v6;
	v6 =	vld [tilespmem:s22+$0x660]  }
0x14d: {  	[tilespmem:s22+$0x600] =	vst v3;
	v3 =	vmul.f32 $2.771281240e+01, v5;
	v5 =	vld [tilespmem:s22+$0x670]  }
0x14e: {  	[tilespmem:s22+$0x610] =	vst v4;
	v4 =	vmul.f32 $2.771281240e+01, v8;
	v8 =	vld [tilespmem:s22+$0xA00]  }
0x14f: {  	[tilespmem:s22+$0x620] =	vst v3;
	v3 =	vmul.f32 $2.771281240e+01, v9;
	v9 =	vld [tilespmem:s22+$0xA10]  }
0x150: {  	[tilespmem:s22+$0x630] =	vst v4;
	v4 =	vmul.f32 $2.771281240e+01, v7;
	v7 =	vld [tilespmem:s22+$0xA20]  }
0x151: {  	[tilespmem:s22+$0x640] =	vst v3;
	v3 =	vmul.f32 $2.771281240e+01, v6;
	v6 =	vld [tilespmem:s22+$0xA30]  }
0x152: {  	[tilespmem:s22+$0x650] =	vst v4;
	v4 =	vmul.f32 $2.771281240e+01, v5;
	v5 =	vld [tilespmem:s22+$0xA40]  }
0x153: {  	[tilespmem:s22+$0x660] =	vst v3;
	v3 =	vmul.f32 $2.771281240e+01, v8;
	v8 =	vld [tilespmem:s22+$0xA50]  }
0x154: {  	[tilespmem:s22+$0x670] =	vst v4;
	v4 =	vmul.f32 $2.771281240e+01, v9;
	v9 =	vld [tilespmem:s22+$0xA60]  }
0x155: {  	[tilespmem:s22+$0xA00] =	vst v3;
	v3 =	vmul.f32 $2.771281240e+01, v7;
	v7 =	vld [tilespmem:s22+$0xA70]  }
0x156: {  	[tilespmem:s22+$0xA10] =	vst v4;
	v4 =	vmul.f32 $2.771281240e+01, v6;
	v6 =	vld [tilespmem:s22+$0xE00]  }
0x157: {  	[tilespmem:s22+$0xA20] =	vst v3;
	v3 =	vmul.f32 $2.771281240e+01, v5;
	v5 =	vld [tilespmem:s22+$0xE10]  }
0x158: {  	[tilespmem:s22+$0xA30] =	vst v4;
	v4 =	vmul.f32 $2.771281240e+01, v8;
	v8 =	vld [tilespmem:s22+$0xE20]  }
0x159: {  	[tilespmem:s22+$0xA40] =	vst v3;
	v3 =	vmul.f32 $2.771281240e+01, v9;
	v9 =	vld [tilespmem:s22+$0xE30]  }
0x15a: {  	[tilespmem:s22+$0xA50] =	vst v4;
	v4 =	vmul.f32 $2.771281240e+01, v7;
	v7 =	vld [tilespmem:s22+$0xE40]  }
0x15b: {  	[tilespmem:s22+$0xA60] =	vst v3;
	v3 =	vmul.f32 $2.771281240e+01, v6;
	v6 =	vld [tilespmem:s22+$0xE50]  }
0x15c: {  	[tilespmem:s22+$0xA70] =	vst v4;
	v4 =	vmul.f32 $2.771281240e+01, v5;
	v5 =	vld [tilespmem:s22+$0xE60]  }
0x15d: {  	[tilespmem:s22+$0xE00] =	vst v3;
	v3 =	vmul.f32 $2.771281240e+01, v8;
	v8 =	vld [tilespmem:s22+$0xE70]  }
0x15e: {  	[tilespmem:s22+$0xE10] =	vst v4;
	v4 =	vmul.f32 $2.771281240e+01, v9;
	v9 =	vld [tilespmem:s22+$0x1200]  }
0x15f: {  	[tilespmem:s22+$0xE20] =	vst v3;
	v3 =	vmul.f32 $2.771281240e+01, v7;
	v7 =	vld [tilespmem:s22+$0x1210]  }
0x160: {  	[tilespmem:s22+$0xE30] =	vst v4;
	v4 =	vmul.f32 $2.771281240e+01, v6;
	v6 =	vld [tilespmem:s22+$0x1220]  }
0x161: {  	[tilespmem:s22+$0xE40] =	vst v3;
	v3 =	vmul.f32 $2.771281240e+01, v5;
	v5 =	vld [tilespmem:s22+$0x1230]  }
0x162: {  	[tilespmem:s22+$0xE50] =	vst v4;
	v4 =	vmul.f32 $2.771281240e+01, v8;
	v8 =	vld [tilespmem:s22+$0x1240]  }
0x163: {  	[tilespmem:s22+$0xE60] =	vst v3;
	v3 =	vmul.f32 $2.771281240e+01, v9;
	v9 =	vld [tilespmem:s22+$0x1250]  }
0x164: {  	[tilespmem:s22+$0xE70] =	vst v4;
	v4 =	vmul.f32 $2.771281240e+01, v7;
	v7 =	vld [tilespmem:s22+$0x1260]  }
0x165: {  	[tilespmem:s22+$0x1200] =	vst v3;
	v3 =	vmul.f32 $2.771281240e+01, v6;
	v6 =	vld [tilespmem:s22+$0x1270]  }
0x166: {  	[tilespmem:s22+$0x1210] =	vst v4;
	v4 =	vmul.f32 $2.771281240e+01, v5;
	v5 =	vld [tilespmem:s22+$0x1600]  }
0x167: {  	[tilespmem:s22+$0x1220] =	vst v3;
	v3 =	vmul.f32 $2.771281240e+01, v8;
	v8 =	vld [tilespmem:s22+$0x1610]  }
0x168: {  	[tilespmem:s22+$0x1230] =	vst v4;
	v4 =	vmul.f32 $2.771281240e+01, v9;
	v9 =	vld [tilespmem:s22+$0x1620]  }
0x169: {  	[tilespmem:s22+$0x1240] =	vst v3;
	v3 =	vmul.f32 $2.771281240e+01, v7;
	v7 =	vld [tilespmem:s22+$0x1630]  }
0x16a: {  	[tilespmem:s22+$0x1250] =	vst v4;
	v4 =	vmul.f32 $2.771281240e+01, v6;
	v6 =	vld [tilespmem:s22+$0x1640]  }
0x16b: {  	[tilespmem:s22+$0x1260] =	vst v3;
	v3 =	vmul.f32 $2.771281240e+01, v5;
	v5 =	vld [tilespmem:s22+$0x1650]  }
0x16c: {  	s24 =	sshll.u32 s17, $0x7;
	[tilespmem:s22+$0x1270] =	vst v4;
	v4 =	vmul.f32 $2.771281240e+01, v8;
	v8 =	vld [tilespmem:s22+$0x1660]  }
0x16d: {  	s20 =	sor.u32 s5, s24;
	[tilespmem:s22+$0x1600] =	vst v3;
	v3 =	vmul.f32 $2.771281240e+01, v9  }
0x16e: {  	s20 =	sshrl.u32 s20, $0x3;
	[tilespmem:s22+$0x1610] =	vst v4;
	v4 =	vmul.f32 $2.771281240e+01, v7  }
0x16f: {  	s21 =	smul.u32 $0x1800, s20;
	[tilespmem:s22+$0x1620] =	vst v3;
	v3 =	vmul.f32 $2.771281240e+01, v6  }
0x170: {  	[tilespmem:s22+$0x1630] =	vst v4;
	v4 =	vmul.f32 $2.771281240e+01, v5  }
0x171: {  	s20 =	sadd.s32 s6, s21;
	[tilespmem:s22+$0x1640] =	vst v3;
	v3 =	vmul.f32 $2.771281240e+01, v8  }
0x172: {  	s20 =	sshrl.u32 s20, $0x3;
	[tilespmem:s22+$0x1650] =	vst v4  }
0x173: {  	p0 =	seq.s32 s17, $0x3;
	s20 =	sadd.s32 s3, s20;
	[tilespmem:s22+$0x1660] =	vst v3  }
0x174: {  	[hbm4b:s20+s4] =	stream.linear.scatter [tilespmem:s13], [sflag:$0x5], $0x6000, $0x38;
	[tilespmem:$0x18200] =	vst v63  }
0x175: {  	s20 =	simm.s32 @!p0 $0x5  }
0x176: {  	_ =	swait.ge @!p0 [sflag:s20], $0x6000  }
0x177: {  	s22 =	sshll.u32 @!p0 s17, $0x7;
	[sflag:s20] =	ssyncset.done @!p0 $0x0  }
0x178: {  	[sflag:s20] =	ssyncadd.s32 @!p0 $0xFFFFA000;
	s20 =	sand.u32 @!p0 $0x3FFFFF80, s22  }
0x179: {  	v3 =	vld @!p0 [tilespmem:s20+$0x80];
	_ =	sdelay $0x4  }
0x17a: {  	v4 =	vshrl.u32 @!p0 v3, $0x3  }
0x17b: {  	v4 =	vmul.u32 @!p0 $0x30, v4  }
0x17c: {  	v5 =	vlaneseq.u32 @!p0;
	v3 =	vand.u32 @!p0 $0x7, v3  }
0x17d: {  	v6 =	vshrl.u32 @!p0 v5, $0x3;
	v3 =	vor.u32 @!p0 v3, v4;
	v4 =	vand.u32 @!p0 $0x7, v5  }
0x17e: {  	v6 =	vmul.u32 @!p0 $0x8, v6;
	v7 =	vperm.xlane @!p0 v3, v4;
	_ =	sdelay $0x1  }
0x17f: {  	v7 =	vadd.s32 @!p0 v6, v7;
	_ =	sdelay $0x2  }
0x180: {  	v5 =	vor.u32 @!p0 $0x8, v5  }
0x181: {  	vm1 =	vmmov @!p0 $0xffff;
	s23 =	simm.s32 @!p0 $0x200;
	s22 =	simm.s32 @!p0 $0x0;
	v3 =	vperm.xlane @!p0 v3, v5  }
0x182: {  	[tilespmem:s23], [sflag:$0x1] =	stream.indirect_vreg.gather @!p0 [hbm4b:s1+s22], $0x80, v7, vm1, $0xb8;
	[tilespmem:$0x18200] =	vst v63  }
0x183: {  	v3 =	vadd.s32 @!p0 v6, v3;
	s23 =	simm.s32 @!p0 $0xA00  }
0x184: {  	[tilespmem:s23], [sflag:$0x1] =	stream.indirect_vreg.gather @!p0 [hbm4b:s8+s22], $0x80, v7, vm1, $0xb8;
	[tilespmem:$0x18200] =	vst v63  }
0x185: {  	s23 =	simm.s32 @!p0 $0x1200  }
0x186: {  	[tilespmem:s23], [sflag:$0x1] =	stream.indirect_vreg.gather @!p0 [hbm4b:s9+s22], $0x80, v7, vm1, $0xb8;
	[tilespmem:$0x18200] =	vst v63  }
0x187: {  	s23 =	simm.s32 @!p0 $0x1A00  }
0x188: {  	[tilespmem:s23], [sflag:$0x1] =	stream.indirect_vreg.gather @!p0 [hbm4b:s1+s22], $0x80, v3, vm1, $0xb8;
	[tilespmem:$0x18200] =	vst v63  }
0x189: {  	s23 =	simm.s32 @!p0 $0x2200  }
0x18a: {  	[tilespmem:s23], [sflag:$0x1] =	stream.indirect_vreg.gather @!p0 [hbm4b:s8+s22], $0x80, v3, vm1, $0xb8;
	[tilespmem:$0x18200] =	vst v63  }
0x18b: {  	s23 =	simm.s32 @!p0 $0x2A00  }
0x18c: {  	[tilespmem:s23], [sflag:$0x1] =	stream.indirect_vreg.gather @!p0 [hbm4b:s9+s22], $0x80, v3, vm1, $0xb8;
	[tilespmem:$0x18200] =	vst v63  }
0x18d: {  	v3 =	vld @!p0 [tilespmem:s20+$0x90];
	_ =	sdelay $0x4  }
0x18e: {  	v7 =	vshrl.u32 @!p0 v3, $0x3  }
0x18f: {  	v7 =	vmul.u32 @!p0 $0x30, v7  }
0x190: {  	v3 =	vand.u32 @!p0 $0x7, v3  }
0x191: {  	v3 =	vor.u32 @!p0 v3, v7  }
0x192: {  	v4 =	vperm.xlane @!p0 v3, v4;
	_ =	sdelay $0x1  }
0x193: {  	v4 =	vadd.s32 @!p0 v6, v4;
	_ =	sdelay $0x3  }
0x194: {  	s23 =	simm.s32 @!p0 $0x3200;
	v3 =	vperm.xlane @!p0 v3, v5  }
0x195: {  	[tilespmem:s23], [sflag:$0x1] =	stream.indirect_vreg.gather @!p0 [hbm4b:s1+s22], $0x80, v4, vm1, $0xb8;
	[tilespmem:$0x18200] =	vst v63  }
0x196: {  	v3 =	vadd.s32 @!p0 v6, v3;
	s23 =	simm.s32 @!p0 $0x3A00  }
0x197: {  	[tilespmem:s23], [sflag:$0x1] =	stream.indirect_vreg.gather @!p0 [hbm4b:s8+s22], $0x80, v4, vm1, $0xb8;
	[tilespmem:$0x18200] =	vst v63  }
0x198: {  	s23 =	simm.s32 @!p0 $0x4200  }
0x199: {  	[tilespmem:s23], [sflag:$0x1] =	stream.indirect_vreg.gather @!p0 [hbm4b:s9+s22], $0x80, v4, vm1, $0xb8;
	[tilespmem:$0x18200] =	vst v63  }
0x19a: {  	s23 =	simm.s32 @!p0 $0x4A00  }
0x19b: {  	[tilespmem:s23], [sflag:$0x1] =	stream.indirect_vreg.gather @!p0 [hbm4b:s1+s22], $0x80, v3, vm1, $0xb8;
	[tilespmem:$0x18200] =	vst v63  }
0x19c: {  	s23 =	simm.s32 @!p0 $0x5200  }
0x19d: {  	[tilespmem:s23], [sflag:$0x1] =	stream.indirect_vreg.gather @!p0 [hbm4b:s8+s22], $0x80, v3, vm1, $0xb8;
	[tilespmem:$0x18200] =	vst v63  }
0x19e: {  	s25 =	simm.s32 $0x0;
	s23 =	simm.s32 @!p0 $0x5A00  }
0x19f: {  	[tilespmem:s23], [sflag:$0x1] =	stream.indirect_vreg.gather @!p0 [hbm4b:s9+s22], $0x80, v3, vm1, $0xb8;
	[tilespmem:$0x18200] =	vst v63  }
0x1a0: {  	s22 =	smul.u32 $0x6000, s25  }
0x1a1: {  	s23 =	simm.s32 $0x0;
	_ =	swait.ge [sflag:s29], $0x6000  }
0x1a2: {  	s24 =	sand.u32 $0x380, s23;
	[sflag:s29] =	ssyncset.done $0x0;
	s22 =	sshra.s32 s22, $0x2  }
0x1a3: {  	[sflag:s29] =	ssyncadd.s32 $0xFFFFA000;
	s22 =	sor.u32 s24, s22  }
0x1a4: {  	v3 =	vld [tilespmem:s22+$0x7670]  }
0x1a5: {  	v4 =	vld [tilespmem:s22+$0x6200]  }
0x1a6: {  	v5 =	vld [tilespmem:s22+$0x6210]  }
0x1a7: {  	v6 =	vld [tilespmem:s22+$0x6220]  }
0x1a8: {  	v7 =	vld [tilespmem:s22+$0x6230]  }
0x1a9: {  	v8 =	vld [tilespmem:s22+$0x6240];
	v3 =	vmul.f32 $2.771281240e+01, v3  }
0x1aa: {  	v9 =	vld [tilespmem:s22+$0x6250];
	v4 =	vmul.f32 $2.771281240e+01, v4  }
0x1ab: {  	v10 =	vld [tilespmem:s22+$0x6260];
	[tilespmem:s22+$0x7670] =	vst v3;
	v3 =	vmul.f32 $2.771281240e+01, v5  }
0x1ac: {  	[tilespmem:s22+$0x6200] =	vst v4;
	v4 =	vld [tilespmem:s22+$0x6270];
	v5 =	vmul.f32 $2.771281240e+01, v6  }
0x1ad: {  	v6 =	vmul.f32 $2.771281240e+01, v7;
	[tilespmem:s22+$0x6210] =	vst v3;
	v3 =	vld [tilespmem:s22+$0x6600]  }
0x1ae: {  	v7 =	vmul.f32 $2.771281240e+01, v8;
	[tilespmem:s22+$0x6220] =	vst v5;
	v5 =	vld [tilespmem:s22+$0x6610]  }
0x1af: {  	v8 =	vmul.f32 $2.771281240e+01, v9;
	[tilespmem:s22+$0x6230] =	vst v6;
	v6 =	vld [tilespmem:s22+$0x6620]  }
0x1b0: {  	v9 =	vmul.f32 $2.771281240e+01, v10;
	[tilespmem:s22+$0x6240] =	vst v7;
	v7 =	vld [tilespmem:s22+$0x6630]  }
0x1b1: {  	[tilespmem:s22+$0x6250] =	vst v8;
	v8 =	vld [tilespmem:s22+$0x6640];
	v4 =	vmul.f32 $2.771281240e+01, v4  }
0x1b2: {  	[tilespmem:s22+$0x6260] =	vst v9;
	v9 =	vld [tilespmem:s22+$0x6650];
	v3 =	vmul.f32 $2.771281240e+01, v3  }
0x1b3: {  	[tilespmem:s22+$0x6270] =	vst v4;
	v4 =	vld [tilespmem:s22+$0x6660];
	v5 =	vmul.f32 $2.771281240e+01, v5  }
0x1b4: {  	v6 =	vmul.f32 $2.771281240e+01, v6;
	[tilespmem:s22+$0x6600] =	vst v3;
	v3 =	vld [tilespmem:s22+$0x6670]  }
0x1b5: {  	v7 =	vmul.f32 $2.771281240e+01, v7;
	[tilespmem:s22+$0x6610] =	vst v5;
	v5 =	vld [tilespmem:s22+$0x6A00]  }
0x1b6: {  	v8 =	vmul.f32 $2.771281240e+01, v8;
	[tilespmem:s22+$0x6620] =	vst v6;
	v6 =	vld [tilespmem:s22+$0x6A10]  }
0x1b7: {  	v9 =	vmul.f32 $2.771281240e+01, v9;
	[tilespmem:s22+$0x6630] =	vst v7;
	v7 =	vld [tilespmem:s22+$0x6A20]  }
0x1b8: {  	[tilespmem:s22+$0x6640] =	vst v8;
	v8 =	vld [tilespmem:s22+$0x6A30];
	v4 =	vmul.f32 $2.771281240e+01, v4  }
0x1b9: {  	[tilespmem:s22+$0x6650] =	vst v9;
	v9 =	vld [tilespmem:s22+$0x6A40];
	v3 =	vmul.f32 $2.771281240e+01, v3  }
0x1ba: {  	[tilespmem:s22+$0x6660] =	vst v4;
	v4 =	vld [tilespmem:s22+$0x6A50];
	v5 =	vmul.f32 $2.771281240e+01, v5  }
0x1bb: {  	v6 =	vmul.f32 $2.771281240e+01, v6;
	[tilespmem:s22+$0x6670] =	vst v3;
	v3 =	vld [tilespmem:s22+$0x6A60]  }
0x1bc: {  	v7 =	vmul.f32 $2.771281240e+01, v7;
	[tilespmem:s22+$0x6A00] =	vst v5;
	v5 =	vld [tilespmem:s22+$0x6A70]  }
0x1bd: {  	v8 =	vmul.f32 $2.771281240e+01, v8;
	[tilespmem:s22+$0x6A10] =	vst v6;
	v6 =	vld [tilespmem:s22+$0x6E00]  }
0x1be: {  	v9 =	vmul.f32 $2.771281240e+01, v9;
	[tilespmem:s22+$0x6A20] =	vst v7;
	v7 =	vld [tilespmem:s22+$0x6E10]  }
0x1bf: {  	[tilespmem:s22+$0x6A30] =	vst v8;
	v8 =	vld [tilespmem:s22+$0x6E20];
	v4 =	vmul.f32 $2.771281240e+01, v4  }
0x1c0: {  	[tilespmem:s22+$0x6A40] =	vst v9;
	v9 =	vld [tilespmem:s22+$0x6E30];
	v3 =	vmul.f32 $2.771281240e+01, v3  }
0x1c1: {  	[tilespmem:s22+$0x6A50] =	vst v4;
	v4 =	vld [tilespmem:s22+$0x6E40];
	v5 =	vmul.f32 $2.771281240e+01, v5  }
0x1c2: {  	v6 =	vmul.f32 $2.771281240e+01, v6;
	[tilespmem:s22+$0x6A60] =	vst v3;
	v3 =	vld [tilespmem:s22+$0x6E50]  }
0x1c3: {  	v7 =	vmul.f32 $2.771281240e+01, v7;
	[tilespmem:s22+$0x6A70] =	vst v5;
	v5 =	vld [tilespmem:s22+$0x6E60]  }
0x1c4: {  	v8 =	vmul.f32 $2.771281240e+01, v8;
	[tilespmem:s22+$0x6E00] =	vst v6;
	v6 =	vld [tilespmem:s22+$0x6E70]  }
0x1c5: {  	v9 =	vmul.f32 $2.771281240e+01, v9;
	[tilespmem:s22+$0x6E10] =	vst v7;
	v7 =	vld [tilespmem:s22+$0x7200]  }
0x1c6: {  	[tilespmem:s22+$0x6E20] =	vst v8;
	v8 =	vld [tilespmem:s22+$0x7210];
	v4 =	vmul.f32 $2.771281240e+01, v4  }
0x1c7: {  	[tilespmem:s22+$0x6E30] =	vst v9;
	v9 =	vld [tilespmem:s22+$0x7220];
	v3 =	vmul.f32 $2.771281240e+01, v3  }
0x1c8: {  	v10 =	vld [tilespmem:s22+$0x7230];
	[tilespmem:s22+$0x6E40] =	vst v4;
	v4 =	vmul.f32 $2.771281240e+01, v5  }
0x1c9: {  	v5 =	vld [tilespmem:s22+$0x7240];
	[tilespmem:s22+$0x6E50] =	vst v3;
	v3 =	vmul.f32 $2.771281240e+01, v6  }
0x1ca: {  	v11 =	vld [tilespmem:s22+$0x7250];
	[tilespmem:s22+$0x6E60] =	vst v4;
	v4 =	vmul.f32 $2.771281240e+01, v7  }
0x1cb: {  	v7 =	vld [tilespmem:s22+$0x7260];
	[tilespmem:s22+$0x6E70] =	vst v3;
	v3 =	vmul.f32 $2.771281240e+01, v8  }
0x1cc: {  	v6 =	vld [tilespmem:s22+$0x7270];
	[tilespmem:s22+$0x7200] =	vst v4;
	v8 =	vmul.f32 $2.771281240e+01, v9  }
0x1cd: {  	v4 =	vld [tilespmem:s22+$0x7600];
	v9 =	vmul.f32 $2.771281240e+01, v10;
	[tilespmem:s22+$0x7210] =	vst v3  }
0x1ce: {  	[tilespmem:s22+$0x7220] =	vst v8;
	v3 =	vld [tilespmem:s22+$0x7610];
	v8 =	vmul.f32 $2.771281240e+01, v5  }
0x1cf: {  	s25 =	simm.s32 $0x0;
	s24 =	simm.s32 $0x2;
	[tilespmem:s22+$0x7230] =	vst v9;
	v9 =	vmul.f32 $2.771281240e+01, v11;
	v5 =	vld [tilespmem:s22+$0x7620]  }
.LBB2_5:
0x1d0: {  	p1 =	sne.s32 s24, $0x1F;
	s25 =	smul.u32 $0x6000, s25;
	[tilespmem:s22+$0x7240] =	vst v8;
	v7 =	vmul.f32 $2.771281240e+01, v7;
	v8 =	vld [tilespmem:s22+$0x7630]  }
0x1d1: {  	s23 =	sadd.s32 $0x80, s23;
	[tilespmem:s22+$0x7250] =	vst v9;
	v6 =	vmul.f32 $2.771281240e+01, v6;
	v9 =	vld [tilespmem:s22+$0x7640]  }
0x1d2: {  	s7 =	sand.u32 $0x380, s23;
	s25 =	sshra.s32 s25, $0x2;
	[tilespmem:s22+$0x7260] =	vst v7;
	v4 =	vmul.f32 $2.771281240e+01, v4;
	v7 =	vld [tilespmem:s22+$0x7650]  }
0x1d3: {  	s7 =	sor.u32 s7, s25;
	[tilespmem:s22+$0x7270] =	vst v6;
	v3 =	vmul.f32 $2.771281240e+01, v3;
	v6 =	vld [tilespmem:s22+$0x7660]  }
0x1d4: {  	v10 =	vld [tilespmem:s7+$0x7670];
	[tilespmem:s22+$0x7600] =	vst v4;
	v4 =	vmul.f32 $2.771281240e+01, v5  }
0x1d5: {  	v5 =	vld [tilespmem:s7+$0x6200];
	[tilespmem:s22+$0x7610] =	vst v3;
	v3 =	vmul.f32 $2.771281240e+01, v8  }
0x1d6: {  	v8 =	vld [tilespmem:s7+$0x6210];
	[tilespmem:s22+$0x7620] =	vst v4;
	v4 =	vmul.f32 $2.771281240e+01, v9  }
0x1d7: {  	v9 =	vld [tilespmem:s7+$0x6220];
	[tilespmem:s22+$0x7630] =	vst v3;
	v3 =	vmul.f32 $2.771281240e+01, v7  }
0x1d8: {  	v7 =	vld [tilespmem:s7+$0x6230];
	[tilespmem:s22+$0x7640] =	vst v4;
	v4 =	vmul.f32 $2.771281240e+01, v6  }
0x1d9: {  	v6 =	vld [tilespmem:s7+$0x6240];
	v10 =	vmul.f32 $2.771281240e+01, v10;
	[tilespmem:s22+$0x7650] =	vst v3  }
0x1da: {  	v3 =	vmul.f32 $2.771281240e+01, v5;
	v5 =	vld [tilespmem:s7+$0x6250];
	[tilespmem:s22+$0x7660] =	vst v4;
	s22 =	smov.u32 s7  }
0x1db: {  	v4 =	vmul.f32 $2.771281240e+01, v8;
	v8 =	vld [tilespmem:s22+$0x6260];
	[tilespmem:s22+$0x7670] =	vst v10  }
0x1dc: {  	[tilespmem:s22+$0x6200] =	vst v3;
	v3 =	vmul.f32 $2.771281240e+01, v9;
	v9 =	vld [tilespmem:s22+$0x6270]  }
0x1dd: {  	[tilespmem:s22+$0x6210] =	vst v4;
	v4 =	vmul.f32 $2.771281240e+01, v7;
	v7 =	vld [tilespmem:s22+$0x6600]  }
0x1de: {  	[tilespmem:s22+$0x6220] =	vst v3;
	v3 =	vmul.f32 $2.771281240e+01, v6;
	v6 =	vld [tilespmem:s22+$0x6610]  }
0x1df: {  	[tilespmem:s22+$0x6230] =	vst v4;
	v4 =	vmul.f32 $2.771281240e+01, v5;
	v5 =	vld [tilespmem:s22+$0x6620]  }
0x1e0: {  	[tilespmem:s22+$0x6240] =	vst v3;
	v3 =	vmul.f32 $2.771281240e+01, v8;
	v8 =	vld [tilespmem:s22+$0x6630]  }
0x1e1: {  	[tilespmem:s22+$0x6250] =	vst v4;
	v4 =	vmul.f32 $2.771281240e+01, v9;
	v9 =	vld [tilespmem:s22+$0x6640]  }
0x1e2: {  	[tilespmem:s22+$0x6260] =	vst v3;
	v3 =	vmul.f32 $2.771281240e+01, v7;
	v7 =	vld [tilespmem:s22+$0x6650]  }
0x1e3: {  	[tilespmem:s22+$0x6270] =	vst v4;
	v4 =	vmul.f32 $2.771281240e+01, v6;
	v6 =	vld [tilespmem:s22+$0x6660]  }
0x1e4: {  	[tilespmem:s22+$0x6600] =	vst v3;
	v3 =	vmul.f32 $2.771281240e+01, v5;
	v5 =	vld [tilespmem:s22+$0x6670]  }
0x1e5: {  	[tilespmem:s22+$0x6610] =	vst v4;
	v4 =	vmul.f32 $2.771281240e+01, v8;
	v8 =	vld [tilespmem:s22+$0x6A00]  }
0x1e6: {  	[tilespmem:s22+$0x6620] =	vst v3;
	v3 =	vmul.f32 $2.771281240e+01, v9;
	v9 =	vld [tilespmem:s22+$0x6A10]  }
0x1e7: {  	[tilespmem:s22+$0x6630] =	vst v4;
	v4 =	vmul.f32 $2.771281240e+01, v7;
	v7 =	vld [tilespmem:s22+$0x6A20]  }
0x1e8: {  	[tilespmem:s22+$0x6640] =	vst v3;
	v3 =	vmul.f32 $2.771281240e+01, v6;
	v6 =	vld [tilespmem:s22+$0x6A30]  }
0x1e9: {  	[tilespmem:s22+$0x6650] =	vst v4;
	v4 =	vmul.f32 $2.771281240e+01, v5;
	v5 =	vld [tilespmem:s22+$0x6A40]  }
0x1ea: {  	[tilespmem:s22+$0x6660] =	vst v3;
	v3 =	vmul.f32 $2.771281240e+01, v8;
	v8 =	vld [tilespmem:s22+$0x6A50]  }
0x1eb: {  	[tilespmem:s22+$0x6670] =	vst v4;
	v4 =	vmul.f32 $2.771281240e+01, v9;
	v9 =	vld [tilespmem:s22+$0x6A60]  }
0x1ec: {  	[tilespmem:s22+$0x6A00] =	vst v3;
	v3 =	vmul.f32 $2.771281240e+01, v7;
	v7 =	vld [tilespmem:s22+$0x6A70]  }
0x1ed: {  	[tilespmem:s22+$0x6A10] =	vst v4;
	v4 =	vmul.f32 $2.771281240e+01, v6;
	v6 =	vld [tilespmem:s22+$0x6E00]  }
0x1ee: {  	[tilespmem:s22+$0x6A20] =	vst v3;
	v3 =	vmul.f32 $2.771281240e+01, v5;
	v5 =	vld [tilespmem:s22+$0x6E10]  }
0x1ef: {  	[tilespmem:s22+$0x6A30] =	vst v4;
	v4 =	vmul.f32 $2.771281240e+01, v8;
	v8 =	vld [tilespmem:s22+$0x6E20]  }
0x1f0: {  	[tilespmem:s22+$0x6A40] =	vst v3;
	v3 =	vmul.f32 $2.771281240e+01, v9;
	v9 =	vld [tilespmem:s22+$0x6E30]  }
0x1f1: {  	[tilespmem:s22+$0x6A50] =	vst v4;
	v4 =	vmul.f32 $2.771281240e+01, v7;
	v7 =	vld [tilespmem:s22+$0x6E40]  }
0x1f2: {  	[tilespmem:s22+$0x6A60] =	vst v3;
	v3 =	vmul.f32 $2.771281240e+01, v6;
	v6 =	vld [tilespmem:s22+$0x6E50]  }
0x1f3: {  	[tilespmem:s22+$0x6A70] =	vst v4;
	v4 =	vmul.f32 $2.771281240e+01, v5;
	v5 =	vld [tilespmem:s22+$0x6E60]  }
0x1f4: {  	[tilespmem:s22+$0x6E00] =	vst v3;
	v3 =	vmul.f32 $2.771281240e+01, v8;
	v8 =	vld [tilespmem:s22+$0x6E70]  }
0x1f5: {  	[tilespmem:s22+$0x6E10] =	vst v4;
	v4 =	vmul.f32 $2.771281240e+01, v9;
	v9 =	vld [tilespmem:s22+$0x7200]  }
0x1f6: {  	[tilespmem:s22+$0x6E20] =	vst v3;
	v3 =	vmul.f32 $2.771281240e+01, v7;
	v7 =	vld [tilespmem:s22+$0x7210]  }
0x1f7: {  	[tilespmem:s22+$0x6E30] =	vst v4;
	v4 =	vmul.f32 $2.771281240e+01, v6;
	v6 =	vld [tilespmem:s22+$0x7220]  }
0x1f8: {  	[tilespmem:s22+$0x6E40] =	vst v3;
	v3 =	vmul.f32 $2.771281240e+01, v5;
	v5 =	vld [tilespmem:s22+$0x7230]  }
0x1f9: {  	[tilespmem:s22+$0x6E50] =	vst v4;
	v4 =	vmul.f32 $2.771281240e+01, v8;
	v8 =	vld [tilespmem:s22+$0x7240]  }
0x1fa: {  	[tilespmem:s22+$0x6E60] =	vst v3;
	v3 =	vmul.f32 $2.771281240e+01, v9;
	v9 =	vld [tilespmem:s22+$0x7250]  }
.Ltmp1:
0x1fb: {  	[tilespmem:s22+$0x6E70] =	vst v4;
	v4 =	vmul.f32 $2.771281240e+01, v7;
	v7 =	vld [tilespmem:s22+$0x7260];
	(pc) =	sbr.rel @p1 .LBB2_5-.Ltmp1, $4  }
0x1fc: {  	[tilespmem:s22+$0x7200] =	vst v3;
	v3 =	vmul.f32 $2.771281240e+01, v6;
	v6 =	vld [tilespmem:s22+$0x7270]  }
0x1fd: {  	[tilespmem:s22+$0x7210] =	vst v4;
	v5 =	vmul.f32 $2.771281240e+01, v5;
	v4 =	vld [tilespmem:s22+$0x7600]  }
0x1fe: {  	[tilespmem:s22+$0x7220] =	vst v3;
	v8 =	vmul.f32 $2.771281240e+01, v8;
	v3 =	vld [tilespmem:s22+$0x7610]  }
0x1ff: {  	s25 =	sshrl.u32 s24, $0x3;
	s24 =	sadd.s32 $0x1, s24;
	[tilespmem:s22+$0x7230] =	vst v5;
	v9 =	vmul.f32 $2.771281240e+01, v9;
	v5 =	vld [tilespmem:s22+$0x7620]  }
0x200: {  	[tilespmem:s22+$0x7240] =	vst v8;
	v8 =	vld [tilespmem:s22+$0x7630];
	v7 =	vmul.f32 $2.771281240e+01, v7;
	s7 =	smul.u32 $0x6000, s25  }
0x201: {  	s23 =	sadd.s32 $0x80, s23;
	[tilespmem:s22+$0x7250] =	vst v9;
	v9 =	vld [tilespmem:s22+$0x7640];
	v6 =	vmul.f32 $2.771281240e+01, v6  }
0x202: {  	s23 =	sand.u32 $0x380, s23;
	[tilespmem:s22+$0x7260] =	vst v7;
	v7 =	vld [tilespmem:s22+$0x7650];
	s7 =	sshra.s32 s7, $0x2;
	v4 =	vmul.f32 $2.771281240e+01, v4  }
0x203: {  	[tilespmem:s22+$0x7270] =	vst v6;
	s23 =	sor.u32 s23, s7;
	v3 =	vmul.f32 $2.771281240e+01, v3;
	v6 =	vld [tilespmem:s22+$0x7660]  }
0x204: {  	v10 =	vld [tilespmem:s23+$0x7670];
	[tilespmem:s22+$0x7600] =	vst v4;
	v4 =	vmul.f32 $2.771281240e+01, v5  }
0x205: {  	v5 =	vld [tilespmem:s23+$0x6200];
	[tilespmem:s22+$0x7610] =	vst v3;
	v3 =	vmul.f32 $2.771281240e+01, v8  }
0x206: {  	v8 =	vld [tilespmem:s23+$0x6210];
	[tilespmem:s22+$0x7620] =	vst v4;
	v4 =	vmul.f32 $2.771281240e+01, v9  }
0x207: {  	v9 =	vld [tilespmem:s23+$0x6220];
	[tilespmem:s22+$0x7630] =	vst v3;
	v3 =	vmul.f32 $2.771281240e+01, v7  }
0x208: {  	v7 =	vld [tilespmem:s23+$0x6230];
	[tilespmem:s22+$0x7640] =	vst v4;
	v4 =	vmul.f32 $2.771281240e+01, v6  }
0x209: {  	v6 =	vld [tilespmem:s23+$0x6240];
	v10 =	vmul.f32 $2.771281240e+01, v10;
	[tilespmem:s22+$0x7650] =	vst v3  }
0x20a: {  	v3 =	vmul.f32 $2.771281240e+01, v5;
	v5 =	vld [tilespmem:s23+$0x6250];
	[tilespmem:s22+$0x7660] =	vst v4  }
0x20b: {  	v4 =	vmul.f32 $2.771281240e+01, v8;
	v8 =	vld [tilespmem:s23+$0x6260];
	[tilespmem:s23+$0x7670] =	vst v10  }
0x20c: {  	[tilespmem:s23+$0x6200] =	vst v3;
	v3 =	vmul.f32 $2.771281240e+01, v9;
	v9 =	vld [tilespmem:s23+$0x6270]  }
0x20d: {  	[tilespmem:s23+$0x6210] =	vst v4;
	v4 =	vmul.f32 $2.771281240e+01, v7;
	v7 =	vld [tilespmem:s23+$0x6600]  }
0x20e: {  	[tilespmem:s23+$0x6220] =	vst v3;
	v3 =	vmul.f32 $2.771281240e+01, v6;
	v6 =	vld [tilespmem:s23+$0x6610]  }
0x20f: {  	[tilespmem:s23+$0x6230] =	vst v4;
	v4 =	vmul.f32 $2.771281240e+01, v5;
	v5 =	vld [tilespmem:s23+$0x6620]  }
0x210: {  	[tilespmem:s23+$0x6240] =	vst v3;
	v3 =	vmul.f32 $2.771281240e+01, v8;
	v8 =	vld [tilespmem:s23+$0x6630]  }
0x211: {  	[tilespmem:s23+$0x6250] =	vst v4;
	v4 =	vmul.f32 $2.771281240e+01, v9;
	v9 =	vld [tilespmem:s23+$0x6640]  }
0x212: {  	[tilespmem:s23+$0x6260] =	vst v3;
	v3 =	vmul.f32 $2.771281240e+01, v7;
	v7 =	vld [tilespmem:s23+$0x6650]  }
0x213: {  	[tilespmem:s23+$0x6270] =	vst v4;
	v4 =	vmul.f32 $2.771281240e+01, v6;
	v6 =	vld [tilespmem:s23+$0x6660]  }
0x214: {  	[tilespmem:s23+$0x6600] =	vst v3;
	v3 =	vmul.f32 $2.771281240e+01, v5;
	v5 =	vld [tilespmem:s23+$0x6670]  }
0x215: {  	[tilespmem:s23+$0x6610] =	vst v4;
	v4 =	vmul.f32 $2.771281240e+01, v8;
	v8 =	vld [tilespmem:s23+$0x6A00]  }
0x216: {  	[tilespmem:s23+$0x6620] =	vst v3;
	v3 =	vmul.f32 $2.771281240e+01, v9;
	v9 =	vld [tilespmem:s23+$0x6A10]  }
0x217: {  	[tilespmem:s23+$0x6630] =	vst v4;
	v4 =	vmul.f32 $2.771281240e+01, v7;
	v7 =	vld [tilespmem:s23+$0x6A20]  }
0x218: {  	[tilespmem:s23+$0x6640] =	vst v3;
	v3 =	vmul.f32 $2.771281240e+01, v6;
	v6 =	vld [tilespmem:s23+$0x6A30]  }
0x219: {  	[tilespmem:s23+$0x6650] =	vst v4;
	v4 =	vmul.f32 $2.771281240e+01, v5;
	v5 =	vld [tilespmem:s23+$0x6A40]  }
0x21a: {  	[tilespmem:s23+$0x6660] =	vst v3;
	v3 =	vmul.f32 $2.771281240e+01, v8;
	v8 =	vld [tilespmem:s23+$0x6A50]  }
0x21b: {  	[tilespmem:s23+$0x6670] =	vst v4;
	v4 =	vmul.f32 $2.771281240e+01, v9;
	v9 =	vld [tilespmem:s23+$0x6A60]  }
0x21c: {  	[tilespmem:s23+$0x6A00] =	vst v3;
	v3 =	vmul.f32 $2.771281240e+01, v7;
	v7 =	vld [tilespmem:s23+$0x6A70]  }
0x21d: {  	[tilespmem:s23+$0x6A10] =	vst v4;
	v4 =	vmul.f32 $2.771281240e+01, v6;
	v6 =	vld [tilespmem:s23+$0x6E00]  }
0x21e: {  	[tilespmem:s23+$0x6A20] =	vst v3;
	v3 =	vmul.f32 $2.771281240e+01, v5;
	v5 =	vld [tilespmem:s23+$0x6E10]  }
0x21f: {  	[tilespmem:s23+$0x6A30] =	vst v4;
	v4 =	vmul.f32 $2.771281240e+01, v8;
	v8 =	vld [tilespmem:s23+$0x6E20]  }
0x220: {  	[tilespmem:s23+$0x6A40] =	vst v3;
	v3 =	vmul.f32 $2.771281240e+01, v9;
	v9 =	vld [tilespmem:s23+$0x6E30]  }
0x221: {  	[tilespmem:s23+$0x6A50] =	vst v4;
	v4 =	vmul.f32 $2.771281240e+01, v7;
	v7 =	vld [tilespmem:s23+$0x6E40]  }
0x222: {  	[tilespmem:s23+$0x6A60] =	vst v3;
	v3 =	vmul.f32 $2.771281240e+01, v6;
	v6 =	vld [tilespmem:s23+$0x6E50]  }
0x223: {  	[tilespmem:s23+$0x6A70] =	vst v4;
	v4 =	vmul.f32 $2.771281240e+01, v5;
	v5 =	vld [tilespmem:s23+$0x6E60]  }
0x224: {  	[tilespmem:s23+$0x6E00] =	vst v3;
	v3 =	vmul.f32 $2.771281240e+01, v8;
	v8 =	vld [tilespmem:s23+$0x6E70]  }
0x225: {  	[tilespmem:s23+$0x6E10] =	vst v4;
	v4 =	vmul.f32 $2.771281240e+01, v9;
	v9 =	vld [tilespmem:s23+$0x7200]  }
0x226: {  	[tilespmem:s23+$0x6E20] =	vst v3;
	v3 =	vmul.f32 $2.771281240e+01, v7;
	v7 =	vld [tilespmem:s23+$0x7210]  }
0x227: {  	[tilespmem:s23+$0x6E30] =	vst v4;
	v4 =	vmul.f32 $2.771281240e+01, v6;
	v6 =	vld [tilespmem:s23+$0x7220]  }
0x228: {  	[tilespmem:s23+$0x6E40] =	vst v3;
	v3 =	vmul.f32 $2.771281240e+01, v5;
	v5 =	vld [tilespmem:s23+$0x7230]  }
0x229: {  	[tilespmem:s23+$0x6E50] =	vst v4;
	v4 =	vmul.f32 $2.771281240e+01, v8;
	v8 =	vld [tilespmem:s23+$0x7240]  }
0x22a: {  	[tilespmem:s23+$0x6E60] =	vst v3;
	v3 =	vmul.f32 $2.771281240e+01, v9;
	v9 =	vld [tilespmem:s23+$0x7250]  }
0x22b: {  	[tilespmem:s23+$0x6E70] =	vst v4;
	v4 =	vmul.f32 $2.771281240e+01, v7;
	v7 =	vld [tilespmem:s23+$0x7260]  }
0x22c: {  	[tilespmem:s23+$0x7200] =	vst v3;
	v3 =	vmul.f32 $2.771281240e+01, v6;
	v6 =	vld [tilespmem:s23+$0x7270]  }
0x22d: {  	[tilespmem:s23+$0x7210] =	vst v4;
	v4 =	vmul.f32 $2.771281240e+01, v5;
	v5 =	vld [tilespmem:s23+$0x7600]  }
0x22e: {  	[tilespmem:s23+$0x7220] =	vst v3;
	v3 =	vmul.f32 $2.771281240e+01, v8;
	v8 =	vld [tilespmem:s23+$0x7610]  }
0x22f: {  	[tilespmem:s23+$0x7230] =	vst v4;
	v4 =	vmul.f32 $2.771281240e+01, v9;
	v9 =	vld [tilespmem:s23+$0x7620]  }
0x230: {  	[tilespmem:s23+$0x7240] =	vst v3;
	v3 =	vmul.f32 $2.771281240e+01, v7;
	v7 =	vld [tilespmem:s23+$0x7630]  }
0x231: {  	[tilespmem:s23+$0x7250] =	vst v4;
	v4 =	vmul.f32 $2.771281240e+01, v6;
	v6 =	vld [tilespmem:s23+$0x7640]  }
0x232: {  	[tilespmem:s23+$0x7260] =	vst v3;
	v3 =	vmul.f32 $2.771281240e+01, v5;
	v5 =	vld [tilespmem:s23+$0x7650]  }
0x233: {  	[tilespmem:s23+$0x7270] =	vst v4;
	v4 =	vmul.f32 $2.771281240e+01, v8;
	v8 =	vld [tilespmem:s23+$0x7660]  }
0x234: {  	[tilespmem:s23+$0x7600] =	vst v3;
	v3 =	vmul.f32 $2.771281240e+01, v9  }
0x235: {  	[tilespmem:s23+$0x7610] =	vst v4;
	v4 =	vmul.f32 $2.771281240e+01, v7  }
0x236: {  	[tilespmem:s23+$0x7620] =	vst v3;
	v3 =	vmul.f32 $2.771281240e+01, v6  }
0x237: {  	s22 =	sadd.s32 s21, s6;
	[tilespmem:s23+$0x7630] =	vst v4;
	v4 =	vmul.f32 $2.771281240e+01, v5  }
0x238: {  	s7 =	sadd.s32 $0x6000, s22;
	[tilespmem:s23+$0x7640] =	vst v3;
	v3 =	vmul.f32 $2.771281240e+01, v8  }
0x239: {  	s7 =	sshrl.u32 s7, $0x3;
	[tilespmem:s23+$0x7650] =	vst v4  }
0x23a: {  	s7 =	sadd.s32 s3, s7;
	[tilespmem:s23+$0x7660] =	vst v3  }
0x23b: {  	[hbm4b:s7+s4] =	stream.linear.scatter [tilespmem:s26], [sflag:$0x6], $0x6000, $0x38;
	[tilespmem:$0x18200] =	vst v63  }
0x23c: {  	s7 =	simm.s32 @!p0 $0x6  }
0x23d: {  	_ =	swait.ge @!p0 [sflag:s7], $0x6000  }
0x23e: {  	[sflag:s7] =	ssyncset.done @!p0 $0x0  }
0x23f: {  	[sflag:s7] =	ssyncadd.s32 @!p0 $0xFFFFA000  }
0x240: {  	v3 =	vld @!p0 [tilespmem:s20+$0xA0];
	_ =	sdelay $0x4  }
0x241: {  	v4 =	vshrl.u32 @!p0 v3, $0x3  }
0x242: {  	v4 =	vmul.u32 @!p0 $0x30, v4  }
0x243: {  	v5 =	vlaneseq.u32 @!p0;
	v3 =	vand.u32 @!p0 $0x7, v3  }
0x244: {  	v6 =	vshrl.u32 @!p0 v5, $0x3;
	v3 =	vor.u32 @!p0 v3, v4;
	v4 =	vand.u32 @!p0 $0x7, v5  }
0x245: {  	v6 =	vmul.u32 @!p0 $0x8, v6;
	v7 =	vperm.xlane @!p0 v3, v4;
	_ =	sdelay $0x1  }
0x246: {  	v7 =	vadd.s32 @!p0 v6, v7;
	_ =	sdelay $0x2  }
0x247: {  	v5 =	vor.u32 @!p0 $0x8, v5  }
0x248: {  	s22 =	simm.s32 @!p0 $0x6200;
	s7 =	simm.s32 @!p0 $0x0;
	v3 =	vperm.xlane @!p0 v3, v5  }
0x249: {  	[tilespmem:s22], [sflag:$0x2] =	stream.indirect_vreg.gather @!p0 [hbm4b:s1+s7], $0x80, v7, vm1, $0xb8;
	[tilespmem:$0x18200] =	vst v63  }
0x24a: {  	v3 =	vadd.s32 @!p0 v6, v3;
	s22 =	simm.s32 @!p0 $0x6A00  }
0x24b: {  	[tilespmem:s22], [sflag:$0x2] =	stream.indirect_vreg.gather @!p0 [hbm4b:s8+s7], $0x80, v7, vm1, $0xb8;
	[tilespmem:$0x18200] =	vst v63  }
0x24c: {  	s22 =	simm.s32 @!p0 $0x7200  }
0x24d: {  	[tilespmem:s22], [sflag:$0x2] =	stream.indirect_vreg.gather @!p0 [hbm4b:s9+s7], $0x80, v7, vm1, $0xb8;
	[tilespmem:$0x18200] =	vst v63  }
0x24e: {  	s22 =	simm.s32 @!p0 $0x7A00  }
0x24f: {  	[tilespmem:s22], [sflag:$0x2] =	stream.indirect_vreg.gather @!p0 [hbm4b:s1+s7], $0x80, v3, vm1, $0xb8;
	[tilespmem:$0x18200] =	vst v63  }
0x250: {  	s22 =	simm.s32 @!p0 $0x8200  }
0x251: {  	[tilespmem:s22], [sflag:$0x2] =	stream.indirect_vreg.gather @!p0 [hbm4b:s8+s7], $0x80, v3, vm1, $0xb8;
	[tilespmem:$0x18200] =	vst v63  }
0x252: {  	s22 =	simm.s32 @!p0 $0x8A00  }
0x253: {  	[tilespmem:s22], [sflag:$0x2] =	stream.indirect_vreg.gather @!p0 [hbm4b:s9+s7], $0x80, v3, vm1, $0xb8;
	[tilespmem:$0x18200] =	vst v63  }
0x254: {  	v3 =	vld @!p0 [tilespmem:s20+$0xB0];
	_ =	sdelay $0x4  }
0x255: {  	v7 =	vshrl.u32 @!p0 v3, $0x3  }
0x256: {  	v7 =	vmul.u32 @!p0 $0x30, v7  }
0x257: {  	v3 =	vand.u32 @!p0 $0x7, v3  }
0x258: {  	v3 =	vor.u32 @!p0 v3, v7  }
0x259: {  	v4 =	vperm.xlane @!p0 v3, v4;
	_ =	sdelay $0x1  }
0x25a: {  	v4 =	vadd.s32 @!p0 v6, v4;
	_ =	sdelay $0x3  }
0x25b: {  	s22 =	simm.s32 @!p0 $0x9200;
	v3 =	vperm.xlane @!p0 v3, v5  }
0x25c: {  	[tilespmem:s22], [sflag:$0x2] =	stream.indirect_vreg.gather @!p0 [hbm4b:s1+s7], $0x80, v4, vm1, $0xb8;
	[tilespmem:$0x18200] =	vst v63  }
0x25d: {  	v3 =	vadd.s32 @!p0 v6, v3;
	s22 =	simm.s32 @!p0 $0x9A00  }
0x25e: {  	[tilespmem:s22], [sflag:$0x2] =	stream.indirect_vreg.gather @!p0 [hbm4b:s8+s7], $0x80, v4, vm1, $0xb8;
	[tilespmem:$0x18200] =	vst v63  }
0x25f: {  	s22 =	simm.s32 @!p0 $0xA200  }
0x260: {  	[tilespmem:s22], [sflag:$0x2] =	stream.indirect_vreg.gather @!p0 [hbm4b:s9+s7], $0x80, v4, vm1, $0xb8;
	[tilespmem:$0x18200] =	vst v63  }
0x261: {  	s22 =	simm.s32 @!p0 $0xAA00  }
0x262: {  	[tilespmem:s22], [sflag:$0x2] =	stream.indirect_vreg.gather @!p0 [hbm4b:s1+s7], $0x80, v3, vm1, $0xb8;
	[tilespmem:$0x18200] =	vst v63  }
0x263: {  	s22 =	simm.s32 @!p0 $0xB200  }
0x264: {  	[tilespmem:s22], [sflag:$0x2] =	stream.indirect_vreg.gather @!p0 [hbm4b:s8+s7], $0x80, v3, vm1, $0xb8;
	[tilespmem:$0x18200] =	vst v63  }
0x265: {  	s24 =	simm.s32 $0x0;
	s22 =	simm.s32 @!p0 $0xBA00  }
0x266: {  	[tilespmem:s22], [sflag:$0x2] =	stream.indirect_vreg.gather @!p0 [hbm4b:s9+s7], $0x80, v3, vm1, $0xb8;
	[tilespmem:$0x18200] =	vst v63  }
0x267: {  	s7 =	smul.u32 $0x6000, s24  }
0x268: {  	s23 =	simm.s32 $0x0;
	_ =	swait.ge [sflag:s30], $0x6000  }
0x269: {  	s25 =	sand.u32 $0x380, s23;
	[sflag:s30] =	ssyncset.done $0x0;
	s7 =	sshra.s32 s7, $0x2  }
0x26a: {  	[sflag:s30] =	ssyncadd.s32 $0xFFFFA000;
	s22 =	sor.u32 s25, s7  }
0x26b: {  	v3 =	vld [tilespmem:s22+$0xD670]  }
0x26c: {  	v4 =	vld [tilespmem:s22+$0xC200]  }
0x26d: {  	v5 =	vld [tilespmem:s22+$0xC210]  }
0x26e: {  	v6 =	vld [tilespmem:s22+$0xC220]  }
0x26f: {  	v7 =	vld [tilespmem:s22+$0xC230]  }
0x270: {  	v8 =	vld [tilespmem:s22+$0xC240];
	v3 =	vmul.f32 $2.771281240e+01, v3  }
0x271: {  	v9 =	vld [tilespmem:s22+$0xC250];
	v4 =	vmul.f32 $2.771281240e+01, v4  }
0x272: {  	v10 =	vld [tilespmem:s22+$0xC260];
	[tilespmem:s22+$0xD670] =	vst v3;
	v3 =	vmul.f32 $2.771281240e+01, v5  }
0x273: {  	[tilespmem:s22+$0xC200] =	vst v4;
	v4 =	vld [tilespmem:s22+$0xC270];
	v5 =	vmul.f32 $2.771281240e+01, v6  }
0x274: {  	v6 =	vmul.f32 $2.771281240e+01, v7;
	[tilespmem:s22+$0xC210] =	vst v3;
	v3 =	vld [tilespmem:s22+$0xC600]  }
0x275: {  	v7 =	vmul.f32 $2.771281240e+01, v8;
	[tilespmem:s22+$0xC220] =	vst v5;
	v5 =	vld [tilespmem:s22+$0xC610]  }
0x276: {  	v8 =	vmul.f32 $2.771281240e+01, v9;
	[tilespmem:s22+$0xC230] =	vst v6;
	v6 =	vld [tilespmem:s22+$0xC620]  }
0x277: {  	v9 =	vmul.f32 $2.771281240e+01, v10;
	[tilespmem:s22+$0xC240] =	vst v7;
	v7 =	vld [tilespmem:s22+$0xC630]  }
0x278: {  	[tilespmem:s22+$0xC250] =	vst v8;
	v8 =	vld [tilespmem:s22+$0xC640];
	v4 =	vmul.f32 $2.771281240e+01, v4  }
0x279: {  	[tilespmem:s22+$0xC260] =	vst v9;
	v9 =	vld [tilespmem:s22+$0xC650];
	v3 =	vmul.f32 $2.771281240e+01, v3  }
0x27a: {  	[tilespmem:s22+$0xC270] =	vst v4;
	v4 =	vld [tilespmem:s22+$0xC660];
	v5 =	vmul.f32 $2.771281240e+01, v5  }
0x27b: {  	v6 =	vmul.f32 $2.771281240e+01, v6;
	[tilespmem:s22+$0xC600] =	vst v3;
	v3 =	vld [tilespmem:s22+$0xC670]  }
0x27c: {  	v7 =	vmul.f32 $2.771281240e+01, v7;
	[tilespmem:s22+$0xC610] =	vst v5;
	v5 =	vld [tilespmem:s22+$0xCA00]  }
0x27d: {  	v8 =	vmul.f32 $2.771281240e+01, v8;
	[tilespmem:s22+$0xC620] =	vst v6;
	v6 =	vld [tilespmem:s22+$0xCA10]  }
0x27e: {  	v9 =	vmul.f32 $2.771281240e+01, v9;
	[tilespmem:s22+$0xC630] =	vst v7;
	v7 =	vld [tilespmem:s22+$0xCA20]  }
0x27f: {  	[tilespmem:s22+$0xC640] =	vst v8;
	v8 =	vld [tilespmem:s22+$0xCA30];
	v4 =	vmul.f32 $2.771281240e+01, v4  }
0x280: {  	[tilespmem:s22+$0xC650] =	vst v9;
	v9 =	vld [tilespmem:s22+$0xCA40];
	v3 =	vmul.f32 $2.771281240e+01, v3  }
0x281: {  	[tilespmem:s22+$0xC660] =	vst v4;
	v4 =	vld [tilespmem:s22+$0xCA50];
	v5 =	vmul.f32 $2.771281240e+01, v5  }
0x282: {  	v6 =	vmul.f32 $2.771281240e+01, v6;
	[tilespmem:s22+$0xC670] =	vst v3;
	v3 =	vld [tilespmem:s22+$0xCA60]  }
0x283: {  	v7 =	vmul.f32 $2.771281240e+01, v7;
	[tilespmem:s22+$0xCA00] =	vst v5;
	v5 =	vld [tilespmem:s22+$0xCA70]  }
0x284: {  	v8 =	vmul.f32 $2.771281240e+01, v8;
	[tilespmem:s22+$0xCA10] =	vst v6;
	v6 =	vld [tilespmem:s22+$0xCE00]  }
0x285: {  	v9 =	vmul.f32 $2.771281240e+01, v9;
	[tilespmem:s22+$0xCA20] =	vst v7;
	v7 =	vld [tilespmem:s22+$0xCE10]  }
0x286: {  	[tilespmem:s22+$0xCA30] =	vst v8;
	v8 =	vld [tilespmem:s22+$0xCE20];
	v4 =	vmul.f32 $2.771281240e+01, v4  }
0x287: {  	[tilespmem:s22+$0xCA40] =	vst v9;
	v9 =	vld [tilespmem:s22+$0xCE30];
	v3 =	vmul.f32 $2.771281240e+01, v3  }
0x288: {  	[tilespmem:s22+$0xCA50] =	vst v4;
	v4 =	vld [tilespmem:s22+$0xCE40];
	v5 =	vmul.f32 $2.771281240e+01, v5  }
0x289: {  	v6 =	vmul.f32 $2.771281240e+01, v6;
	[tilespmem:s22+$0xCA60] =	vst v3;
	v3 =	vld [tilespmem:s22+$0xCE50]  }
0x28a: {  	v7 =	vmul.f32 $2.771281240e+01, v7;
	[tilespmem:s22+$0xCA70] =	vst v5;
	v5 =	vld [tilespmem:s22+$0xCE60]  }
0x28b: {  	v8 =	vmul.f32 $2.771281240e+01, v8;
	[tilespmem:s22+$0xCE00] =	vst v6;
	v6 =	vld [tilespmem:s22+$0xCE70]  }
0x28c: {  	v9 =	vmul.f32 $2.771281240e+01, v9;
	[tilespmem:s22+$0xCE10] =	vst v7;
	v7 =	vld [tilespmem:s22+$0xD200]  }
0x28d: {  	[tilespmem:s22+$0xCE20] =	vst v8;
	v8 =	vld [tilespmem:s22+$0xD210];
	v4 =	vmul.f32 $2.771281240e+01, v4  }
0x28e: {  	[tilespmem:s22+$0xCE30] =	vst v9;
	v9 =	vld [tilespmem:s22+$0xD220];
	v3 =	vmul.f32 $2.771281240e+01, v3  }
0x28f: {  	v10 =	vld [tilespmem:s22+$0xD230];
	[tilespmem:s22+$0xCE40] =	vst v4;
	v4 =	vmul.f32 $2.771281240e+01, v5  }
0x290: {  	v5 =	vld [tilespmem:s22+$0xD240];
	[tilespmem:s22+$0xCE50] =	vst v3;
	v3 =	vmul.f32 $2.771281240e+01, v6  }
0x291: {  	v11 =	vld [tilespmem:s22+$0xD250];
	[tilespmem:s22+$0xCE60] =	vst v4;
	v4 =	vmul.f32 $2.771281240e+01, v7  }
0x292: {  	v7 =	vld [tilespmem:s22+$0xD260];
	[tilespmem:s22+$0xCE70] =	vst v3;
	v3 =	vmul.f32 $2.771281240e+01, v8  }
0x293: {  	v6 =	vld [tilespmem:s22+$0xD270];
	[tilespmem:s22+$0xD200] =	vst v4;
	v8 =	vmul.f32 $2.771281240e+01, v9  }
0x294: {  	v4 =	vld [tilespmem:s22+$0xD600];
	v9 =	vmul.f32 $2.771281240e+01, v10;
	[tilespmem:s22+$0xD210] =	vst v3  }
0x295: {  	[tilespmem:s22+$0xD220] =	vst v8;
	v3 =	vld [tilespmem:s22+$0xD610];
	v8 =	vmul.f32 $2.771281240e+01, v5  }
0x296: {  	s24 =	simm.s32 $0x2;
	s25 =	simm.s32 $0x0;
	[tilespmem:s22+$0xD230] =	vst v9;
	v9 =	vmul.f32 $2.771281240e+01, v11;
	v5 =	vld [tilespmem:s22+$0xD620]  }
.LBB2_7:
0x297: {  	p1 =	sne.s32 s24, $0x1F;
	s7 =	smul.u32 $0x6000, s25;
	[tilespmem:s22+$0xD240] =	vst v8;
	v7 =	vmul.f32 $2.771281240e+01, v7;
	v8 =	vld [tilespmem:s22+$0xD630]  }
0x298: {  	s23 =	sadd.s32 $0x80, s23;
	[tilespmem:s22+$0xD250] =	vst v9;
	v6 =	vmul.f32 $2.771281240e+01, v6;
	v9 =	vld [tilespmem:s22+$0xD640]  }
0x299: {  	s25 =	sand.u32 $0x380, s23;
	s7 =	sshra.s32 s7, $0x2;
	[tilespmem:s22+$0xD260] =	vst v7;
	v4 =	vmul.f32 $2.771281240e+01, v4;
	v7 =	vld [tilespmem:s22+$0xD650]  }
0x29a: {  	s7 =	sor.u32 s25, s7;
	[tilespmem:s22+$0xD270] =	vst v6;
	v3 =	vmul.f32 $2.771281240e+01, v3;
	v6 =	vld [tilespmem:s22+$0xD660]  }
0x29b: {  	v10 =	vld [tilespmem:s7+$0xD670];
	[tilespmem:s22+$0xD600] =	vst v4;
	v4 =	vmul.f32 $2.771281240e+01, v5  }
0x29c: {  	v5 =	vld [tilespmem:s7+$0xC200];
	[tilespmem:s22+$0xD610] =	vst v3;
	v3 =	vmul.f32 $2.771281240e+01, v8  }
0x29d: {  	v8 =	vld [tilespmem:s7+$0xC210];
	[tilespmem:s22+$0xD620] =	vst v4;
	v4 =	vmul.f32 $2.771281240e+01, v9  }
0x29e: {  	v9 =	vld [tilespmem:s7+$0xC220];
	[tilespmem:s22+$0xD630] =	vst v3;
	v3 =	vmul.f32 $2.771281240e+01, v7  }
0x29f: {  	v7 =	vld [tilespmem:s7+$0xC230];
	[tilespmem:s22+$0xD640] =	vst v4;
	v4 =	vmul.f32 $2.771281240e+01, v6  }
0x2a0: {  	v6 =	vld [tilespmem:s7+$0xC240];
	v10 =	vmul.f32 $2.771281240e+01, v10;
	[tilespmem:s22+$0xD650] =	vst v3  }
0x2a1: {  	v3 =	vmul.f32 $2.771281240e+01, v5;
	v5 =	vld [tilespmem:s7+$0xC250];
	[tilespmem:s22+$0xD660] =	vst v4;
	s22 =	smov.u32 s7  }
0x2a2: {  	v4 =	vmul.f32 $2.771281240e+01, v8;
	v8 =	vld [tilespmem:s22+$0xC260];
	[tilespmem:s22+$0xD670] =	vst v10  }
0x2a3: {  	[tilespmem:s22+$0xC200] =	vst v3;
	v3 =	vmul.f32 $2.771281240e+01, v9;
	v9 =	vld [tilespmem:s22+$0xC270]  }
0x2a4: {  	[tilespmem:s22+$0xC210] =	vst v4;
	v4 =	vmul.f32 $2.771281240e+01, v7;
	v7 =	vld [tilespmem:s22+$0xC600]  }
0x2a5: {  	[tilespmem:s22+$0xC220] =	vst v3;
	v3 =	vmul.f32 $2.771281240e+01, v6;
	v6 =	vld [tilespmem:s22+$0xC610]  }
0x2a6: {  	[tilespmem:s22+$0xC230] =	vst v4;
	v4 =	vmul.f32 $2.771281240e+01, v5;
	v5 =	vld [tilespmem:s22+$0xC620]  }
0x2a7: {  	[tilespmem:s22+$0xC240] =	vst v3;
	v3 =	vmul.f32 $2.771281240e+01, v8;
	v8 =	vld [tilespmem:s22+$0xC630]  }
0x2a8: {  	[tilespmem:s22+$0xC250] =	vst v4;
	v4 =	vmul.f32 $2.771281240e+01, v9;
	v9 =	vld [tilespmem:s22+$0xC640]  }
0x2a9: {  	[tilespmem:s22+$0xC260] =	vst v3;
	v3 =	vmul.f32 $2.771281240e+01, v7;
	v7 =	vld [tilespmem:s22+$0xC650]  }
0x2aa: {  	[tilespmem:s22+$0xC270] =	vst v4;
	v4 =	vmul.f32 $2.771281240e+01, v6;
	v6 =	vld [tilespmem:s22+$0xC660]  }
0x2ab: {  	[tilespmem:s22+$0xC600] =	vst v3;
	v3 =	vmul.f32 $2.771281240e+01, v5;
	v5 =	vld [tilespmem:s22+$0xC670]  }
0x2ac: {  	[tilespmem:s22+$0xC610] =	vst v4;
	v4 =	vmul.f32 $2.771281240e+01, v8;
	v8 =	vld [tilespmem:s22+$0xCA00]  }
0x2ad: {  	[tilespmem:s22+$0xC620] =	vst v3;
	v3 =	vmul.f32 $2.771281240e+01, v9;
	v9 =	vld [tilespmem:s22+$0xCA10]  }
0x2ae: {  	[tilespmem:s22+$0xC630] =	vst v4;
	v4 =	vmul.f32 $2.771281240e+01, v7;
	v7 =	vld [tilespmem:s22+$0xCA20]  }
0x2af: {  	[tilespmem:s22+$0xC640] =	vst v3;
	v3 =	vmul.f32 $2.771281240e+01, v6;
	v6 =	vld [tilespmem:s22+$0xCA30]  }
0x2b0: {  	[tilespmem:s22+$0xC650] =	vst v4;
	v4 =	vmul.f32 $2.771281240e+01, v5;
	v5 =	vld [tilespmem:s22+$0xCA40]  }
0x2b1: {  	[tilespmem:s22+$0xC660] =	vst v3;
	v3 =	vmul.f32 $2.771281240e+01, v8;
	v8 =	vld [tilespmem:s22+$0xCA50]  }
0x2b2: {  	[tilespmem:s22+$0xC670] =	vst v4;
	v4 =	vmul.f32 $2.771281240e+01, v9;
	v9 =	vld [tilespmem:s22+$0xCA60]  }
0x2b3: {  	[tilespmem:s22+$0xCA00] =	vst v3;
	v3 =	vmul.f32 $2.771281240e+01, v7;
	v7 =	vld [tilespmem:s22+$0xCA70]  }
0x2b4: {  	[tilespmem:s22+$0xCA10] =	vst v4;
	v4 =	vmul.f32 $2.771281240e+01, v6;
	v6 =	vld [tilespmem:s22+$0xCE00]  }
0x2b5: {  	[tilespmem:s22+$0xCA20] =	vst v3;
	v3 =	vmul.f32 $2.771281240e+01, v5;
	v5 =	vld [tilespmem:s22+$0xCE10]  }
0x2b6: {  	[tilespmem:s22+$0xCA30] =	vst v4;
	v4 =	vmul.f32 $2.771281240e+01, v8;
	v8 =	vld [tilespmem:s22+$0xCE20]  }
0x2b7: {  	[tilespmem:s22+$0xCA40] =	vst v3;
	v3 =	vmul.f32 $2.771281240e+01, v9;
	v9 =	vld [tilespmem:s22+$0xCE30]  }
0x2b8: {  	[tilespmem:s22+$0xCA50] =	vst v4;
	v4 =	vmul.f32 $2.771281240e+01, v7;
	v7 =	vld [tilespmem:s22+$0xCE40]  }
0x2b9: {  	[tilespmem:s22+$0xCA60] =	vst v3;
	v3 =	vmul.f32 $2.771281240e+01, v6;
	v6 =	vld [tilespmem:s22+$0xCE50]  }
0x2ba: {  	[tilespmem:s22+$0xCA70] =	vst v4;
	v4 =	vmul.f32 $2.771281240e+01, v5;
	v5 =	vld [tilespmem:s22+$0xCE60]  }
0x2bb: {  	[tilespmem:s22+$0xCE00] =	vst v3;
	v3 =	vmul.f32 $2.771281240e+01, v8;
	v8 =	vld [tilespmem:s22+$0xCE70]  }
0x2bc: {  	[tilespmem:s22+$0xCE10] =	vst v4;
	v4 =	vmul.f32 $2.771281240e+01, v9;
	v9 =	vld [tilespmem:s22+$0xD200]  }
0x2bd: {  	[tilespmem:s22+$0xCE20] =	vst v3;
	v3 =	vmul.f32 $2.771281240e+01, v7;
	v7 =	vld [tilespmem:s22+$0xD210]  }
0x2be: {  	[tilespmem:s22+$0xCE30] =	vst v4;
	v4 =	vmul.f32 $2.771281240e+01, v6;
	v6 =	vld [tilespmem:s22+$0xD220]  }
0x2bf: {  	[tilespmem:s22+$0xCE40] =	vst v3;
	v3 =	vmul.f32 $2.771281240e+01, v5;
	v5 =	vld [tilespmem:s22+$0xD230]  }
0x2c0: {  	[tilespmem:s22+$0xCE50] =	vst v4;
	v4 =	vmul.f32 $2.771281240e+01, v8;
	v8 =	vld [tilespmem:s22+$0xD240]  }
0x2c1: {  	[tilespmem:s22+$0xCE60] =	vst v3;
	v3 =	vmul.f32 $2.771281240e+01, v9;
	v9 =	vld [tilespmem:s22+$0xD250]  }
.Ltmp2:
0x2c2: {  	[tilespmem:s22+$0xCE70] =	vst v4;
	v4 =	vmul.f32 $2.771281240e+01, v7;
	v7 =	vld [tilespmem:s22+$0xD260];
	(pc) =	sbr.rel @p1 .LBB2_7-.Ltmp2, $4  }
0x2c3: {  	[tilespmem:s22+$0xD200] =	vst v3;
	v3 =	vmul.f32 $2.771281240e+01, v6;
	v6 =	vld [tilespmem:s22+$0xD270]  }
0x2c4: {  	[tilespmem:s22+$0xD210] =	vst v4;
	v5 =	vmul.f32 $2.771281240e+01, v5;
	v4 =	vld [tilespmem:s22+$0xD600]  }
0x2c5: {  	[tilespmem:s22+$0xD220] =	vst v3;
	v8 =	vmul.f32 $2.771281240e+01, v8;
	v3 =	vld [tilespmem:s22+$0xD610]  }
0x2c6: {  	s25 =	sshrl.u32 s24, $0x3;
	s24 =	sadd.s32 $0x1, s24;
	[tilespmem:s22+$0xD230] =	vst v5;
	v9 =	vmul.f32 $2.771281240e+01, v9;
	v5 =	vld [tilespmem:s22+$0xD620]  }
0x2c7: {  	[tilespmem:s22+$0xD240] =	vst v8;
	v8 =	vld [tilespmem:s22+$0xD630];
	v7 =	vmul.f32 $2.771281240e+01, v7;
	s7 =	smul.u32 $0x6000, s25  }
0x2c8: {  	s23 =	sadd.s32 $0x80, s23;
	[tilespmem:s22+$0xD250] =	vst v9;
	v9 =	vld [tilespmem:s22+$0xD640];
	v6 =	vmul.f32 $2.771281240e+01, v6  }
0x2c9: {  	s23 =	sand.u32 $0x380, s23;
	[tilespmem:s22+$0xD260] =	vst v7;
	v7 =	vld [tilespmem:s22+$0xD650];
	s7 =	sshra.s32 s7, $0x2;
	v4 =	vmul.f32 $2.771281240e+01, v4  }
0x2ca: {  	[tilespmem:s22+$0xD270] =	vst v6;
	s23 =	sor.u32 s23, s7;
	v3 =	vmul.f32 $2.771281240e+01, v3;
	v6 =	vld [tilespmem:s22+$0xD660]  }
0x2cb: {  	v10 =	vld [tilespmem:s23+$0xD670];
	[tilespmem:s22+$0xD600] =	vst v4;
	v4 =	vmul.f32 $2.771281240e+01, v5  }
0x2cc: {  	v5 =	vld [tilespmem:s23+$0xC200];
	[tilespmem:s22+$0xD610] =	vst v3;
	v3 =	vmul.f32 $2.771281240e+01, v8  }
0x2cd: {  	v8 =	vld [tilespmem:s23+$0xC210];
	[tilespmem:s22+$0xD620] =	vst v4;
	v4 =	vmul.f32 $2.771281240e+01, v9  }
0x2ce: {  	v9 =	vld [tilespmem:s23+$0xC220];
	[tilespmem:s22+$0xD630] =	vst v3;
	v3 =	vmul.f32 $2.771281240e+01, v7  }
0x2cf: {  	v7 =	vld [tilespmem:s23+$0xC230];
	[tilespmem:s22+$0xD640] =	vst v4;
	v4 =	vmul.f32 $2.771281240e+01, v6  }
0x2d0: {  	v6 =	vld [tilespmem:s23+$0xC240];
	v10 =	vmul.f32 $2.771281240e+01, v10;
	[tilespmem:s22+$0xD650] =	vst v3  }
0x2d1: {  	v3 =	vmul.f32 $2.771281240e+01, v5;
	v5 =	vld [tilespmem:s23+$0xC250];
	[tilespmem:s22+$0xD660] =	vst v4  }
0x2d2: {  	v4 =	vmul.f32 $2.771281240e+01, v8;
	v8 =	vld [tilespmem:s23+$0xC260];
	[tilespmem:s23+$0xD670] =	vst v10  }
0x2d3: {  	[tilespmem:s23+$0xC200] =	vst v3;
	v3 =	vmul.f32 $2.771281240e+01, v9;
	v9 =	vld [tilespmem:s23+$0xC270]  }
0x2d4: {  	[tilespmem:s23+$0xC210] =	vst v4;
	v4 =	vmul.f32 $2.771281240e+01, v7;
	v7 =	vld [tilespmem:s23+$0xC600]  }
0x2d5: {  	[tilespmem:s23+$0xC220] =	vst v3;
	v3 =	vmul.f32 $2.771281240e+01, v6;
	v6 =	vld [tilespmem:s23+$0xC610]  }
0x2d6: {  	[tilespmem:s23+$0xC230] =	vst v4;
	v4 =	vmul.f32 $2.771281240e+01, v5;
	v5 =	vld [tilespmem:s23+$0xC620]  }
0x2d7: {  	[tilespmem:s23+$0xC240] =	vst v3;
	v3 =	vmul.f32 $2.771281240e+01, v8;
	v8 =	vld [tilespmem:s23+$0xC630]  }
0x2d8: {  	[tilespmem:s23+$0xC250] =	vst v4;
	v4 =	vmul.f32 $2.771281240e+01, v9;
	v9 =	vld [tilespmem:s23+$0xC640]  }
0x2d9: {  	[tilespmem:s23+$0xC260] =	vst v3;
	v3 =	vmul.f32 $2.771281240e+01, v7;
	v7 =	vld [tilespmem:s23+$0xC650]  }
0x2da: {  	[tilespmem:s23+$0xC270] =	vst v4;
	v4 =	vmul.f32 $2.771281240e+01, v6;
	v6 =	vld [tilespmem:s23+$0xC660]  }
0x2db: {  	[tilespmem:s23+$0xC600] =	vst v3;
	v3 =	vmul.f32 $2.771281240e+01, v5;
	v5 =	vld [tilespmem:s23+$0xC670]  }
0x2dc: {  	[tilespmem:s23+$0xC610] =	vst v4;
	v4 =	vmul.f32 $2.771281240e+01, v8;
	v8 =	vld [tilespmem:s23+$0xCA00]  }
0x2dd: {  	[tilespmem:s23+$0xC620] =	vst v3;
	v3 =	vmul.f32 $2.771281240e+01, v9;
	v9 =	vld [tilespmem:s23+$0xCA10]  }
0x2de: {  	[tilespmem:s23+$0xC630] =	vst v4;
	v4 =	vmul.f32 $2.771281240e+01, v7;
	v7 =	vld [tilespmem:s23+$0xCA20]  }
0x2df: {  	[tilespmem:s23+$0xC640] =	vst v3;
	v3 =	vmul.f32 $2.771281240e+01, v6;
	v6 =	vld [tilespmem:s23+$0xCA30]  }
0x2e0: {  	[tilespmem:s23+$0xC650] =	vst v4;
	v4 =	vmul.f32 $2.771281240e+01, v5;
	v5 =	vld [tilespmem:s23+$0xCA40]  }
0x2e1: {  	[tilespmem:s23+$0xC660] =	vst v3;
	v3 =	vmul.f32 $2.771281240e+01, v8;
	v8 =	vld [tilespmem:s23+$0xCA50]  }
0x2e2: {  	[tilespmem:s23+$0xC670] =	vst v4;
	v4 =	vmul.f32 $2.771281240e+01, v9;
	v9 =	vld [tilespmem:s23+$0xCA60]  }
0x2e3: {  	[tilespmem:s23+$0xCA00] =	vst v3;
	v3 =	vmul.f32 $2.771281240e+01, v7;
	v7 =	vld [tilespmem:s23+$0xCA70]  }
0x2e4: {  	[tilespmem:s23+$0xCA10] =	vst v4;
	v4 =	vmul.f32 $2.771281240e+01, v6;
	v6 =	vld [tilespmem:s23+$0xCE00]  }
0x2e5: {  	[tilespmem:s23+$0xCA20] =	vst v3;
	v3 =	vmul.f32 $2.771281240e+01, v5;
	v5 =	vld [tilespmem:s23+$0xCE10]  }
0x2e6: {  	[tilespmem:s23+$0xCA30] =	vst v4;
	v4 =	vmul.f32 $2.771281240e+01, v8;
	v8 =	vld [tilespmem:s23+$0xCE20]  }
0x2e7: {  	[tilespmem:s23+$0xCA40] =	vst v3;
	v3 =	vmul.f32 $2.771281240e+01, v9;
	v9 =	vld [tilespmem:s23+$0xCE30]  }
0x2e8: {  	[tilespmem:s23+$0xCA50] =	vst v4;
	v4 =	vmul.f32 $2.771281240e+01, v7;
	v7 =	vld [tilespmem:s23+$0xCE40]  }
0x2e9: {  	[tilespmem:s23+$0xCA60] =	vst v3;
	v3 =	vmul.f32 $2.771281240e+01, v6;
	v6 =	vld [tilespmem:s23+$0xCE50]  }
0x2ea: {  	[tilespmem:s23+$0xCA70] =	vst v4;
	v4 =	vmul.f32 $2.771281240e+01, v5;
	v5 =	vld [tilespmem:s23+$0xCE60]  }
0x2eb: {  	[tilespmem:s23+$0xCE00] =	vst v3;
	v3 =	vmul.f32 $2.771281240e+01, v8;
	v8 =	vld [tilespmem:s23+$0xCE70]  }
0x2ec: {  	[tilespmem:s23+$0xCE10] =	vst v4;
	v4 =	vmul.f32 $2.771281240e+01, v9;
	v9 =	vld [tilespmem:s23+$0xD200]  }
0x2ed: {  	[tilespmem:s23+$0xCE20] =	vst v3;
	v3 =	vmul.f32 $2.771281240e+01, v7;
	v7 =	vld [tilespmem:s23+$0xD210]  }
0x2ee: {  	[tilespmem:s23+$0xCE30] =	vst v4;
	v4 =	vmul.f32 $2.771281240e+01, v6;
	v6 =	vld [tilespmem:s23+$0xD220]  }
0x2ef: {  	[tilespmem:s23+$0xCE40] =	vst v3;
	v3 =	vmul.f32 $2.771281240e+01, v5;
	v5 =	vld [tilespmem:s23+$0xD230]  }
0x2f0: {  	[tilespmem:s23+$0xCE50] =	vst v4;
	v4 =	vmul.f32 $2.771281240e+01, v8;
	v8 =	vld [tilespmem:s23+$0xD240]  }
0x2f1: {  	[tilespmem:s23+$0xCE60] =	vst v3;
	v3 =	vmul.f32 $2.771281240e+01, v9;
	v9 =	vld [tilespmem:s23+$0xD250]  }
0x2f2: {  	[tilespmem:s23+$0xCE70] =	vst v4;
	v4 =	vmul.f32 $2.771281240e+01, v7;
	v7 =	vld [tilespmem:s23+$0xD260]  }
0x2f3: {  	[tilespmem:s23+$0xD200] =	vst v3;
	v3 =	vmul.f32 $2.771281240e+01, v6;
	v6 =	vld [tilespmem:s23+$0xD270]  }
0x2f4: {  	[tilespmem:s23+$0xD210] =	vst v4;
	v4 =	vmul.f32 $2.771281240e+01, v5;
	v5 =	vld [tilespmem:s23+$0xD600]  }
0x2f5: {  	[tilespmem:s23+$0xD220] =	vst v3;
	v3 =	vmul.f32 $2.771281240e+01, v8;
	v8 =	vld [tilespmem:s23+$0xD610]  }
0x2f6: {  	[tilespmem:s23+$0xD230] =	vst v4;
	v4 =	vmul.f32 $2.771281240e+01, v9;
	v9 =	vld [tilespmem:s23+$0xD620]  }
0x2f7: {  	[tilespmem:s23+$0xD240] =	vst v3;
	v3 =	vmul.f32 $2.771281240e+01, v7;
	v7 =	vld [tilespmem:s23+$0xD630]  }
0x2f8: {  	[tilespmem:s23+$0xD250] =	vst v4;
	v4 =	vmul.f32 $2.771281240e+01, v6;
	v6 =	vld [tilespmem:s23+$0xD640]  }
0x2f9: {  	[tilespmem:s23+$0xD260] =	vst v3;
	v3 =	vmul.f32 $2.771281240e+01, v5;
	v5 =	vld [tilespmem:s23+$0xD650]  }
0x2fa: {  	[tilespmem:s23+$0xD270] =	vst v4;
	v4 =	vmul.f32 $2.771281240e+01, v8;
	v8 =	vld [tilespmem:s23+$0xD660]  }
0x2fb: {  	[tilespmem:s23+$0xD600] =	vst v3;
	v3 =	vmul.f32 $2.771281240e+01, v9  }
0x2fc: {  	[tilespmem:s23+$0xD610] =	vst v4;
	v4 =	vmul.f32 $2.771281240e+01, v7  }
0x2fd: {  	[tilespmem:s23+$0xD620] =	vst v3;
	v3 =	vmul.f32 $2.771281240e+01, v6  }
0x2fe: {  	[tilespmem:s23+$0xD630] =	vst v4;
	v4 =	vmul.f32 $2.771281240e+01, v5  }
0x2ff: {  	s22 =	sadd.s32 s11, s21;
	[tilespmem:s23+$0xD640] =	vst v3;
	v3 =	vmul.f32 $2.771281240e+01, v8  }
0x300: {  	s7 =	sshrl.u32 s22, $0x3;
	[tilespmem:s23+$0xD650] =	vst v4  }
0x301: {  	s7 =	sadd.s32 s3, s7;
	[tilespmem:s23+$0xD660] =	vst v3  }
0x302: {  	[hbm4b:s7+s4] =	stream.linear.scatter [tilespmem:s19], [sflag:$0x7], $0x6000, $0x38;
	[tilespmem:$0x18200] =	vst v63  }
0x303: {  	s7 =	simm.s32 @!p0 $0x7  }
0x304: {  	_ =	swait.ge @!p0 [sflag:s7], $0x6000  }
0x305: {  	[sflag:s7] =	ssyncset.done @!p0 $0x0  }
0x306: {  	[sflag:s7] =	ssyncadd.s32 @!p0 $0xFFFFA000  }
0x307: {  	v3 =	vld @!p0 [tilespmem:s20+$0xC0];
	_ =	sdelay $0x4  }
0x308: {  	v4 =	vshrl.u32 @!p0 v3, $0x3  }
0x309: {  	v4 =	vmul.u32 @!p0 $0x30, v4  }
0x30a: {  	v5 =	vlaneseq.u32 @!p0;
	v3 =	vand.u32 @!p0 $0x7, v3  }
0x30b: {  	v6 =	vshrl.u32 @!p0 v5, $0x3;
	v3 =	vor.u32 @!p0 v3, v4;
	v4 =	vand.u32 @!p0 $0x7, v5  }
0x30c: {  	v6 =	vmul.u32 @!p0 $0x8, v6;
	v7 =	vperm.xlane @!p0 v3, v4;
	_ =	sdelay $0x1  }
0x30d: {  	v7 =	vadd.s32 @!p0 v6, v7;
	_ =	sdelay $0x2  }
0x30e: {  	v5 =	vor.u32 @!p0 $0x8, v5  }
0x30f: {  	s21 =	simm.s32 @!p0 $0xC200;
	s7 =	simm.s32 @!p0 $0x0;
	v3 =	vperm.xlane @!p0 v3, v5  }
0x310: {  	[tilespmem:s21], [sflag:$0x3] =	stream.indirect_vreg.gather @!p0 [hbm4b:s1+s7], $0x80, v7, vm1, $0xb8;
	[tilespmem:$0x18200] =	vst v63  }
0x311: {  	v3 =	vadd.s32 @!p0 v6, v3;
	s21 =	simm.s32 @!p0 $0xCA00  }
0x312: {  	[tilespmem:s21], [sflag:$0x3] =	stream.indirect_vreg.gather @!p0 [hbm4b:s8+s7], $0x80, v7, vm1, $0xb8;
	[tilespmem:$0x18200] =	vst v63  }
0x313: {  	s21 =	simm.s32 @!p0 $0xD200  }
0x314: {  	[tilespmem:s21], [sflag:$0x3] =	stream.indirect_vreg.gather @!p0 [hbm4b:s9+s7], $0x80, v7, vm1, $0xb8;
	[tilespmem:$0x18200] =	vst v63  }
0x315: {  	s21 =	simm.s32 @!p0 $0xDA00  }
0x316: {  	[tilespmem:s21], [sflag:$0x3] =	stream.indirect_vreg.gather @!p0 [hbm4b:s1+s7], $0x80, v3, vm1, $0xb8;
	[tilespmem:$0x18200] =	vst v63  }
0x317: {  	s21 =	simm.s32 @!p0 $0xE200  }
0x318: {  	[tilespmem:s21], [sflag:$0x3] =	stream.indirect_vreg.gather @!p0 [hbm4b:s8+s7], $0x80, v3, vm1, $0xb8;
	[tilespmem:$0x18200] =	vst v63  }
0x319: {  	s21 =	simm.s32 @!p0 $0xEA00  }
0x31a: {  	[tilespmem:s21], [sflag:$0x3] =	stream.indirect_vreg.gather @!p0 [hbm4b:s9+s7], $0x80, v3, vm1, $0xb8;
	[tilespmem:$0x18200] =	vst v63  }
0x31b: {  	v3 =	vld @!p0 [tilespmem:s20+$0xD0];
	_ =	sdelay $0x4  }
0x31c: {  	v7 =	vshrl.u32 @!p0 v3, $0x3  }
0x31d: {  	v7 =	vmul.u32 @!p0 $0x30, v7  }
0x31e: {  	v3 =	vand.u32 @!p0 $0x7, v3  }
0x31f: {  	v3 =	vor.u32 @!p0 v3, v7  }
0x320: {  	v4 =	vperm.xlane @!p0 v3, v4;
	_ =	sdelay $0x1  }
0x321: {  	v4 =	vadd.s32 @!p0 v6, v4;
	_ =	sdelay $0x3  }
0x322: {  	s20 =	simm.s32 @!p0 $0xF200;
	v3 =	vperm.xlane @!p0 v3, v5  }
0x323: {  	[tilespmem:s20], [sflag:$0x3] =	stream.indirect_vreg.gather @!p0 [hbm4b:s1+s7], $0x80, v4, vm1, $0xb8;
	[tilespmem:$0x18200] =	vst v63  }
0x324: {  	v3 =	vadd.s32 @!p0 v6, v3;
	s20 =	simm.s32 @!p0 $0xFA00  }
0x325: {  	[tilespmem:s20], [sflag:$0x3] =	stream.indirect_vreg.gather @!p0 [hbm4b:s8+s7], $0x80, v4, vm1, $0xb8;
	[tilespmem:$0x18200] =	vst v63  }
0x326: {  	s20 =	simm.s32 @!p0 $0x10200  }
0x327: {  	[tilespmem:s20], [sflag:$0x3] =	stream.indirect_vreg.gather @!p0 [hbm4b:s9+s7], $0x80, v4, vm1, $0xb8;
	[tilespmem:$0x18200] =	vst v63  }
0x328: {  	s20 =	simm.s32 @!p0 $0x10A00  }
0x329: {  	[tilespmem:s20], [sflag:$0x3] =	stream.indirect_vreg.gather @!p0 [hbm4b:s1+s7], $0x80, v3, vm1, $0xb8;
	[tilespmem:$0x18200] =	vst v63  }
0x32a: {  	s20 =	simm.s32 @!p0 $0x11200  }
0x32b: {  	[tilespmem:s20], [sflag:$0x3] =	stream.indirect_vreg.gather @!p0 [hbm4b:s8+s7], $0x80, v3, vm1, $0xb8;
	[tilespmem:$0x18200] =	vst v63  }
0x32c: {  	s24 =	simm.s32 $0x0;
	s20 =	simm.s32 @!p0 $0x11A00  }
0x32d: {  	[tilespmem:s20], [sflag:$0x3] =	stream.indirect_vreg.gather @!p0 [hbm4b:s9+s7], $0x80, v3, vm1, $0xb8;
	[tilespmem:$0x18200] =	vst v63  }
0x32e: {  	s7 =	smul.u32 $0x6000, s24  }
0x32f: {  	s21 =	simm.s32 $0x0;
	_ =	swait.ge [sflag:s31], $0x6000  }
0x330: {  	s25 =	sand.u32 $0x380, s21;
	[sflag:s31] =	ssyncset.done $0x0;
	s7 =	sshra.s32 s7, $0x2  }
0x331: {  	[sflag:s31] =	ssyncadd.s32 $0xFFFFA000;
	s7 =	sor.u32 s25, s7  }
0x332: {  	v3 =	vld [tilespmem:s7+$0x12200];
	_ =	sdelay $0x4  }
0x333: {  	v3 =	vmul.f32 $2.771281240e+01, v3;
	_ =	sdelay $0x1  }
0x334: {  	s20 =	sadd.s32 $0x12200, s7;
	[tilespmem:s7+$0x12200] =	vst v3  }
0x335: {  	v3 =	vld [tilespmem:s20+$0x30]  }
0x336: {  	v4 =	vld [tilespmem:s20+$0x10]  }
0x337: {  	v5 =	vld [tilespmem:s20+$0x20]  }
0x338: {  	v6 =	vld [tilespmem:s20+$0x40]  }
0x339: {  	v7 =	vld [tilespmem:s20+$0x50]  }
0x33a: {  	v8 =	vld [tilespmem:s20+$0x60];
	v3 =	vmul.f32 $2.771281240e+01, v3  }
0x33b: {  	v9 =	vld [tilespmem:s20+$0x70];
	v4 =	vmul.f32 $2.771281240e+01, v4  }
0x33c: {  	v5 =	vmul.f32 $2.771281240e+01, v5;
	[tilespmem:s20+$0x30] =	vst v3;
	v3 =	vld [tilespmem:s20+$0x400]  }
0x33d: {  	v6 =	vmul.f32 $2.771281240e+01, v6;
	[tilespmem:s20+$0x10] =	vst v4;
	v4 =	vld [tilespmem:s20+$0x410]  }
0x33e: {  	v7 =	vmul.f32 $2.771281240e+01, v7;
	[tilespmem:s20+$0x20] =	vst v5;
	v5 =	vld [tilespmem:s20+$0x420]  }
0x33f: {  	v8 =	vmul.f32 $2.771281240e+01, v8;
	[tilespmem:s20+$0x40] =	vst v6;
	v6 =	vld [tilespmem:s20+$0x430]  }
0x340: {  	v9 =	vmul.f32 $2.771281240e+01, v9;
	[tilespmem:s20+$0x50] =	vst v7;
	v7 =	vld [tilespmem:s20+$0x440]  }
0x341: {  	[tilespmem:s20+$0x60] =	vst v8;
	v8 =	vld [tilespmem:s20+$0x450];
	v3 =	vmul.f32 $2.771281240e+01, v3  }
0x342: {  	[tilespmem:s20+$0x70] =	vst v9;
	v9 =	vld [tilespmem:s20+$0x460];
	v4 =	vmul.f32 $2.771281240e+01, v4  }
0x343: {  	v5 =	vmul.f32 $2.771281240e+01, v5;
	[tilespmem:s20+$0x400] =	vst v3;
	v3 =	vld [tilespmem:s20+$0x470]  }
0x344: {  	v6 =	vmul.f32 $2.771281240e+01, v6;
	[tilespmem:s20+$0x410] =	vst v4;
	v4 =	vld [tilespmem:s20+$0x800]  }
0x345: {  	v7 =	vmul.f32 $2.771281240e+01, v7;
	[tilespmem:s20+$0x420] =	vst v5;
	v5 =	vld [tilespmem:s20+$0x810]  }
0x346: {  	v8 =	vmul.f32 $2.771281240e+01, v8;
	[tilespmem:s20+$0x430] =	vst v6;
	v6 =	vld [tilespmem:s20+$0x820]  }
0x347: {  	v9 =	vmul.f32 $2.771281240e+01, v9;
	[tilespmem:s20+$0x440] =	vst v7;
	v7 =	vld [tilespmem:s20+$0x830]  }
0x348: {  	[tilespmem:s20+$0x450] =	vst v8;
	v8 =	vld [tilespmem:s20+$0x840];
	v3 =	vmul.f32 $2.771281240e+01, v3  }
0x349: {  	[tilespmem:s20+$0x460] =	vst v9;
	v9 =	vld [tilespmem:s20+$0x850];
	v4 =	vmul.f32 $2.771281240e+01, v4  }
0x34a: {  	v5 =	vmul.f32 $2.771281240e+01, v5;
	[tilespmem:s20+$0x470] =	vst v3;
	v3 =	vld [tilespmem:s20+$0x860]  }
0x34b: {  	v6 =	vmul.f32 $2.771281240e+01, v6;
	[tilespmem:s20+$0x800] =	vst v4;
	v4 =	vld [tilespmem:s20+$0x870]  }
0x34c: {  	v7 =	vmul.f32 $2.771281240e+01, v7;
	[tilespmem:s20+$0x810] =	vst v5;
	v5 =	vld [tilespmem:s20+$0xC00]  }
0x34d: {  	v8 =	vmul.f32 $2.771281240e+01, v8;
	[tilespmem:s20+$0x820] =	vst v6;
	v6 =	vld [tilespmem:s20+$0xC10]  }
0x34e: {  	v9 =	vmul.f32 $2.771281240e+01, v9;
	[tilespmem:s20+$0x830] =	vst v7;
	v7 =	vld [tilespmem:s20+$0xC20]  }
0x34f: {  	[tilespmem:s20+$0x840] =	vst v8;
	v8 =	vld [tilespmem:s20+$0xC30];
	v3 =	vmul.f32 $2.771281240e+01, v3  }
0x350: {  	v10 =	vld [tilespmem:s20+$0xC50];
	[tilespmem:s20+$0x850] =	vst v9;
	v4 =	vmul.f32 $2.771281240e+01, v4  }
0x351: {  	v9 =	vld [tilespmem:s20+$0xC40];
	[tilespmem:s20+$0x860] =	vst v3;
	v3 =	vmul.f32 $2.771281240e+01, v5  }
0x352: {  	v11 =	vld [tilespmem:s20+$0xC60];
	[tilespmem:s20+$0x870] =	vst v4;
	v4 =	vmul.f32 $2.771281240e+01, v6  }
0x353: {  	v12 =	vld [tilespmem:s20+$0xC70];
	[tilespmem:s20+$0xC00] =	vst v3;
	v3 =	vmul.f32 $2.771281240e+01, v7  }
0x354: {  	v5 =	vld [tilespmem:s20+$0x1000];
	[tilespmem:s20+$0xC10] =	vst v4;
	v4 =	vmul.f32 $2.771281240e+01, v8  }
0x355: {  	v6 =	vld [tilespmem:s20+$0x1010];
	v8 =	vmul.f32 $2.771281240e+01, v10;
	[tilespmem:s20+$0xC20] =	vst v3  }
0x356: {  	v7 =	vmul.f32 $2.771281240e+01, v9;
	[tilespmem:s20+$0xC30] =	vst v4;
	v3 =	vld [tilespmem:s20+$0x1020]  }
0x357: {  	v4 =	vld [tilespmem:s20+$0x1030];
	[tilespmem:s20+$0xC50] =	vst v8;
	v8 =	vmul.f32 $2.771281240e+01, v11  }
0x358: {  	s22 =	simm.s32 $0x2;
	s23 =	simm.s32 $0x0;
	v9 =	vmul.f32 $2.771281240e+01, v12;
	[tilespmem:s20+$0xC40] =	vst v7;
	v7 =	vld [tilespmem:s20+$0x1040]  }
.LBB2_9:
0x359: {  	p0 =	sne.s32 s22, $0x1F;
	s7 =	smul.u32 $0x6000, s23;
	[tilespmem:s20+$0xC60] =	vst v8;
	v5 =	vmul.f32 $2.771281240e+01, v5;
	v8 =	vld [tilespmem:s20+$0x1050]  }
0x35a: {  	s21 =	sadd.s32 $0x80, s21;
	[tilespmem:s20+$0xC70] =	vst v9;
	v6 =	vmul.f32 $2.771281240e+01, v6;
	v9 =	vld [tilespmem:s20+$0x1060]  }
0x35b: {  	s23 =	sand.u32 $0x380, s21;
	s7 =	sshra.s32 s7, $0x2;
	[tilespmem:s20+$0x1000] =	vst v5;
	v3 =	vmul.f32 $2.771281240e+01, v3;
	v5 =	vld [tilespmem:s20+$0x1070]  }
0x35c: {  	s7 =	sor.u32 s23, s7;
	[tilespmem:s20+$0x1010] =	vst v6;
	v4 =	vmul.f32 $2.771281240e+01, v4;
	v6 =	vld [tilespmem:s20+$0x1400]  }
0x35d: {  	v10 =	vld [tilespmem:s7+$0x12200];
	[tilespmem:s20+$0x1020] =	vst v3;
	v3 =	vmul.f32 $2.771281240e+01, v7  }
0x35e: {  	[tilespmem:s20+$0x1030] =	vst v4;
	v4 =	vmul.f32 $2.771281240e+01, v8;
	v7 =	vld [tilespmem:s20+$0x1410]  }
0x35f: {  	[tilespmem:s20+$0x1040] =	vst v3;
	v3 =	vmul.f32 $2.771281240e+01, v9;
	v8 =	vld [tilespmem:s20+$0x1420]  }
0x360: {  	[tilespmem:s20+$0x1050] =	vst v4;
	v4 =	vmul.f32 $2.771281240e+01, v5;
	v5 =	vld [tilespmem:s20+$0x1430]  }
0x361: {  	[tilespmem:s20+$0x1060] =	vst v3;
	v3 =	vmul.f32 $2.771281240e+01, v6;
	v6 =	vld [tilespmem:s20+$0x1440]  }
0x362: {  	v9 =	vmul.f32 $2.771281240e+01, v10;
	[tilespmem:s20+$0x1070] =	vst v4;
	v4 =	vld [tilespmem:s20+$0x1450]  }
0x363: {  	[tilespmem:s20+$0x1400] =	vst v3;
	v3 =	vmul.f32 $2.771281240e+01, v7;
	v7 =	vld [tilespmem:s20+$0x1460]  }
0x364: {  	s23 =	sadd.s32 $0x12200, s7;
	[tilespmem:s7+$0x12200] =	vst v9;
	v8 =	vmul.f32 $2.771281240e+01, v8;
	v9 =	vld [tilespmem:s20+$0x1470]  }
0x365: {  	v10 =	vld [tilespmem:s23+$0x30];
	[tilespmem:s20+$0x1410] =	vst v3;
	v3 =	vmul.f32 $2.771281240e+01, v5  }
0x366: {  	v5 =	vld [tilespmem:s23+$0x10];
	[tilespmem:s20+$0x1420] =	vst v8;
	v6 =	vmul.f32 $2.771281240e+01, v6  }
0x367: {  	v8 =	vld [tilespmem:s23+$0x20];
	[tilespmem:s20+$0x1430] =	vst v3;
	v3 =	vmul.f32 $2.771281240e+01, v4  }
0x368: {  	v4 =	vld [tilespmem:s23+$0x40];
	[tilespmem:s20+$0x1440] =	vst v6;
	v6 =	vmul.f32 $2.771281240e+01, v7  }
0x369: {  	v7 =	vld [tilespmem:s23+$0x50];
	[tilespmem:s20+$0x1450] =	vst v3;
	v3 =	vmul.f32 $2.771281240e+01, v9  }
0x36a: {  	v9 =	vmul.f32 $2.771281240e+01, v10;
	v10 =	vld [tilespmem:s23+$0x60];
	[tilespmem:s20+$0x1460] =	vst v6  }
0x36b: {  	v5 =	vmul.f32 $2.771281240e+01, v5;
	v6 =	vld [tilespmem:s23+$0x70];
	[tilespmem:s20+$0x1470] =	vst v3;
	s20 =	smov.u32 s23  }
0x36c: {  	v3 =	vmul.f32 $2.771281240e+01, v8;
	[tilespmem:s20+$0x30] =	vst v9;
	v8 =	vld [tilespmem:s20+$0x400]  }
0x36d: {  	[tilespmem:s20+$0x10] =	vst v5;
	v4 =	vmul.f32 $2.771281240e+01, v4;
	v5 =	vld [tilespmem:s20+$0x410]  }
0x36e: {  	[tilespmem:s20+$0x20] =	vst v3;
	v3 =	vmul.f32 $2.771281240e+01, v7;
	v7 =	vld [tilespmem:s20+$0x420]  }
0x36f: {  	[tilespmem:s20+$0x40] =	vst v4;
	v4 =	vmul.f32 $2.771281240e+01, v10;
	v9 =	vld [tilespmem:s20+$0x430]  }
0x370: {  	[tilespmem:s20+$0x50] =	vst v3;
	v3 =	vmul.f32 $2.771281240e+01, v6;
	v6 =	vld [tilespmem:s20+$0x440]  }
0x371: {  	[tilespmem:s20+$0x60] =	vst v4;
	v4 =	vmul.f32 $2.771281240e+01, v8;
	v8 =	vld [tilespmem:s20+$0x450]  }
0x372: {  	[tilespmem:s20+$0x70] =	vst v3;
	v3 =	vmul.f32 $2.771281240e+01, v5;
	v5 =	vld [tilespmem:s20+$0x460]  }
0x373: {  	[tilespmem:s20+$0x400] =	vst v4;
	v4 =	vmul.f32 $2.771281240e+01, v7;
	v7 =	vld [tilespmem:s20+$0x470]  }
0x374: {  	[tilespmem:s20+$0x410] =	vst v3;
	v3 =	vmul.f32 $2.771281240e+01, v9;
	v9 =	vld [tilespmem:s20+$0x800]  }
0x375: {  	[tilespmem:s20+$0x420] =	vst v4;
	v4 =	vmul.f32 $2.771281240e+01, v6;
	v6 =	vld [tilespmem:s20+$0x810]  }
0x376: {  	[tilespmem:s20+$0x430] =	vst v3;
	v3 =	vmul.f32 $2.771281240e+01, v8;
	v8 =	vld [tilespmem:s20+$0x820]  }
0x377: {  	[tilespmem:s20+$0x440] =	vst v4;
	v4 =	vmul.f32 $2.771281240e+01, v5;
	v5 =	vld [tilespmem:s20+$0x830]  }
0x378: {  	[tilespmem:s20+$0x450] =	vst v3;
	v3 =	vmul.f32 $2.771281240e+01, v7;
	v7 =	vld [tilespmem:s20+$0x840]  }
0x379: {  	[tilespmem:s20+$0x460] =	vst v4;
	v4 =	vmul.f32 $2.771281240e+01, v9;
	v9 =	vld [tilespmem:s20+$0x850]  }
0x37a: {  	[tilespmem:s20+$0x470] =	vst v3;
	v3 =	vmul.f32 $2.771281240e+01, v6;
	v6 =	vld [tilespmem:s20+$0x860]  }
0x37b: {  	[tilespmem:s20+$0x800] =	vst v4;
	v4 =	vmul.f32 $2.771281240e+01, v8;
	v8 =	vld [tilespmem:s20+$0x870]  }
0x37c: {  	[tilespmem:s20+$0x810] =	vst v3;
	v3 =	vmul.f32 $2.771281240e+01, v5;
	v5 =	vld [tilespmem:s20+$0xC00]  }
0x37d: {  	[tilespmem:s20+$0x820] =	vst v4;
	v4 =	vmul.f32 $2.771281240e+01, v7;
	v7 =	vld [tilespmem:s20+$0xC10]  }
0x37e: {  	[tilespmem:s20+$0x830] =	vst v3;
	v3 =	vmul.f32 $2.771281240e+01, v9;
	v9 =	vld [tilespmem:s20+$0xC20]  }
0x37f: {  	[tilespmem:s20+$0x840] =	vst v4;
	v4 =	vmul.f32 $2.771281240e+01, v6;
	v6 =	vld [tilespmem:s20+$0xC30]  }
0x380: {  	[tilespmem:s20+$0x850] =	vst v3;
	v3 =	vmul.f32 $2.771281240e+01, v8;
	v8 =	vld [tilespmem:s20+$0xC40]  }
0x381: {  	[tilespmem:s20+$0x860] =	vst v4;
	v4 =	vmul.f32 $2.771281240e+01, v5;
	v10 =	vld [tilespmem:s20+$0xC50]  }
0x382: {  	[tilespmem:s20+$0x870] =	vst v3;
	v3 =	vmul.f32 $2.771281240e+01, v7;
	v7 =	vld [tilespmem:s20+$0xC60]  }
0x383: {  	[tilespmem:s20+$0xC00] =	vst v4;
	v4 =	vmul.f32 $2.771281240e+01, v9;
	v9 =	vld [tilespmem:s20+$0xC70]  }
.Ltmp3:
0x384: {  	[tilespmem:s20+$0xC10] =	vst v3;
	v3 =	vmul.f32 $2.771281240e+01, v6;
	v5 =	vld [tilespmem:s20+$0x1000];
	(pc) =	sbr.rel @p0 .LBB2_9-.Ltmp3, $4  }
0x385: {  	[tilespmem:s20+$0xC20] =	vst v4;
	v4 =	vmul.f32 $2.771281240e+01, v8;
	v6 =	vld [tilespmem:s20+$0x1010]  }
0x386: {  	[tilespmem:s20+$0xC30] =	vst v3;
	v10 =	vmul.f32 $2.771281240e+01, v10;
	v3 =	vld [tilespmem:s20+$0x1020]  }
0x387: {  	[tilespmem:s20+$0xC40] =	vst v4;
	v8 =	vmul.f32 $2.771281240e+01, v7;
	v4 =	vld [tilespmem:s20+$0x1030]  }
0x388: {  	s23 =	sshrl.u32 s22, $0x3;
	s22 =	sadd.s32 $0x1, s22;
	[tilespmem:s20+$0xC50] =	vst v10;
	v9 =	vmul.f32 $2.771281240e+01, v9;
	v7 =	vld [tilespmem:s20+$0x1040]  }
0x389: {  	[tilespmem:s20+$0xC60] =	vst v8;
	v31 =	vld [tilespmem:s20+$0x1050];
	v5 =	vmul.f32 $2.771281240e+01, v5;
	s7 =	smul.u32 $0x6000, s23  }
0x38a: {  	v32 =	vld [tilespmem:s20+$0x1060];
	s21 =	sadd.s32 $0x80, s21;
	[tilespmem:s20+$0xC70] =	vst v9;
	v6 =	vmul.f32 $2.771281240e+01, v6  }
0x38b: {  	v33 =	vld [tilespmem:s20+$0x1070];
	s21 =	sand.u32 $0x380, s21;
	[tilespmem:s20+$0x1000] =	vst v5;
	v3 =	vmul.f32 $2.771281240e+01, v3;
	s7 =	sshra.s32 s7, $0x2  }
0x38c: {  	v34 =	vld [tilespmem:s20+$0x1400];
	[tilespmem:s20+$0x1010] =	vst v6;
	v4 =	vmul.f32 $2.771281240e+01, v4;
	s7 =	sor.u32 s21, s7  }
0x38d: {  	[tilespmem:s20+$0x1020] =	vst v3;
	v3 =	vmul.f32 $2.771281240e+01, v7;
	v37 =	vld [tilespmem:s7+$0x12200]  }
0x38e: {  	v35 =	vld [tilespmem:s20+$0x1410];
	[tilespmem:s20+$0x1030] =	vst v4;
	v36 =	vmul.f32 $2.771281240e+01, v31  }
0x38f: {  	v38 =	vld [tilespmem:s20+$0x1430];
	v9 =	vmul.f32 $2.771281240e+01, v32;
	[tilespmem:s20+$0x1040] =	vst v3  }
0x390: {  	v5 =	vmul.f32 $2.771281240e+01, v33;
	v3 =	vld [tilespmem:s20+$0x1420];
	[tilespmem:s20+$0x1050] =	vst v36  }
0x391: {  	v40 =	vld [tilespmem:s20+$0x1450];
	v6 =	vmul.f32 $2.771281240e+01, v34;
	[tilespmem:s20+$0x1060] =	vst v9  }
0x392: {  	v39 =	vld [tilespmem:s20+$0x1440];
	[tilespmem:s20+$0x1070] =	vst v5;
	v8 =	vmul.f32 $2.771281240e+01, v37  }
0x393: {  	v42 =	vld [tilespmem:s20+$0x1470];
	v4 =	vmul.f32 $2.771281240e+01, v35;
	[tilespmem:s20+$0x1400] =	vst v6  }
0x394: {  	v41 =	vld [tilespmem:s20+$0x1460];
	s21 =	sadd.s32 $0x12200, s7;
	v43 =	vmul.f32 $2.771281240e+01, v38;
	[tilespmem:s7+$0x12200] =	vst v8  }
0x395: {  	[tilespmem:s20+$0x1410] =	vst v4;
	v3 =	vmul.f32 $2.771281240e+01, v3;
	v10 =	vld [tilespmem:s21+$0x30]  }
0x396: {  	v46 =	vmul.f32 $2.771281240e+01, v40;
	[tilespmem:s20+$0x1430] =	vst v43;
	v44 =	vld [tilespmem:s21+$0x10]  }
0x397: {  	v45 =	vld [tilespmem:s21+$0x20];
	[tilespmem:s20+$0x1420] =	vst v3;
	v3 =	vmul.f32 $2.771281240e+01, v39  }
0x398: {  	v49 =	vmul.f32 $2.771281240e+01, v42;
	[tilespmem:s20+$0x1450] =	vst v46;
	v48 =	vld [tilespmem:s21+$0x50]  }
0x399: {  	v47 =	vld [tilespmem:s21+$0x40];
	[tilespmem:s20+$0x1440] =	vst v3;
	v3 =	vmul.f32 $2.771281240e+01, v41  }
0x39a: {  	[tilespmem:s20+$0x1470] =	vst v49;
	v52 =	vld [tilespmem:s21+$0x70];
	v50 =	vmul.f32 $2.771281240e+01, v10  }
0x39b: {  	v51 =	vld [tilespmem:s21+$0x60];
	[tilespmem:s20+$0x1460] =	vst v3;
	v3 =	vmul.f32 $2.771281240e+01, v44  }
0x39c: {  	v55 =	vld [tilespmem:s21+$0x410];
	v53 =	vmul.f32 $2.771281240e+01, v45;
	[tilespmem:s21+$0x30] =	vst v50  }
0x39d: {  	v54 =	vld [tilespmem:s21+$0x400];
	v56 =	vmul.f32 $2.771281240e+01, v48;
	[tilespmem:s21+$0x10] =	vst v3  }
0x39e: {  	v58 =	vld [tilespmem:s21+$0x430];
	v3 =	vmul.f32 $2.771281240e+01, v47;
	[tilespmem:s21+$0x20] =	vst v53  }
0x39f: {  	v57 =	vld [tilespmem:s21+$0x420];
	v59 =	vmul.f32 $2.771281240e+01, v52;
	[tilespmem:s21+$0x50] =	vst v56  }
0x3a0: {  	v61 =	vld [tilespmem:s21+$0x450];
	[tilespmem:s21+$0x40] =	vst v3;
	v3 =	vmul.f32 $2.771281240e+01, v51  }
0x3a1: {  	v60 =	vld [tilespmem:s21+$0x440];
	v62 =	vmul.f32 $2.771281240e+01, v55;
	[tilespmem:s21+$0x70] =	vst v59  }
0x3a2: {  	v12 =	vld [tilespmem:s21+$0x470];
	[tilespmem:s21+$0x60] =	vst v3;
	v3 =	vmul.f32 $2.771281240e+01, v54  }
0x3a3: {  	v63 =	vld [tilespmem:s21+$0x460];
	v13 =	vmul.f32 $2.771281240e+01, v58;
	[tilespmem:s21+$0x410] =	vst v62  }
0x3a4: {  	v15 =	vld [tilespmem:s21+$0x810];
	[tilespmem:s21+$0x400] =	vst v3;
	v3 =	vmul.f32 $2.771281240e+01, v57  }
0x3a5: {  	v14 =	vld [tilespmem:s21+$0x800];
	v16 =	vmul.f32 $2.771281240e+01, v61;
	[tilespmem:s21+$0x430] =	vst v13  }
0x3a6: {  	v18 =	vld [tilespmem:s21+$0x830];
	[tilespmem:s21+$0x420] =	vst v3;
	v3 =	vmul.f32 $2.771281240e+01, v60  }
0x3a7: {  	v17 =	vld [tilespmem:s21+$0x820];
	v19 =	vmul.f32 $2.771281240e+01, v12;
	[tilespmem:s21+$0x450] =	vst v16  }
0x3a8: {  	v21 =	vld [tilespmem:s21+$0x850];
	[tilespmem:s21+$0x440] =	vst v3;
	v3 =	vmul.f32 $2.771281240e+01, v63  }
0x3a9: {  	v20 =	vld [tilespmem:s21+$0x840];
	v22 =	vmul.f32 $2.771281240e+01, v15;
	[tilespmem:s21+$0x470] =	vst v19  }
0x3aa: {  	v24 =	vld [tilespmem:s21+$0x870];
	[tilespmem:s21+$0x460] =	vst v3;
	v3 =	vmul.f32 $2.771281240e+01, v14  }
0x3ab: {  	v23 =	vld [tilespmem:s21+$0x860];
	v25 =	vmul.f32 $2.771281240e+01, v18;
	[tilespmem:s21+$0x810] =	vst v22  }
0x3ac: {  	v27 =	vld [tilespmem:s21+$0xC10];
	[tilespmem:s21+$0x800] =	vst v3;
	v3 =	vmul.f32 $2.771281240e+01, v17  }
0x3ad: {  	v26 =	vld [tilespmem:s21+$0xC00];
	v28 =	vmul.f32 $2.771281240e+01, v21;
	[tilespmem:s21+$0x830] =	vst v25  }
0x3ae: {  	v30 =	vld [tilespmem:s21+$0xC30];
	[tilespmem:s21+$0x820] =	vst v3;
	v3 =	vmul.f32 $2.771281240e+01, v20  }
0x3af: {  	v29 =	vld [tilespmem:s21+$0xC20];
	v31 =	vmul.f32 $2.771281240e+01, v24;
	[tilespmem:s21+$0x850] =	vst v28  }
0x3b0: {  	v33 =	vld [tilespmem:s21+$0xC50];
	[tilespmem:s21+$0x840] =	vst v3;
	v3 =	vmul.f32 $2.771281240e+01, v23  }
0x3b1: {  	v32 =	vld [tilespmem:s21+$0xC40];
	v34 =	vmul.f32 $2.771281240e+01, v27;
	[tilespmem:s21+$0x870] =	vst v31  }
0x3b2: {  	v36 =	vld [tilespmem:s21+$0xC70];
	[tilespmem:s21+$0x860] =	vst v3;
	v3 =	vmul.f32 $2.771281240e+01, v26  }
0x3b3: {  	v35 =	vld [tilespmem:s21+$0xC60];
	v37 =	vmul.f32 $2.771281240e+01, v30;
	[tilespmem:s21+$0xC10] =	vst v34  }
0x3b4: {  	v42 =	vld [tilespmem:s21+$0x1030];
	[tilespmem:s21+$0xC00] =	vst v3;
	v3 =	vmul.f32 $2.771281240e+01, v29  }
0x3b5: {  	v38 =	vld [tilespmem:s21+$0x1000];
	v40 =	vmul.f32 $2.771281240e+01, v33;
	[tilespmem:s21+$0xC30] =	vst v37  }
0x3b6: {  	v39 =	vld [tilespmem:s21+$0x1010];
	[tilespmem:s21+$0xC20] =	vst v3;
	v3 =	vmul.f32 $2.771281240e+01, v32  }
0x3b7: {  	v41 =	vld [tilespmem:s21+$0x1020];
	v43 =	vmul.f32 $2.771281240e+01, v36;
	[tilespmem:s21+$0xC50] =	vst v40  }
0x3b8: {  	v45 =	vld [tilespmem:s21+$0x1050];
	[tilespmem:s21+$0xC40] =	vst v3;
	v3 =	vmul.f32 $2.771281240e+01, v35  }
0x3b9: {  	v44 =	vld [tilespmem:s21+$0x1040];
	v49 =	vmul.f32 $2.771281240e+01, v42;
	[tilespmem:s21+$0xC70] =	vst v43  }
0x3ba: {  	v48 =	vld [tilespmem:s21+$0x1070];
	[tilespmem:s21+$0xC60] =	vst v3;
	v3 =	vmul.f32 $2.771281240e+01, v38  }
0x3bb: {  	v46 =	vmul.f32 $2.771281240e+01, v39;
	v47 =	vld [tilespmem:s21+$0x1060];
	[tilespmem:s21+$0x1030] =	vst v49  }
0x3bc: {  	v51 =	vld [tilespmem:s21+$0x1410];
	[tilespmem:s21+$0x1000] =	vst v3;
	v3 =	vmul.f32 $2.771281240e+01, v41  }
0x3bd: {  	v50 =	vld [tilespmem:s21+$0x1400];
	[tilespmem:s21+$0x1010] =	vst v46;
	v52 =	vmul.f32 $2.771281240e+01, v45  }
0x3be: {  	v54 =	vld [tilespmem:s21+$0x1430];
	[tilespmem:s21+$0x1020] =	vst v3;
	v3 =	vmul.f32 $2.771281240e+01, v44  }
0x3bf: {  	v53 =	vld [tilespmem:s21+$0x1420];
	v55 =	vmul.f32 $2.771281240e+01, v48;
	[tilespmem:s21+$0x1050] =	vst v52  }
0x3c0: {  	v57 =	vld [tilespmem:s21+$0x1450];
	[tilespmem:s21+$0x1040] =	vst v3;
	v3 =	vmul.f32 $2.771281240e+01, v47  }
0x3c1: {  	v56 =	vld [tilespmem:s21+$0x1440];
	[tilespmem:s21+$0x1070] =	vst v55;
	v58 =	vmul.f32 $2.771281240e+01, v51  }
0x3c2: {  	v60 =	vld [tilespmem:s21+$0x1470];
	[tilespmem:s21+$0x1060] =	vst v3;
	v3 =	vmul.f32 $2.771281240e+01, v50  }
0x3c3: {  	s25 =	sshll.u32 s18, $0x5;
	v59 =	vld [tilespmem:s21+$0x1460];
	[tilespmem:s21+$0x1410] =	vst v58;
	v61 =	vmul.f32 $2.771281240e+01, v54  }
0x3c4: {  	s7 =	sadd.s32 s5, s25;
	[tilespmem:s21+$0x1400] =	vst v3;
	v3 =	vmul.f32 $2.771281240e+01, v53  }
0x3c5: {  	s17 =	sadd.s32 $0x1, s17;
	s7 =	sshrl.u32 s7, $0x3;
	[tilespmem:s21+$0x1430] =	vst v61;
	v62 =	vmul.f32 $2.771281240e+01, v57  }
0x3c6: {  	p0 =	sne.s32 s17, $0x4;
	s7 =	smul.u32 $0x1800, s7;
	[tilespmem:s21+$0x1420] =	vst v3;
	v3 =	vmul.f32 $2.771281240e+01, v56  }
.Ltmp4:
0x3c7: {  	[tilespmem:s21+$0x1450] =	vst v62;
	v63 =	vmul.f32 $2.771281240e+01, v60;
	(pc) =	sbr.rel @p0 .LBB2_2-.Ltmp4, $4  }
0x3c8: {  	s7 =	sadd.s32 s6, s7;
	[tilespmem:s21+$0x1440] =	vst v3;
	v3 =	vmul.f32 $2.771281240e+01, v59  }
0x3c9: {  	s7 =	sshrl.u32 s7, $0x3;
	[tilespmem:s21+$0x1470] =	vst v63  }
0x3ca: {  	s7 =	sadd.s32 s3, s7;
	[tilespmem:s21+$0x1460] =	vst v3  }
0x3cb: {  	[hbm4b:s7+s4] =	stream.linear.scatter [tilespmem:s2], [sflag:$0x8], $0x6000, $0x38;
	[tilespmem:$0x18200] =	vst v63  }
0x3cc: {  	_ =	swait.ge [sflag:s0], $0x6000  }
0x3cd: {  	[sflag:s0] =	ssyncset.done $0x0  }
0x3ce: {  	s16 =	sadd.s32 $0x1, s16;
	[sflag:s0] =	ssyncadd.s32 $0xFFFFA000  }
0x3cf: {  	p0 =	sne.s32 s16, s10;
	_ =	swait.ge [sflag:s12], $0x6000  }
.Ltmp5:
0x3d0: {  	[sflag:s12] =	ssyncset.done $0x0;
	(pc) =	sbr.rel @p0 .LBB2_1-.Ltmp5, $4  }
0x3d1: {  	[sflag:s12] =	ssyncadd.s32 $0xFFFFA000  }
0x3d2: {  	_ =	swait.ge [sflag:s15], $0x6000  }
0x3d3: {  	[sflag:s15] =	ssyncset.done $0x0  }
0x3d4: {  	[sflag:s15] =	ssyncadd.s32 $0xFFFFA000  }
0x3d5: {  	_ =	sfence.sel $0x180000  }
0x3d6: {  	[bflag:$0x0] =	sbarrier.arrive $0xFFFF  }
0x3d7: {  	_ =	strace $0x90000047  }
0x3d8: {  	s0 =	stileid.u32;
	[bflag:$0x2] =	sbarrier.arrive $0xFFFF  }
0x3d9: {  	p0 =	sne.s32 s0, $0x0;
	s0 =	rddreg [dreg:$0x3]  }
0x3da: {  	s0 =	sadd.s32 @!p0 $0x100000, s0  }
0x3db: {  	[sflag:s0] =	ssyncadd.tile.s32 @!p0 $0x1;
	_ =	shalt  }
.Lfunc_end2:
_tile_overlayer_lowered:
.L_overlay_start_2:
0x3dc: {  	(tag) =	ssettag $0x2  }
0x3dd: {  	s0 =	rddreg [dreg:$0x0];
	s2 =	stileid.u32  }
0x3de: {  	s1 =	rddreg [dreg:$0x1];
	p0 =	sne.s32 s2, $0x0  }
0x3df: {  	s3 =	rddreg [dreg:$0x2];
	[bflag:$0x3] =	sbarrier.arrive $0xFFFF;
	s2 =	simm.s32 @!p0 $0x1C09  }
0x3e0: {  	[timem:s3], [sflag:s2] =	dma.local @!p0 [hbm:s0], s1  }
0x3e1: {  	s0 =	simm.s32 @!p0 $0x9  }
0x3e2: {  	_ =	swait.ge @!p0 [sflag:s0], s1  }
0x3e3: {  	s1 =	ssub.s32 @!p0 $0x0, s1;
	[sflag:s0] =	ssyncset.done @!p0 $0x0  }
0x3e4: {  	[sflag:s0] =	ssyncadd.s32 @!p0 s1  }
0x3e5: {  	[bflag:$0x3] =	sbarrier.arrive $0xFFFF  }
0x3e6: {  	_ =	shalt  }

</sc_bundles>
